<compile_context>
chip_gen: v7x
topology: tpu7x:2x2x1
jax: 0.10.2.dev20260603
libtpu: 0.0.44.dev20260713+nightly
codegen_flags: <defaults>
</compile_context>

<pallas_src>
import functools

import jax
import jax.numpy as jnp
from jax import lax
from jax.experimental import pallas as pl
from jax.experimental.pallas import tpu as pltpu
from jax.experimental.pallas import tpu_sc as plsc

_NUM_VOCAB = 100000
_MAXLEN = 200
_HID = 64
_BATCH = 4096
_SEQ = 200

_NC = 2
_NS = 16
_NW = _NC * _NS
_BT = _BATCH // 128
_TP = 129


def _body(x_hbm, emb_hbm, pos_hbm, out_hbm, idx_v, pos_v, rows_v, t_v,
          idx_sem, gat_sem, out_sem):
    w = lax.axis_index("s") * _NC + lax.axis_index("c")

    for i in range(_SEQ // 8):
        pltpu.async_copy(x_hbm.at[i, w], idx_v.at[i], idx_sem)
    pltpu.async_copy(pos_hbm, pos_v, gat_sem)
    for i in range(_SEQ // 8):
        pltpu.make_async_copy(x_hbm.at[0, 0], idx_v.at[i], idx_sem).wait()
    pltpu.make_async_copy(pos_hbm, pos_v, gat_sem).wait()

    lane = lax.iota(jnp.int32, 16)

    def issue_gather(s, b):
        pltpu.async_copy(emb_hbm.at[idx_v.at[s // 8, s % 8]], rows_v.at[b],
                         gat_sem)

    def wait_gather(b):
        pltpu.make_async_copy(emb_hbm.at[idx_v.at[0, 0]], rows_v.at[b],
                              gat_sem).wait()

    def issue_out(s, b):
        for ht in range(_HID // 8):
            pltpu.async_copy(t_v.at[b, ht, :, pl.ds(0, 128)],
                             out_hbm.at[s, ht, w], out_sem)

    def wait_out(b):
        for ht in range(_HID // 8):
            pltpu.make_async_copy(t_v.at[b, ht, :, pl.ds(0, 128)],
                                  out_hbm.at[0, 0, 0], out_sem).wait()

    def transpose_add(s, b):
        def tok_body(tok, carry):
            i2 = jnp.full((16,), tok, jnp.int32)
            ib = jnp.full((16,), b, jnp.int32)
            for hq in range(_HID // 16):
                h = hq * 16 + lane
                v = rows_v[b, tok, pl.ds(hq * 16, 16)] + pos_v[s, pl.ds(hq * 16, 16)]
                plsc.store_scatter(t_v, [ib, h // 8, h % 8, i2], v)
            return carry
        lax.fori_loop(0, 128, tok_body, 0)

    issue_gather(0, 0)

    def step(s, carry):
        b = lax.rem(s, 2)
        wait_gather(b)

        @pl.when(s + 1 < _SEQ)
        def _():
            issue_gather(s + 1, 1 - b)

        @pl.when(s >= 2)
        def _():
            wait_out(b)

        transpose_add(s, b)
        issue_out(s, b)
        return carry

    lax.fori_loop(0, _SEQ, step, 0)
    wait_out(0)
    wait_out(1)


@jax.jit
def _embed(x, emb, pos_emb):
    mesh = plsc.VectorSubcoreMesh(core_axis_name="c", subcore_axis_name="s")
    k = pl.kernel(
        _body,
        out_type=jax.ShapeDtypeStruct((_SEQ, _HID // 8, _BT, 8, 128),
                                      jnp.float32),
        mesh=mesh,
        scratch_types=[
            pltpu.VMEM((_SEQ // 8, 8, 128), jnp.int32),
            pltpu.VMEM((_MAXLEN, _HID), jnp.float32),
            pltpu.VMEM((2, 128, _HID), jnp.float32),
            pltpu.VMEM((2, _HID // 8, 8, _TP), jnp.float32),
            pltpu.SemaphoreType.DMA,
            pltpu.SemaphoreType.DMA,
            pltpu.SemaphoreType.DMA,
        ],
        compiler_params=pltpu.CompilerParams(use_tc_tiling_on_sc=False,
                                             needs_layout_passes=False),
    )
    x4 = jnp.transpose(x.astype(jnp.int32).reshape(_BT, 128, _SEQ // 8, 8),
                       (2, 0, 3, 1))
    out5 = k(x4, emb, pos_emb)
    return jnp.transpose(out5, (2, 4, 0, 1, 3)).reshape(_BATCH, _SEQ, _HID)


def kernel(x, emb, pos_emb):
    return _embed(x, emb, pos_emb)

# --- scband reference (transcript-rebuilt; emitter-appended) ---
"""Pipeline reference for scband-token-embedding-26680336842868 (READ-ONLY COPY).

The authoritative reference and input builder live on the scoring server;
editing this copy changes nothing except your own understanding.
"""

import jax, jax.numpy as jnp
import numpy as np

NUM_VOCAB = 100000
MAXLEN = 200
NUM_HID = 64
BATCH = 4096
SEQ = 200

def setup_inputs(seed: int = 0) -> dict:
    key = jax.random.key(seed)
    k1, k2, k3 = jax.random.split(key, 3)
    x = jax.random.randint(k1, (BATCH, SEQ), 0, NUM_VOCAB, dtype=jnp.int64 if jax.config.jax_enable_x64 else jnp.int32)
    emb = jax.random.normal(k2, (NUM_VOCAB, NUM_HID), dtype=jnp.float32)
    pos_emb = jax.random.normal(k3, (MAXLEN, NUM_HID), dtype=jnp.float32)
    return {"x": x, "emb": emb, "pos_emb": pos_emb}

def reference(x, emb, pos_emb):
    # token embedding lookup: [B, S] -> [B, S, H]
    tok = jnp.take(emb, x, axis=0)
    # positional embedding for positions 0..S-1, broadcast over batch
    positions = jnp.arange(0, tok.shape[1])[None, :]  # [1, S]
    pos = jnp.take(pos_emb, positions, axis=0)        # [1, S, H]
    return tok + pos

if __name__ == "__main__":
    import jax
    _d = setup_inputs()
    print(jax.jit(kernel)(*tuple(_d.values())))

</pallas_src>

<mosaic_0001>
#map = affine_map<(d0, d1) -> (0, 0, 0, 0)>
#map1 = affine_map<(d0, d1) -> (0, 0)>
#map2 = affine_map<(d0, d1) -> (0, 0, 0, 0, 0)>
module attributes {stable_mosaic.version = 14 : i64} {
  func.func @_body(%arg0: i32, %arg1: i32, %arg2: memref<25x32x8x128xi32, #tpu.memory_space<hbm>>, %arg3: memref<100000x64xf32, #tpu.memory_space<hbm>>, %arg4: memref<200x64xf32, #tpu.memory_space<hbm>>, %arg5: memref<200x8x32x8x128xf32, #tpu.memory_space<hbm>>, %arg6: memref<25x8x128xi32, #tpu.memory_space<vmem>>, %arg7: memref<200x64xf32, #tpu.memory_space<vmem>>, %arg8: memref<2x128x64xf32, #tpu.memory_space<vmem>>, %arg9: memref<2x8x8x129xf32, #tpu.memory_space<vmem>>, %arg10: memref<!tpu.dma_semaphore, #tpu.memory_space<semaphore_mem>>, %arg11: memref<!tpu.dma_semaphore, #tpu.memory_space<semaphore_mem>>, %arg12: memref<!tpu.dma_semaphore, #tpu.memory_space<semaphore_mem>>) attributes {dimension_semantics = [#tpu.dimension_semantics<core_parallel>, #tpu.dimension_semantics<subcore_parallel>], iteration_bounds = array<i64: 2, 16>, scalar_prefetch = 0 : i64, scratch_operands = 7 : i64, tpu.core_type = #tpu.core_type<sc_vector_subcore>, window_params = [{transform_indices = #map}, {transform_indices = #map1}, {transform_indices = #map1}, {transform_indices = #map2}]} {
    %mul3A = arith.constant 2 : i32
    %mul3A_0 = arith.muli %arg1, %mul3A : i32
    %add3A = arith.addi %mul3A_0, %arg0 : i32
    %dma_start3A = arith.constant 0 : i32
    %dma_start3A_1 = arith.constant 0 : i32
    %dma_start3A_2 = arith.constant 0 : i32
    %dma_start3A_3 = arith.constant 0 : i32
    %dma_start3A_4 = tpu.memref_slice %arg6[%dma_start3A_1, %dma_start3A_2, %dma_start3A_3] : memref<25x8x128xi32, #tpu.memory_space<vmem>> -> memref<1x8x128xi32, #tpu.memory_space<vmem>>
    %dma_start3A_5 = tpu.memref_squeeze %dma_start3A_4 : memref<1x8x128xi32, #tpu.memory_space<vmem>> -> memref<8x128xi32, #tpu.memory_space<vmem>>
    %dma_start3A_6 = arith.constant 0 : i32
    %dma_start3A_7 = arith.constant 0 : i32
    %dma_start3A_8 = tpu.memref_slice %arg2[%dma_start3A, %add3A, %dma_start3A_6, %dma_start3A_7] : memref<25x32x8x128xi32, #tpu.memory_space<hbm>> -> memref<1x1x8x128xi32, #tpu.memory_space<hbm>>
    %dma_start3A_9 = tpu.memref_squeeze %dma_start3A_8 : memref<1x1x8x128xi32, #tpu.memory_space<hbm>> -> memref<8x128xi32, #tpu.memory_space<hbm>>
    %dma_start3A_10 = arith.constant 0 : i32
    %dma_start3A_11 = arith.constant 0 : i32
    %dma_start3A_12 = tpu.memref_slice %arg6[%dma_start3A_1, %dma_start3A_10, %dma_start3A_11] : memref<25x8x128xi32, #tpu.memory_space<vmem>> -> memref<1x8x128xi32, #tpu.memory_space<vmem>>
    %dma_start3A_13 = tpu.memref_squeeze %dma_start3A_12 : memref<1x8x128xi32, #tpu.memory_space<vmem>> -> memref<8x128xi32, #tpu.memory_space<vmem>>
    %dma_start3A_14 = arith.constant 0 : i32
    %dma_start3A_15 = arith.constant 0 : i32
    %dma_start3A_16 = tpu.memref_slice %arg2[%dma_start3A, %add3A, %dma_start3A_14, %dma_start3A_15] : memref<25x32x8x128xi32, #tpu.memory_space<hbm>> -> memref<1x1x8x128xi32, #tpu.memory_space<hbm>>
    %dma_start3A_17 = tpu.memref_squeeze %dma_start3A_16 : memref<1x1x8x128xi32, #tpu.memory_space<hbm>> -> memref<8x128xi32, #tpu.memory_space<hbm>>
    tpu.enqueue_dma source(%dma_start3A_17 : memref<8x128xi32, #tpu.memory_space<hbm>>) target(%dma_start3A_13 : memref<8x128xi32, #tpu.memory_space<vmem>>) target_semaphore(%arg10 : memref<!tpu.dma_semaphore, #tpu.memory_space<semaphore_mem>>)
    %dma_start3A_18 = arith.constant 1 : i32
    %dma_start3A_19 = arith.constant 1 : i32
    %dma_start3A_20 = arith.constant 0 : i32
    %dma_start3A_21 = arith.constant 0 : i32
    %dma_start3A_22 = tpu.memref_slice %arg6[%dma_start3A_19, %dma_start3A_20, %dma_start3A_21] : memref<25x8x128xi32, #tpu.memory_space<vmem>> -> memref<1x8x128xi32, #tpu.memory_space<vmem>>
    %dma_start3A_23 = tpu.memref_squeeze %dma_start3A_22 : memref<1x8x128xi32, #tpu.memory_space<vmem>> -> memref<8x128xi32, #tpu.memory_space<vmem>>
    %dma_start3A_24 = arith.constant 0 : i32
    %dma_start3A_25 = arith.constant 0 : i32
    %dma_start3A_26 = tpu.memref_slice %arg2[%dma_start3A_18, %add3A, %dma_start3A_24, %dma_start3A_25] : memref<25x32x8x128xi32, #tpu.memory_space<hbm>> -> memref<1x1x8x128xi32, #tpu.memory_space<hbm>>
    %dma_start3A_27 = tpu.memref_squeeze %dma_start3A_26 : memref<1x1x8x128xi32, #tpu.memory_space<hbm>> -> memref<8x128xi32, #tpu.memory_space<hbm>>
    %dma_start3A_28 = arith.constant 0 : i32
    %dma_start3A_29 = arith.constant 0 : i32
    %dma_start3A_30 = tpu.memref_slice %arg6[%dma_start3A_19, %dma_start3A_28, %dma_start3A_29] : memref<25x8x128xi32, #tpu.memory_space<vmem>> -> memref<1x8x128xi32, #tpu.memory_space<vmem>>
    %dma_start3A_31 = tpu.memref_squeeze %dma_start3A_30 : memref<1x8x128xi32, #tpu.memory_space<vmem>> -> memref<8x128xi32, #tpu.memory_space<vmem>>
    %dma_start3A_32 = arith.constant 0 : i32
    %dma_start3A_33 = arith.constant 0 : i32
    %dma_start3A_34 = tpu.memref_slice %arg2[%dma_start3A_18, %add3A, %dma_start3A_32, %dma_start3A_33] : memref<25x32x8x128xi32, #tpu.memory_space<hbm>> -> memref<1x1x8x128xi32, #tpu.memory_space<hbm>>
    %dma_start3A_35 = tpu.memref_squeeze %dma_start3A_34 : memref<1x1x8x128xi32, #tpu.memory_space<hbm>> -> memref<8x128xi32, #tpu.memory_space<hbm>>
    tpu.enqueue_dma source(%dma_start3A_35 : memref<8x128xi32, #tpu.memory_space<hbm>>) target(%dma_start3A_31 : memref<8x128xi32, #tpu.memory_space<vmem>>) target_semaphore(%arg10 : memref<!tpu.dma_semaphore, #tpu.memory_space<semaphore_mem>>)
    %dma_start3A_36 = arith.constant 2 : i32
    %dma_start3A_37 = arith.constant 2 : i32
    %dma_start3A_38 = arith.constant 0 : i32
    %dma_start3A_39 = arith.constant 0 : i32
    %dma_start3A_40 = tpu.memref_slice %arg6[%dma_start3A_37, %dma_start3A_38, %dma_start3A_39] : memref<25x8x128xi32, #tpu.memory_space<vmem>> -> memref<1x8x128xi32, #tpu.memory_space<vmem>>
    %dma_start3A_41 = tpu.memref_squeeze %dma_start3A_40 : memref<1x8x128xi32, #tpu.memory_space<vmem>> -> memref<8x128xi32, #tpu.memory_space<vmem>>
    %dma_start3A_42 = arith.constant 0 : i32
    %dma_start3A_43 = arith.constant 0 : i32
    %dma_start3A_44 = tpu.memref_slice %arg2[%dma_start3A_36, %add3A, %dma_start3A_42, %dma_start3A_43] : memref<25x32x8x128xi32, #tpu.memory_space<hbm>> -> memref<1x1x8x128xi32, #tpu.memory_space<hbm>>
    %dma_start3A_45 = tpu.memref_squeeze %dma_start3A_44 : memref<1x1x8x128xi32, #tpu.memory_space<hbm>> -> memref<8x128xi32, #tpu.memory_space<hbm>>
    %dma_start3A_46 = arith.constant 0 : i32
    %dma_start3A_47 = arith.constant 0 : i32
    %dma_start3A_48 = tpu.memref_slice %arg6[%dma_start3A_37, %dma_start3A_46, %dma_start3A_47] : memref<25x8x128xi32, #tpu.memory_space<vmem>> -> memref<1x8x128xi32, #tpu.memory_space<vmem>>
    %dma_start3A_49 = tpu.memref_squeeze %dma_start3A_48 : memref<1x8x128xi32, #tpu.memory_space<vmem>> -> memref<8x128xi32, #tpu.memory_space<vmem>>
    %dma_start3A_50 = arith.constant 0 : i32
    %dma_start3A_51 = arith.constant 0 : i32
    %dma_start3A_52 = tpu.memref_slice %arg2[%dma_start3A_36, %add3A, %dma_start3A_50, %dma_start3A_51] : memref<25x32x8x128xi32, #tpu.memory_space<hbm>> -> memref<1x1x8x128xi32, #tpu.memory_space<hbm>>
    %dma_start3A_53 = tpu.memref_squeeze %dma_start3A_52 : memref<1x1x8x128xi32, #tpu.memory_space<hbm>> -> memref<8x128xi32, #tpu.memory_space<hbm>>
    tpu.enqueue_dma source(%dma_start3A_53 : memref<8x128xi32, #tpu.memory_space<hbm>>) target(%dma_start3A_49 : memref<8x128xi32, #tpu.memory_space<vmem>>) target_semaphore(%arg10 : memref<!tpu.dma_semaphore, #tpu.memory_space<semaphore_mem>>)
    %dma_start3A_54 = arith.constant 3 : i32
    %dma_start3A_55 = arith.constant 3 : i32
    %dma_start3A_56 = arith.constant 0 : i32
    %dma_start3A_57 = arith.constant 0 : i32
    %dma_start3A_58 = tpu.memref_slice %arg6[%dma_start3A_55, %dma_start3A_56, %dma_start3A_57] : memref<25x8x128xi32, #tpu.memory_space<vmem>> -> memref<1x8x128xi32, #tpu.memory_space<vmem>>
    %dma_start3A_59 = tpu.memref_squeeze %dma_start3A_58 : memref<1x8x128xi32, #tpu.memory_space<vmem>> -> memref<8x128xi32, #tpu.memory_space<vmem>>
    %dma_start3A_60 = arith.constant 0 : i32
    %dma_start3A_61 = arith.constant 0 : i32
    %dma_start3A_62 = tpu.memref_slice %arg2[%dma_start3A_54, %add3A, %dma_start3A_60, %dma_start3A_61] : memref<25x32x8x128xi32, #tpu.memory_space<hbm>> -> memref<1x1x8x128xi32, #tpu.memory_space<hbm>>
    %dma_start3A_63 = tpu.memref_squeeze %dma_start3A_62 : memref<1x1x8x128xi32, #tpu.memory_space<hbm>> -> memref<8x128xi32, #tpu.memory_space<hbm>>
    %dma_start3A_64 = arith.constant 0 : i32
    %dma_start3A_65 = arith.constant 0 : i32
    %dma_start3A_66 = tpu.memref_slice %arg6[%dma_start3A_55, %dma_start3A_64, %dma_start3A_65] : memref<25x8x128xi32, #tpu.memory_space<vmem>> -> memref<1x8x128xi32, #tpu.memory_space<vmem>>
    %dma_start3A_67 = tpu.memref_squeeze %dma_start3A_66 : memref<1x8x128xi32, #tpu.memory_space<vmem>> -> memref<8x128xi32, #tpu.memory_space<vmem>>
    %dma_start3A_68 = arith.constant 0 : i32
    %dma_start3A_69 = arith.constant 0 : i32
    %dma_start3A_70 = tpu.memref_slice %arg2[%dma_start3A_54, %add3A, %dma_start3A_68, %dma_start3A_69] : memref<25x32x8x128xi32, #tpu.memory_space<hbm>> -> memref<1x1x8x128xi32, #tpu.memory_space<hbm>>
    %dma_start3A_71 = tpu.memref_squeeze %dma_start3A_70 : memref<1x1x8x128xi32, #tpu.memory_space<hbm>> -> memref<8x128xi32, #tpu.memory_space<hbm>>
    tpu.enqueue_dma source(%dma_start3A_71 : memref<8x128xi32, #tpu.memory_space<hbm>>) target(%dma_start3A_67 : memref<8x128xi32, #tpu.memory_space<vmem>>) target_semaphore(%arg10 : memref<!tpu.dma_semaphore, #tpu.memory_space<semaphore_mem>>)
    %dma_start3A_72 = arith.constant 4 : i32
    %dma_start3A_73 = arith.constant 4 : i32
    %dma_start3A_74 = arith.constant 0 : i32
    %dma_start3A_75 = arith.constant 0 : i32
    %dma_start3A_76 = tpu.memref_slice %arg6[%dma_start3A_73, %dma_start3A_74, %dma_start3A_75] : memref<25x8x128xi32, #tpu.memory_space<vmem>> -> memref<1x8x128xi32, #tpu.memory_space<vmem>>
    %dma_start3A_77 = tpu.memref_squeeze %dma_start3A_76 : memref<1x8x128xi32, #tpu.memory_space<vmem>> -> memref<8x128xi32, #tpu.memory_space<vmem>>
    %dma_start3A_78 = arith.constant 0 : i32
    %dma_start3A_79 = arith.constant 0 : i32
    %dma_start3A_80 = tpu.memref_slice %arg2[%dma_start3A_72, %add3A, %dma_start3A_78, %dma_start3A_79] : memref<25x32x8x128xi32, #tpu.memory_space<hbm>> -> memref<1x1x8x128xi32, #tpu.memory_space<hbm>>
    %dma_start3A_81 = tpu.memref_squeeze %dma_start3A_80 : memref<1x1x8x128xi32, #tpu.memory_space<hbm>> -> memref<8x128xi32, #tpu.memory_space<hbm>>
    %dma_start3A_82 = arith.constant 0 : i32
    %dma_start3A_83 = arith.constant 0 : i32
    %dma_start3A_84 = tpu.memref_slice %arg6[%dma_start3A_73, %dma_start3A_82, %dma_start3A_83] : memref<25x8x128xi32, #tpu.memory_space<vmem>> -> memref<1x8x128xi32, #tpu.memory_space<vmem>>
    %dma_start3A_85 = tpu.memref_squeeze %dma_start3A_84 : memref<1x8x128xi32, #tpu.memory_space<vmem>> -> memref<8x128xi32, #tpu.memory_space<vmem>>
    %dma_start3A_86 = arith.constant 0 : i32
    %dma_start3A_87 = arith.constant 0 : i32
    %dma_start3A_88 = tpu.memref_slice %arg2[%dma_start3A_72, %add3A, %dma_start3A_86, %dma_start3A_87] : memref<25x32x8x128xi32, #tpu.memory_space<hbm>> -> memref<1x1x8x128xi32, #tpu.memory_space<hbm>>
    %dma_start3A_89 = tpu.memref_squeeze %dma_start3A_88 : memref<1x1x8x128xi32, #tpu.memory_space<hbm>> -> memref<8x128xi32, #tpu.memory_space<hbm>>
    tpu.enqueue_dma source(%dma_start3A_89 : memref<8x128xi32, #tpu.memory_space<hbm>>) target(%dma_start3A_85 : memref<8x128xi32, #tpu.memory_space<vmem>>) target_semaphore(%arg10 : memref<!tpu.dma_semaphore, #tpu.memory_space<semaphore_mem>>)
    %dma_start3A_90 = arith.constant 5 : i32
    %dma_start3A_91 = arith.constant 5 : i32
    %dma_start3A_92 = arith.constant 0 : i32
    %dma_start3A_93 = arith.constant 0 : i32
    %dma_start3A_94 = tpu.memref_slice %arg6[%dma_start3A_91, %dma_start3A_92, %dma_start3A_93] : memref<25x8x128xi32, #tpu.memory_space<vmem>> -> memref<1x8x128xi32, #tpu.memory_space<vmem>>
    %dma_start3A_95 = tpu.memref_squeeze %dma_start3A_94 : memref<1x8x128xi32, #tpu.memory_space<vmem>> -> memref<8x128xi32, #tpu.memory_space<vmem>>
    %dma_start3A_96 = arith.constant 0 : i32
    %dma_start3A_97 = arith.constant 0 : i32
    %dma_start3A_98 = tpu.memref_slice %arg2[%dma_start3A_90, %add3A, %dma_start3A_96, %dma_start3A_97] : memref<25x32x8x128xi32, #tpu.memory_space<hbm>> -> memref<1x1x8x128xi32, #tpu.memory_space<hbm>>
    %dma_start3A_99 = tpu.memref_squeeze %dma_start3A_98 : memref<1x1x8x128xi32, #tpu.memory_space<hbm>> -> memref<8x128xi32, #tpu.memory_space<hbm>>
    %dma_start3A_100 = arith.constant 0 : i32
    %dma_start3A_101 = arith.constant 0 : i32
    %dma_start3A_102 = tpu.memref_slice %arg6[%dma_start3A_91, %dma_start3A_100, %dma_start3A_101] : memref<25x8x128xi32, #tpu.memory_space<vmem>> -> memref<1x8x128xi32, #tpu.memory_space<vmem>>
    %dma_start3A_103 = tpu.memref_squeeze %dma_start3A_102 : memref<1x8x128xi32, #tpu.memory_space<vmem>> -> memref<8x128xi32, #tpu.memory_space<vmem>>
    %dma_start3A_104 = arith.constant 0 : i32
    %dma_start3A_105 = arith.constant 0 : i32
    %dma_start3A_106 = tpu.memref_slice %arg2[%dma_start3A_90, %add3A, %dma_start3A_104, %dma_start3A_105] : memref<25x32x8x128xi32, #tpu.memory_space<hbm>> -> memref<1x1x8x128xi32, #tpu.memory_space<hbm>>
    %dma_start3A_107 = tpu.memref_squeeze %dma_start3A_106 : memref<1x1x8x128xi32, #tpu.memory_space<hbm>> -> memref<8x128xi32, #tpu.memory_space<hbm>>
    tpu.enqueue_dma source(%dma_start3A_107 : memref<8x128xi32, #tpu.memory_space<hbm>>) target(%dma_start3A_103 : memref<8x128xi32, #tpu.memory_space<vmem>>) target_semaphore(%arg10 : memref<!tpu.dma_semaphore, #tpu.memory_space<semaphore_mem>>)
    %dma_start3A_108 = arith.constant 6 : i32
    %dma_start3A_109 = arith.constant 6 : i32
    %dma_start3A_110 = arith.constant 0 : i32
    %dma_start3A_111 = arith.constant 0 : i32
    %dma_start3A_112 = tpu.memref_slice %arg6[%dma_start3A_109, %dma_start3A_110, %dma_start3A_111] : memref<25x8x128xi32, #tpu.memory_space<vmem>> -> memref<1x8x128xi32, #tpu.memory_space<vmem>>
    %dma_start3A_113 = tpu.memref_squeeze %dma_start3A_112 : memref<1x8x128xi32, #tpu.memory_space<vmem>> -> memref<8x128xi32, #tpu.memory_space<vmem>>
    %dma_start3A_114 = arith.constant 0 : i32
    %dma_start3A_115 = arith.constant 0 : i32
    %dma_start3A_116 = tpu.memref_slice %arg2[%dma_start3A_108, %add3A, %dma_start3A_114, %dma_start3A_115] : memref<25x32x8x128xi32, #tpu.memory_space<hbm>> -> memref<1x1x8x128xi32, #tpu.memory_space<hbm>>
    %dma_start3A_117 = tpu.memref_squeeze %dma_start3A_116 : memref<1x1x8x128xi32, #tpu.memory_space<hbm>> -> memref<8x128xi32, #tpu.memory_space<hbm>>
    %dma_start3A_118 = arith.constant 0 : i32
    %dma_start3A_119 = arith.constant 0 : i32
    %dma_start3A_120 = tpu.memref_slice %arg6[%dma_start3A_109, %dma_start3A_118, %dma_start3A_119] : memref<25x8x128xi32, #tpu.memory_space<vmem>> -> memref<1x8x128xi32, #tpu.memory_space<vmem>>
    %dma_start3A_121 = tpu.memref_squeeze %dma_start3A_120 : memref<1x8x128xi32, #tpu.memory_space<vmem>> -> memref<8x128xi32, #tpu.memory_space<vmem>>
    %dma_start3A_122 = arith.constant 0 : i32
    %dma_start3A_123 = arith.constant 0 : i32
    %dma_start3A_124 = tpu.memref_slice %arg2[%dma_start3A_108, %add3A, %dma_start3A_122, %dma_start3A_123] : memref<25x32x8x128xi32, #tpu.memory_space<hbm>> -> memref<1x1x8x128xi32, #tpu.memory_space<hbm>>
    %dma_start3A_125 = tpu.memref_squeeze %dma_start3A_124 : memref<1x1x8x128xi32, #tpu.memory_space<hbm>> -> memref<8x128xi32, #tpu.memory_space<hbm>>
    tpu.enqueue_dma source(%dma_start3A_125 : memref<8x128xi32, #tpu.memory_space<hbm>>) target(%dma_start3A_121 : memref<8x128xi32, #tpu.memory_space<vmem>>) target_semaphore(%arg10 : memref<!tpu.dma_semaphore, #tpu.memory_space<semaphore_mem>>)
    %dma_start3A_126 = arith.constant 7 : i32
    %dma_start3A_127 = arith.constant 7 : i32
    %dma_start3A_128 = arith.constant 0 : i32
    %dma_start3A_129 = arith.constant 0 : i32
    %dma_start3A_130 = tpu.memref_slice %arg6[%dma_start3A_127, %dma_start3A_128, %dma_start3A_129] : memref<25x8x128xi32, #tpu.memory_space<vmem>> -> memref<1x8x128xi32, #tpu.memory_space<vmem>>
    %dma_start3A_131 = tpu.memref_squeeze %dma_start3A_130 : memref<1x8x128xi32, #tpu.memory_space<vmem>> -> memref<8x128xi32, #tpu.memory_space<vmem>>
    %dma_start3A_132 = arith.constant 0 : i32
    %dma_start3A_133 = arith.constant 0 : i32
    %dma_start3A_134 = tpu.memref_slice %arg2[%dma_start3A_126, %add3A, %dma_start3A_132, %dma_start3A_133] : memref<25x32x8x128xi32, #tpu.memory_space<hbm>> -> memref<1x1x8x128xi32, #tpu.memory_space<hbm>>
    %dma_start3A_135 = tpu.memref_squeeze %dma_start3A_134 : memref<1x1x8x128xi32, #tpu.memory_space<hbm>> -> memref<8x128xi32, #tpu.memory_space<hbm>>
    %dma_start3A_136 = arith.constant 0 : i32
    %dma_start3A_137 = arith.constant 0 : i32
    %dma_start3A_138 = tpu.memref_slice %arg6[%dma_start3A_127, %dma_start3A_136, %dma_start3A_137] : memref<25x8x128xi32, #tpu.memory_space<vmem>> -> memref<1x8x128xi32, #tpu.memory_space<vmem>>
    %dma_start3A_139 = tpu.memref_squeeze %dma_start3A_138 : memref<1x8x128xi32, #tpu.memory_space<vmem>> -> memref<8x128xi32, #tpu.memory_space<vmem>>
    %dma_start3A_140 = arith.constant 0 : i32
    %dma_start3A_141 = arith.constant 0 : i32
    %dma_start3A_142 = tpu.memref_slice %arg2[%dma_start3A_126, %add3A, %dma_start3A_140, %dma_start3A_141] : memref<25x32x8x128xi32, #tpu.memory_space<hbm>> -> memref<1x1x8x128xi32, #tpu.memory_space<hbm>>
    %dma_start3A_143 = tpu.memref_squeeze %dma_start3A_142 : memref<1x1x8x128xi32, #tpu.memory_space<hbm>> -> memref<8x128xi32, #tpu.memory_space<hbm>>
    tpu.enqueue_dma source(%dma_start3A_143 : memref<8x128xi32, #tpu.memory_space<hbm>>) target(%dma_start3A_139 : memref<8x128xi32, #tpu.memory_space<vmem>>) target_semaphore(%arg10 : memref<!tpu.dma_semaphore, #tpu.memory_space<semaphore_mem>>)
    %dma_start3A_144 = arith.constant 8 : i32
    %dma_start3A_145 = arith.constant 8 : i32
    %dma_start3A_146 = arith.constant 0 : i32
    %dma_start3A_147 = arith.constant 0 : i32
    %dma_start3A_148 = tpu.memref_slice %arg6[%dma_start3A_145, %dma_start3A_146, %dma_start3A_147] : memref<25x8x128xi32, #tpu.memory_space<vmem>> -> memref<1x8x128xi32, #tpu.memory_space<vmem>>
    %dma_start3A_149 = tpu.memref_squeeze %dma_start3A_148 : memref<1x8x128xi32, #tpu.memory_space<vmem>> -> memref<8x128xi32, #tpu.memory_space<vmem>>
    %dma_start3A_150 = arith.constant 0 : i32
    %dma_start3A_151 = arith.constant 0 : i32
    %dma_start3A_152 = tpu.memref_slice %arg2[%dma_start3A_144, %add3A, %dma_start3A_150, %dma_start3A_151] : memref<25x32x8x128xi32, #tpu.memory_space<hbm>> -> memref<1x1x8x128xi32, #tpu.memory_space<hbm>>
    %dma_start3A_153 = tpu.memref_squeeze %dma_start3A_152 : memref<1x1x8x128xi32, #tpu.memory_space<hbm>> -> memref<8x128xi32, #tpu.memory_space<hbm>>
    %dma_start3A_154 = arith.constant 0 : i32
    %dma_start3A_155 = arith.constant 0 : i32
    %dma_start3A_156 = tpu.memref_slice %arg6[%dma_start3A_145, %dma_start3A_154, %dma_start3A_155] : memref<25x8x128xi32, #tpu.memory_space<vmem>> -> memref<1x8x128xi32, #tpu.memory_space<vmem>>
    %dma_start3A_157 = tpu.memref_squeeze %dma_start3A_156 : memref<1x8x128xi32, #tpu.memory_space<vmem>> -> memref<8x128xi32, #tpu.memory_space<vmem>>
    %dma_start3A_158 = arith.constant 0 : i32
    %dma_start3A_159 = arith.constant 0 : i32
    %dma_start3A_160 = tpu.memref_slice %arg2[%dma_start3A_144, %add3A, %dma_start3A_158, %dma_start3A_159] : memref<25x32x8x128xi32, #tpu.memory_space<hbm>> -> memref<1x1x8x128xi32, #tpu.memory_space<hbm>>
    %dma_start3A_161 = tpu.memref_squeeze %dma_start3A_160 : memref<1x1x8x128xi32, #tpu.memory_space<hbm>> -> memref<8x128xi32, #tpu.memory_space<hbm>>
    tpu.enqueue_dma source(%dma_start3A_161 : memref<8x128xi32, #tpu.memory_space<hbm>>) target(%dma_start3A_157 : memref<8x128xi32, #tpu.memory_space<vmem>>) target_semaphore(%arg10 : memref<!tpu.dma_semaphore, #tpu.memory_space<semaphore_mem>>)
    %dma_start3A_162 = arith.constant 9 : i32
    %dma_start3A_163 = arith.constant 9 : i32
    %dma_start3A_164 = arith.constant 0 : i32
    %dma_start3A_165 = arith.constant 0 : i32
    %dma_start3A_166 = tpu.memref_slice %arg6[%dma_start3A_163, %dma_start3A_164, %dma_start3A_165] : memref<25x8x128xi32, #tpu.memory_space<vmem>> -> memref<1x8x128xi32, #tpu.memory_space<vmem>>
    %dma_start3A_167 = tpu.memref_squeeze %dma_start3A_166 : memref<1x8x128xi32, #tpu.memory_space<vmem>> -> memref<8x128xi32, #tpu.memory_space<vmem>>
    %dma_start3A_168 = arith.constant 0 : i32
    %dma_start3A_169 = arith.constant 0 : i32
    %dma_start3A_170 = tpu.memref_slice %arg2[%dma_start3A_162, %add3A, %dma_start3A_168, %dma_start3A_169] : memref<25x32x8x128xi32, #tpu.memory_space<hbm>> -> memref<1x1x8x128xi32, #tpu.memory_space<hbm>>
    %dma_start3A_171 = tpu.memref_squeeze %dma_start3A_170 : memref<1x1x8x128xi32, #tpu.memory_space<hbm>> -> memref<8x128xi32, #tpu.memory_space<hbm>>
    %dma_start3A_172 = arith.constant 0 : i32
    %dma_start3A_173 = arith.constant 0 : i32
    %dma_start3A_174 = tpu.memref_slice %arg6[%dma_start3A_163, %dma_start3A_172, %dma_start3A_173] : memref<25x8x128xi32, #tpu.memory_space<vmem>> -> memref<1x8x128xi32, #tpu.memory_space<vmem>>
    %dma_start3A_175 = tpu.memref_squeeze %dma_start3A_174 : memref<1x8x128xi32, #tpu.memory_space<vmem>> -> memref<8x128xi32, #tpu.memory_space<vmem>>
    %dma_start3A_176 = arith.constant 0 : i32
    %dma_start3A_177 = arith.constant 0 : i32
    %dma_start3A_178 = tpu.memref_slice %arg2[%dma_start3A_162, %add3A, %dma_start3A_176, %dma_start3A_177] : memref<25x32x8x128xi32, #tpu.memory_space<hbm>> -> memref<1x1x8x128xi32, #tpu.memory_space<hbm>>
    %dma_start3A_179 = tpu.memref_squeeze %dma_start3A_178 : memref<1x1x8x128xi32, #tpu.memory_space<hbm>> -> memref<8x128xi32, #tpu.memory_space<hbm>>
    tpu.enqueue_dma source(%dma_start3A_179 : memref<8x128xi32, #tpu.memory_space<hbm>>) target(%dma_start3A_175 : memref<8x128xi32, #tpu.memory_space<vmem>>) target_semaphore(%arg10 : memref<!tpu.dma_semaphore, #tpu.memory_space<semaphore_mem>>)
    %dma_start3A_180 = arith.constant 10 : i32
    %dma_start3A_181 = arith.constant 10 : i32
    %dma_start3A_182 = arith.constant 0 : i32
    %dma_start3A_183 = arith.constant 0 : i32
    %dma_start3A_184 = tpu.memref_slice %arg6[%dma_start3A_181, %dma_start3A_182, %dma_start3A_183] : memref<25x8x128xi32, #tpu.memory_space<vmem>> -> memref<1x8x128xi32, #tpu.memory_space<vmem>>
    %dma_start3A_185 = tpu.memref_squeeze %dma_start3A_184 : memref<1x8x128xi32, #tpu.memory_space<vmem>> -> memref<8x128xi32, #tpu.memory_space<vmem>>
    %dma_start3A_186 = arith.constant 0 : i32
    %dma_start3A_187 = arith.constant 0 : i32
    %dma_start3A_188 = tpu.memref_slice %arg2[%dma_start3A_180, %add3A, %dma_start3A_186, %dma_start3A_187] : memref<25x32x8x128xi32, #tpu.memory_space<hbm>> -> memref<1x1x8x128xi32, #tpu.memory_space<hbm>>
    %dma_start3A_189 = tpu.memref_squeeze %dma_start3A_188 : memref<1x1x8x128xi32, #tpu.memory_space<hbm>> -> memref<8x128xi32, #tpu.memory_space<hbm>>
    %dma_start3A_190 = arith.constant 0 : i32
    %dma_start3A_191 = arith.constant 0 : i32
    %dma_start3A_192 = tpu.memref_slice %arg6[%dma_start3A_181, %dma_start3A_190, %dma_start3A_191] : memref<25x8x128xi32, #tpu.memory_space<vmem>> -> memref<1x8x128xi32, #tpu.memory_space<vmem>>
    %dma_start3A_193 = tpu.memref_squeeze %dma_start3A_192 : memref<1x8x128xi32, #tpu.memory_space<vmem>> -> memref<8x128xi32, #tpu.memory_space<vmem>>
    %dma_start3A_194 = arith.constant 0 : i32
    %dma_start3A_195 = arith.constant 0 : i32
    %dma_start3A_196 = tpu.memref_slice %arg2[%dma_start3A_180, %add3A, %dma_start3A_194, %dma_start3A_195] : memref<25x32x8x128xi32, #tpu.memory_space<hbm>> -> memref<1x1x8x128xi32, #tpu.memory_space<hbm>>
    %dma_start3A_197 = tpu.memref_squeeze %dma_start3A_196 : memref<1x1x8x128xi32, #tpu.memory_space<hbm>> -> memref<8x128xi32, #tpu.memory_space<hbm>>
    tpu.enqueue_dma source(%dma_start3A_197 : memref<8x128xi32, #tpu.memory_space<hbm>>) target(%dma_start3A_193 : memref<8x128xi32, #tpu.memory_space<vmem>>) target_semaphore(%arg10 : memref<!tpu.dma_semaphore, #tpu.memory_space<semaphore_mem>>)
    %dma_start3A_198 = arith.constant 11 : i32
    %dma_start3A_199 = arith.constant 11 : i32
    %dma_start3A_200 = arith.constant 0 : i32
    %dma_start3A_201 = arith.constant 0 : i32
    %dma_start3A_202 = tpu.memref_slice %arg6[%dma_start3A_199, %dma_start3A_200, %dma_start3A_201] : memref<25x8x128xi32, #tpu.memory_space<vmem>> -> memref<1x8x128xi32, #tpu.memory_space<vmem>>
    %dma_start3A_203 = tpu.memref_squeeze %dma_start3A_202 : memref<1x8x128xi32, #tpu.memory_space<vmem>> -> memref<8x128xi32, #tpu.memory_space<vmem>>
    %dma_start3A_204 = arith.constant 0 : i32
    %dma_start3A_205 = arith.constant 0 : i32
    %dma_start3A_206 = tpu.memref_slice %arg2[%dma_start3A_198, %add3A, %dma_start3A_204, %dma_start3A_205] : memref<25x32x8x128xi32, #tpu.memory_space<hbm>> -> memref<1x1x8x128xi32, #tpu.memory_space<hbm>>
    %dma_start3A_207 = tpu.memref_squeeze %dma_start3A_206 : memref<1x1x8x128xi32, #tpu.memory_space<hbm>> -> memref<8x128xi32, #tpu.memory_space<hbm>>
    %dma_start3A_208 = arith.constant 0 : i32
    %dma_start3A_209 = arith.constant 0 : i32
    %dma_start3A_210 = tpu.memref_slice %arg6[%dma_start3A_199, %dma_start3A_208, %dma_start3A_209] : memref<25x8x128xi32, #tpu.memory_space<vmem>> -> memref<1x8x128xi32, #tpu.memory_space<vmem>>
    %dma_start3A_211 = tpu.memref_squeeze %dma_start3A_210 : memref<1x8x128xi32, #tpu.memory_space<vmem>> -> memref<8x128xi32, #tpu.memory_space<vmem>>
    %dma_start3A_212 = arith.constant 0 : i32
    %dma_start3A_213 = arith.constant 0 : i32
    %dma_start3A_214 = tpu.memref_slice %arg2[%dma_start3A_198, %add3A, %dma_start3A_212, %dma_start3A_213] : memref<25x32x8x128xi32, #tpu.memory_space<hbm>> -> memref<1x1x8x128xi32, #tpu.memory_space<hbm>>
    %dma_start3A_215 = tpu.memref_squeeze %dma_start3A_214 : memref<1x1x8x128xi32, #tpu.memory_space<hbm>> -> memref<8x128xi32, #tpu.memory_space<hbm>>
    tpu.enqueue_dma source(%dma_start3A_215 : memref<8x128xi32, #tpu.memory_space<hbm>>) target(%dma_start3A_211 : memref<8x128xi32, #tpu.memory_space<vmem>>) target_semaphore(%arg10 : memref<!tpu.dma_semaphore, #tpu.memory_space<semaphore_mem>>)
    %dma_start3A_216 = arith.constant 12 : i32
    %dma_start3A_217 = arith.constant 12 : i32
    %dma_start3A_218 = arith.constant 0 : i32
    %dma_start3A_219 = arith.constant 0 : i32
    %dma_start3A_220 = tpu.memref_slice %arg6[%dma_start3A_217, %dma_start3A_218, %dma_start3A_219] : memref<25x8x128xi32, #tpu.memory_space<vmem>> -> memref<1x8x128xi32, #tpu.memory_space<vmem>>
    %dma_start3A_221 = tpu.memref_squeeze %dma_start3A_220 : memref<1x8x128xi32, #tpu.memory_space<vmem>> -> memref<8x128xi32, #tpu.memory_space<vmem>>
    %dma_start3A_222 = arith.constant 0 : i32
    %dma_start3A_223 = arith.constant 0 : i32
    %dma_start3A_224 = tpu.memref_slice %arg2[%dma_start3A_216, %add3A, %dma_start3A_222, %dma_start3A_223] : memref<25x32x8x128xi32, #tpu.memory_space<hbm>> -> memref<1x1x8x128xi32, #tpu.memory_space<hbm>>
    %dma_start3A_225 = tpu.memref_squeeze %dma_start3A_224 : memref<1x1x8x128xi32, #tpu.memory_space<hbm>> -> memref<8x128xi32, #tpu.memory_space<hbm>>
    %dma_start3A_226 = arith.constant 0 : i32
    %dma_start3A_227 = arith.constant 0 : i32
    %dma_start3A_228 = tpu.memref_slice %arg6[%dma_start3A_217, %dma_start3A_226, %dma_start3A_227] : memref<25x8x128xi32, #tpu.memory_space<vmem>> -> memref<1x8x128xi32, #tpu.memory_space<vmem>>
    %dma_start3A_229 = tpu.memref_squeeze %dma_start3A_228 : memref<1x8x128xi32, #tpu.memory_space<vmem>> -> memref<8x128xi32, #tpu.memory_space<vmem>>
    %dma_start3A_230 = arith.constant 0 : i32
    %dma_start3A_231 = arith.constant 0 : i32
    %dma_start3A_232 = tpu.memref_slice %arg2[%dma_start3A_216, %add3A, %dma_start3A_230, %dma_start3A_231] : memref<25x32x8x128xi32, #tpu.memory_space<hbm>> -> memref<1x1x8x128xi32, #tpu.memory_space<hbm>>
    %dma_start3A_233 = tpu.memref_squeeze %dma_start3A_232 : memref<1x1x8x128xi32, #tpu.memory_space<hbm>> -> memref<8x128xi32, #tpu.memory_space<hbm>>
    tpu.enqueue_dma source(%dma_start3A_233 : memref<8x128xi32, #tpu.memory_space<hbm>>) target(%dma_start3A_229 : memref<8x128xi32, #tpu.memory_space<vmem>>) target_semaphore(%arg10 : memref<!tpu.dma_semaphore, #tpu.memory_space<semaphore_mem>>)
    %dma_start3A_234 = arith.constant 13 : i32
    %dma_start3A_235 = arith.constant 13 : i32
    %dma_start3A_236 = arith.constant 0 : i32
    %dma_start3A_237 = arith.constant 0 : i32
    %dma_start3A_238 = tpu.memref_slice %arg6[%dma_start3A_235, %dma_start3A_236, %dma_start3A_237] : memref<25x8x128xi32, #tpu.memory_space<vmem>> -> memref<1x8x128xi32, #tpu.memory_space<vmem>>
    %dma_start3A_239 = tpu.memref_squeeze %dma_start3A_238 : memref<1x8x128xi32, #tpu.memory_space<vmem>> -> memref<8x128xi32, #tpu.memory_space<vmem>>
    %dma_start3A_240 = arith.constant 0 : i32
    %dma_start3A_241 = arith.constant 0 : i32
    %dma_start3A_242 = tpu.memref_slice %arg2[%dma_start3A_234, %add3A, %dma_start3A_240, %dma_start3A_241] : memref<25x32x8x128xi32, #tpu.memory_space<hbm>> -> memref<1x1x8x128xi32, #tpu.memory_space<hbm>>
    %dma_start3A_243 = tpu.memref_squeeze %dma_start3A_242 : memref<1x1x8x128xi32, #tpu.memory_space<hbm>> -> memref<8x128xi32, #tpu.memory_space<hbm>>
    %dma_start3A_244 = arith.constant 0 : i32
    %dma_start3A_245 = arith.constant 0 : i32
    %dma_start3A_246 = tpu.memref_slice %arg6[%dma_start3A_235, %dma_start3A_244, %dma_start3A_245] : memref<25x8x128xi32, #tpu.memory_space<vmem>> -> memref<1x8x128xi32, #tpu.memory_space<vmem>>
    %dma_start3A_247 = tpu.memref_squeeze %dma_start3A_246 : memref<1x8x128xi32, #tpu.memory_space<vmem>> -> memref<8x128xi32, #tpu.memory_space<vmem>>
    %dma_start3A_248 = arith.constant 0 : i32
    %dma_start3A_249 = arith.constant 0 : i32
    %dma_start3A_250 = tpu.memref_slice %arg2[%dma_start3A_234, %add3A, %dma_start3A_248, %dma_start3A_249] : memref<25x32x8x128xi32, #tpu.memory_space<hbm>> -> memref<1x1x8x128xi32, #tpu.memory_space<hbm>>
    %dma_start3A_251 = tpu.memref_squeeze %dma_start3A_250 : memref<1x1x8x128xi32, #tpu.memory_space<hbm>> -> memref<8x128xi32, #tpu.memory_space<hbm>>
    tpu.enqueue_dma source(%dma_start3A_251 : memref<8x128xi32, #tpu.memory_space<hbm>>) target(%dma_start3A_247 : memref<8x128xi32, #tpu.memory_space<vmem>>) target_semaphore(%arg10 : memref<!tpu.dma_semaphore, #tpu.memory_space<semaphore_mem>>)
    %dma_start3A_252 = arith.constant 14 : i32
    %dma_start3A_253 = arith.constant 14 : i32
    %dma_start3A_254 = arith.constant 0 : i32
    %dma_start3A_255 = arith.constant 0 : i32
    %dma_start3A_256 = tpu.memref_slice %arg6[%dma_start3A_253, %dma_start3A_254, %dma_start3A_255] : memref<25x8x128xi32, #tpu.memory_space<vmem>> -> memref<1x8x128xi32, #tpu.memory_space<vmem>>
    %dma_start3A_257 = tpu.memref_squeeze %dma_start3A_256 : memref<1x8x128xi32, #tpu.memory_space<vmem>> -> memref<8x128xi32, #tpu.memory_space<vmem>>
    %dma_start3A_258 = arith.constant 0 : i32
    %dma_start3A_259 = arith.constant 0 : i32
    %dma_start3A_260 = tpu.memref_slice %arg2[%dma_start3A_252, %add3A, %dma_start3A_258, %dma_start3A_259] : memref<25x32x8x128xi32, #tpu.memory_space<hbm>> -> memref<1x1x8x128xi32, #tpu.memory_space<hbm>>
    %dma_start3A_261 = tpu.memref_squeeze %dma_start3A_260 : memref<1x1x8x128xi32, #tpu.memory_space<hbm>> -> memref<8x128xi32, #tpu.memory_space<hbm>>
    %dma_start3A_262 = arith.constant 0 : i32
    %dma_start3A_263 = arith.constant 0 : i32
    %dma_start3A_264 = tpu.memref_slice %arg6[%dma_start3A_253, %dma_start3A_262, %dma_start3A_263] : memref<25x8x128xi32, #tpu.memory_space<vmem>> -> memref<1x8x128xi32, #tpu.memory_space<vmem>>
    %dma_start3A_265 = tpu.memref_squeeze %dma_start3A_264 : memref<1x8x128xi32, #tpu.memory_space<vmem>> -> memref<8x128xi32, #tpu.memory_space<vmem>>
    %dma_start3A_266 = arith.constant 0 : i32
    %dma_start3A_267 = arith.constant 0 : i32
    %dma_start3A_268 = tpu.memref_slice %arg2[%dma_start3A_252, %add3A, %dma_start3A_266, %dma_start3A_267] : memref<25x32x8x128xi32, #tpu.memory_space<hbm>> -> memref<1x1x8x128xi32, #tpu.memory_space<hbm>>
    %dma_start3A_269 = tpu.memref_squeeze %dma_start3A_268 : memref<1x1x8x128xi32, #tpu.memory_space<hbm>> -> memref<8x128xi32, #tpu.memory_space<hbm>>
    tpu.enqueue_dma source(%dma_start3A_269 : memref<8x128xi32, #tpu.memory_space<hbm>>) target(%dma_start3A_265 : memref<8x128xi32, #tpu.memory_space<vmem>>) target_semaphore(%arg10 : memref<!tpu.dma_semaphore, #tpu.memory_space<semaphore_mem>>)
    %dma_start3A_270 = arith.constant 15 : i32
    %dma_start3A_271 = arith.constant 15 : i32
    %dma_start3A_272 = arith.constant 0 : i32
    %dma_start3A_273 = arith.constant 0 : i32
    %dma_start3A_274 = tpu.memref_slice %arg6[%dma_start3A_271, %dma_start3A_272, %dma_start3A_273] : memref<25x8x128xi32, #tpu.memory_space<vmem>> -> memref<1x8x128xi32, #tpu.memory_space<vmem>>
    %dma_start3A_275 = tpu.memref_squeeze %dma_start3A_274 : memref<1x8x128xi32, #tpu.memory_space<vmem>> -> memref<8x128xi32, #tpu.memory_space<vmem>>
    %dma_start3A_276 = arith.constant 0 : i32
    %dma_start3A_277 = arith.constant 0 : i32
    %dma_start3A_278 = tpu.memref_slice %arg2[%dma_start3A_270, %add3A, %dma_start3A_276, %dma_start3A_277] : memref<25x32x8x128xi32, #tpu.memory_space<hbm>> -> memref<1x1x8x128xi32, #tpu.memory_space<hbm>>
    %dma_start3A_279 = tpu.memref_squeeze %dma_start3A_278 : memref<1x1x8x128xi32, #tpu.memory_space<hbm>> -> memref<8x128xi32, #tpu.memory_space<hbm>>
    %dma_start3A_280 = arith.constant 0 : i32
    %dma_start3A_281 = arith.constant 0 : i32
    %dma_start3A_282 = tpu.memref_slice %arg6[%dma_start3A_271, %dma_start3A_280, %dma_start3A_281] : memref<25x8x128xi32, #tpu.memory_space<vmem>> -> memref<1x8x128xi32, #tpu.memory_space<vmem>>
    %dma_start3A_283 = tpu.memref_squeeze %dma_start3A_282 : memref<1x8x128xi32, #tpu.memory_space<vmem>> -> memref<8x128xi32, #tpu.memory_space<vmem>>
    %dma_start3A_284 = arith.constant 0 : i32
    %dma_start3A_285 = arith.constant 0 : i32
    %dma_start3A_286 = tpu.memref_slice %arg2[%dma_start3A_270, %add3A, %dma_start3A_284, %dma_start3A_285] : memref<25x32x8x128xi32, #tpu.memory_space<hbm>> -> memref<1x1x8x128xi32, #tpu.memory_space<hbm>>
    %dma_start3A_287 = tpu.memref_squeeze %dma_start3A_286 : memref<1x1x8x128xi32, #tpu.memory_space<hbm>> -> memref<8x128xi32, #tpu.memory_space<hbm>>
    tpu.enqueue_dma source(%dma_start3A_287 : memref<8x128xi32, #tpu.memory_space<hbm>>) target(%dma_start3A_283 : memref<8x128xi32, #tpu.memory_space<vmem>>) target_semaphore(%arg10 : memref<!tpu.dma_semaphore, #tpu.memory_space<semaphore_mem>>)
    %dma_start3A_288 = arith.constant 16 : i32
    %dma_start3A_289 = arith.constant 16 : i32
    %dma_start3A_290 = arith.constant 0 : i32
    %dma_start3A_291 = arith.constant 0 : i32
    %dma_start3A_292 = tpu.memref_slice %arg6[%dma_start3A_289, %dma_start3A_290, %dma_start3A_291] : memref<25x8x128xi32, #tpu.memory_space<vmem>> -> memref<1x8x128xi32, #tpu.memory_space<vmem>>
    %dma_start3A_293 = tpu.memref_squeeze %dma_start3A_292 : memref<1x8x128xi32, #tpu.memory_space<vmem>> -> memref<8x128xi32, #tpu.memory_space<vmem>>
    %dma_start3A_294 = arith.constant 0 : i32
    %dma_start3A_295 = arith.constant 0 : i32
    %dma_start3A_296 = tpu.memref_slice %arg2[%dma_start3A_288, %add3A, %dma_start3A_294, %dma_start3A_295] : memref<25x32x8x128xi32, #tpu.memory_space<hbm>> -> memref<1x1x8x128xi32, #tpu.memory_space<hbm>>
    %dma_start3A_297 = tpu.memref_squeeze %dma_start3A_296 : memref<1x1x8x128xi32, #tpu.memory_space<hbm>> -> memref<8x128xi32, #tpu.memory_space<hbm>>
    %dma_start3A_298 = arith.constant 0 : i32
    %dma_start3A_299 = arith.constant 0 : i32
    %dma_start3A_300 = tpu.memref_slice %arg6[%dma_start3A_289, %dma_start3A_298, %dma_start3A_299] : memref<25x8x128xi32, #tpu.memory_space<vmem>> -> memref<1x8x128xi32, #tpu.memory_space<vmem>>
    %dma_start3A_301 = tpu.memref_squeeze %dma_start3A_300 : memref<1x8x128xi32, #tpu.memory_space<vmem>> -> memref<8x128xi32, #tpu.memory_space<vmem>>
    %dma_start3A_302 = arith.constant 0 : i32
    %dma_start3A_303 = arith.constant 0 : i32
    %dma_start3A_304 = tpu.memref_slice %arg2[%dma_start3A_288, %add3A, %dma_start3A_302, %dma_start3A_303] : memref<25x32x8x128xi32, #tpu.memory_space<hbm>> -> memref<1x1x8x128xi32, #tpu.memory_space<hbm>>
    %dma_start3A_305 = tpu.memref_squeeze %dma_start3A_304 : memref<1x1x8x128xi32, #tpu.memory_space<hbm>> -> memref<8x128xi32, #tpu.memory_space<hbm>>
    tpu.enqueue_dma source(%dma_start3A_305 : memref<8x128xi32, #tpu.memory_space<hbm>>) target(%dma_start3A_301 : memref<8x128xi32, #tpu.memory_space<vmem>>) target_semaphore(%arg10 : memref<!tpu.dma_semaphore, #tpu.memory_space<semaphore_mem>>)
    %dma_start3A_306 = arith.constant 17 : i32
    %dma_start3A_307 = arith.constant 17 : i32
    %dma_start3A_308 = arith.constant 0 : i32
    %dma_start3A_309 = arith.constant 0 : i32
    %dma_start3A_310 = tpu.memref_slice %arg6[%dma_start3A_307, %dma_start3A_308, %dma_start3A_309] : memref<25x8x128xi32, #tpu.memory_space<vmem>> -> memref<1x8x128xi32, #tpu.memory_space<vmem>>
    %dma_start3A_311 = tpu.memref_squeeze %dma_start3A_310 : memref<1x8x128xi32, #tpu.memory_space<vmem>> -> memref<8x128xi32, #tpu.memory_space<vmem>>
    %dma_start3A_312 = arith.constant 0 : i32
    %dma_start3A_313 = arith.constant 0 : i32
    %dma_start3A_314 = tpu.memref_slice %arg2[%dma_start3A_306, %add3A, %dma_start3A_312, %dma_start3A_313] : memref<25x32x8x128xi32, #tpu.memory_space<hbm>> -> memref<1x1x8x128xi32, #tpu.memory_space<hbm>>
    %dma_start3A_315 = tpu.memref_squeeze %dma_start3A_314 : memref<1x1x8x128xi32, #tpu.memory_space<hbm>> -> memref<8x128xi32, #tpu.memory_space<hbm>>
    %dma_start3A_316 = arith.constant 0 : i32
    %dma_start3A_317 = arith.constant 0 : i32
    %dma_start3A_318 = tpu.memref_slice %arg6[%dma_start3A_307, %dma_start3A_316, %dma_start3A_317] : memref<25x8x128xi32, #tpu.memory_space<vmem>> -> memref<1x8x128xi32, #tpu.memory_space<vmem>>
    %dma_start3A_319 = tpu.memref_squeeze %dma_start3A_318 : memref<1x8x128xi32, #tpu.memory_space<vmem>> -> memref<8x128xi32, #tpu.memory_space<vmem>>
    %dma_start3A_320 = arith.constant 0 : i32
    %dma_start3A_321 = arith.constant 0 : i32
    %dma_start3A_322 = tpu.memref_slice %arg2[%dma_start3A_306, %add3A, %dma_start3A_320, %dma_start3A_321] : memref<25x32x8x128xi32, #tpu.memory_space<hbm>> -> memref<1x1x8x128xi32, #tpu.memory_space<hbm>>
    %dma_start3A_323 = tpu.memref_squeeze %dma_start3A_322 : memref<1x1x8x128xi32, #tpu.memory_space<hbm>> -> memref<8x128xi32, #tpu.memory_space<hbm>>
    tpu.enqueue_dma source(%dma_start3A_323 : memref<8x128xi32, #tpu.memory_space<hbm>>) target(%dma_start3A_319 : memref<8x128xi32, #tpu.memory_space<vmem>>) target_semaphore(%arg10 : memref<!tpu.dma_semaphore, #tpu.memory_space<semaphore_mem>>)
    %dma_start3A_324 = arith.constant 18 : i32
    %dma_start3A_325 = arith.constant 18 : i32
    %dma_start3A_326 = arith.constant 0 : i32
    %dma_start3A_327 = arith.constant 0 : i32
    %dma_start3A_328 = tpu.memref_slice %arg6[%dma_start3A_325, %dma_start3A_326, %dma_start3A_327] : memref<25x8x128xi32, #tpu.memory_space<vmem>> -> memref<1x8x128xi32, #tpu.memory_space<vmem>>
    %dma_start3A_329 = tpu.memref_squeeze %dma_start3A_328 : memref<1x8x128xi32, #tpu.memory_space<vmem>> -> memref<8x128xi32, #tpu.memory_space<vmem>>
    %dma_start3A_330 = arith.constant 0 : i32
    %dma_start3A_331 = arith.constant 0 : i32
    %dma_start3A_332 = tpu.memref_slice %arg2[%dma_start3A_324, %add3A, %dma_start3A_330, %dma_start3A_331] : memref<25x32x8x128xi32, #tpu.memory_space<hbm>> -> memref<1x1x8x128xi32, #tpu.memory_space<hbm>>
    %dma_start3A_333 = tpu.memref_squeeze %dma_start3A_332 : memref<1x1x8x128xi32, #tpu.memory_space<hbm>> -> memref<8x128xi32, #tpu.memory_space<hbm>>
    %dma_start3A_334 = arith.constant 0 : i32
    %dma_start3A_335 = arith.constant 0 : i32
    %dma_start3A_336 = tpu.memref_slice %arg6[%dma_start3A_325, %dma_start3A_334, %dma_start3A_335] : memref<25x8x128xi32, #tpu.memory_space<vmem>> -> memref<1x8x128xi32, #tpu.memory_space<vmem>>
    %dma_start3A_337 = tpu.memref_squeeze %dma_start3A_336 : memref<1x8x128xi32, #tpu.memory_space<vmem>> -> memref<8x128xi32, #tpu.memory_space<vmem>>
    %dma_start3A_338 = arith.constant 0 : i32
    %dma_start3A_339 = arith.constant 0 : i32
    %dma_start3A_340 = tpu.memref_slice %arg2[%dma_start3A_324, %add3A, %dma_start3A_338, %dma_start3A_339] : memref<25x32x8x128xi32, #tpu.memory_space<hbm>> -> memref<1x1x8x128xi32, #tpu.memory_space<hbm>>
    %dma_start3A_341 = tpu.memref_squeeze %dma_start3A_340 : memref<1x1x8x128xi32, #tpu.memory_space<hbm>> -> memref<8x128xi32, #tpu.memory_space<hbm>>
    tpu.enqueue_dma source(%dma_start3A_341 : memref<8x128xi32, #tpu.memory_space<hbm>>) target(%dma_start3A_337 : memref<8x128xi32, #tpu.memory_space<vmem>>) target_semaphore(%arg10 : memref<!tpu.dma_semaphore, #tpu.memory_space<semaphore_mem>>)
    %dma_start3A_342 = arith.constant 19 : i32
    %dma_start3A_343 = arith.constant 19 : i32
    %dma_start3A_344 = arith.constant 0 : i32
    %dma_start3A_345 = arith.constant 0 : i32
    %dma_start3A_346 = tpu.memref_slice %arg6[%dma_start3A_343, %dma_start3A_344, %dma_start3A_345] : memref<25x8x128xi32, #tpu.memory_space<vmem>> -> memref<1x8x128xi32, #tpu.memory_space<vmem>>
    %dma_start3A_347 = tpu.memref_squeeze %dma_start3A_346 : memref<1x8x128xi32, #tpu.memory_space<vmem>> -> memref<8x128xi32, #tpu.memory_space<vmem>>
    %dma_start3A_348 = arith.constant 0 : i32
    %dma_start3A_349 = arith.constant 0 : i32
    %dma_start3A_350 = tpu.memref_slice %arg2[%dma_start3A_342, %add3A, %dma_start3A_348, %dma_start3A_349] : memref<25x32x8x128xi32, #tpu.memory_space<hbm>> -> memref<1x1x8x128xi32, #tpu.memory_space<hbm>>
    %dma_start3A_351 = tpu.memref_squeeze %dma_start3A_350 : memref<1x1x8x128xi32, #tpu.memory_space<hbm>> -> memref<8x128xi32, #tpu.memory_space<hbm>>
    %dma_start3A_352 = arith.constant 0 : i32
    %dma_start3A_353 = arith.constant 0 : i32
    %dma_start3A_354 = tpu.memref_slice %arg6[%dma_start3A_343, %dma_start3A_352, %dma_start3A_353] : memref<25x8x128xi32, #tpu.memory_space<vmem>> -> memref<1x8x128xi32, #tpu.memory_space<vmem>>
    %dma_start3A_355 = tpu.memref_squeeze %dma_start3A_354 : memref<1x8x128xi32, #tpu.memory_space<vmem>> -> memref<8x128xi32, #tpu.memory_space<vmem>>
    %dma_start3A_356 = arith.constant 0 : i32
    %dma_start3A_357 = arith.constant 0 : i32
    %dma_start3A_358 = tpu.memref_slice %arg2[%dma_start3A_342, %add3A, %dma_start3A_356, %dma_start3A_357] : memref<25x32x8x128xi32, #tpu.memory_space<hbm>> -> memref<1x1x8x128xi32, #tpu.memory_space<hbm>>
    %dma_start3A_359 = tpu.memref_squeeze %dma_start3A_358 : memref<1x1x8x128xi32, #tpu.memory_space<hbm>> -> memref<8x128xi32, #tpu.memory_space<hbm>>
    tpu.enqueue_dma source(%dma_start3A_359 : memref<8x128xi32, #tpu.memory_space<hbm>>) target(%dma_start3A_355 : memref<8x128xi32, #tpu.memory_space<vmem>>) target_semaphore(%arg10 : memref<!tpu.dma_semaphore, #tpu.memory_space<semaphore_mem>>)
    %dma_start3A_360 = arith.constant 20 : i32
    %dma_start3A_361 = arith.constant 20 : i32
    %dma_start3A_362 = arith.constant 0 : i32
    %dma_start3A_363 = arith.constant 0 : i32
    %dma_start3A_364 = tpu.memref_slice %arg6[%dma_start3A_361, %dma_start3A_362, %dma_start3A_363] : memref<25x8x128xi32, #tpu.memory_space<vmem>> -> memref<1x8x128xi32, #tpu.memory_space<vmem>>
    %dma_start3A_365 = tpu.memref_squeeze %dma_start3A_364 : memref<1x8x128xi32, #tpu.memory_space<vmem>> -> memref<8x128xi32, #tpu.memory_space<vmem>>
    %dma_start3A_366 = arith.constant 0 : i32
    %dma_start3A_367 = arith.constant 0 : i32
    %dma_start3A_368 = tpu.memref_slice %arg2[%dma_start3A_360, %add3A, %dma_start3A_366, %dma_start3A_367] : memref<25x32x8x128xi32, #tpu.memory_space<hbm>> -> memref<1x1x8x128xi32, #tpu.memory_space<hbm>>
    %dma_start3A_369 = tpu.memref_squeeze %dma_start3A_368 : memref<1x1x8x128xi32, #tpu.memory_space<hbm>> -> memref<8x128xi32, #tpu.memory_space<hbm>>
    %dma_start3A_370 = arith.constant 0 : i32
    %dma_start3A_371 = arith.constant 0 : i32
    %dma_start3A_372 = tpu.memref_slice %arg6[%dma_start3A_361, %dma_start3A_370, %dma_start3A_371] : memref<25x8x128xi32, #tpu.memory_space<vmem>> -> memref<1x8x128xi32, #tpu.memory_space<vmem>>
    %dma_start3A_373 = tpu.memref_squeeze %dma_start3A_372 : memref<1x8x128xi32, #tpu.memory_space<vmem>> -> memref<8x128xi32, #tpu.memory_space<vmem>>
    %dma_start3A_374 = arith.constant 0 : i32
    %dma_start3A_375 = arith.constant 0 : i32
    %dma_start3A_376 = tpu.memref_slice %arg2[%dma_start3A_360, %add3A, %dma_start3A_374, %dma_start3A_375] : memref<25x32x8x128xi32, #tpu.memory_space<hbm>> -> memref<1x1x8x128xi32, #tpu.memory_space<hbm>>
    %dma_start3A_377 = tpu.memref_squeeze %dma_start3A_376 : memref<1x1x8x128xi32, #tpu.memory_space<hbm>> -> memref<8x128xi32, #tpu.memory_space<hbm>>
    tpu.enqueue_dma source(%dma_start3A_377 : memref<8x128xi32, #tpu.memory_space<hbm>>) target(%dma_start3A_373 : memref<8x128xi32, #tpu.memory_space<vmem>>) target_semaphore(%arg10 : memref<!tpu.dma_semaphore, #tpu.memory_space<semaphore_mem>>)
    %dma_start3A_378 = arith.constant 21 : i32
    %dma_start3A_379 = arith.constant 21 : i32
    %dma_start3A_380 = arith.constant 0 : i32
    %dma_start3A_381 = arith.constant 0 : i32
    %dma_start3A_382 = tpu.memref_slice %arg6[%dma_start3A_379, %dma_start3A_380, %dma_start3A_381] : memref<25x8x128xi32, #tpu.memory_space<vmem>> -> memref<1x8x128xi32, #tpu.memory_space<vmem>>
    %dma_start3A_383 = tpu.memref_squeeze %dma_start3A_382 : memref<1x8x128xi32, #tpu.memory_space<vmem>> -> memref<8x128xi32, #tpu.memory_space<vmem>>
    %dma_start3A_384 = arith.constant 0 : i32
    %dma_start3A_385 = arith.constant 0 : i32
    %dma_start3A_386 = tpu.memref_slice %arg2[%dma_start3A_378, %add3A, %dma_start3A_384, %dma_start3A_385] : memref<25x32x8x128xi32, #tpu.memory_space<hbm>> -> memref<1x1x8x128xi32, #tpu.memory_space<hbm>>
    %dma_start3A_387 = tpu.memref_squeeze %dma_start3A_386 : memref<1x1x8x128xi32, #tpu.memory_space<hbm>> -> memref<8x128xi32, #tpu.memory_space<hbm>>
    %dma_start3A_388 = arith.constant 0 : i32
    %dma_start3A_389 = arith.constant 0 : i32
    %dma_start3A_390 = tpu.memref_slice %arg6[%dma_start3A_379, %dma_start3A_388, %dma_start3A_389] : memref<25x8x128xi32, #tpu.memory_space<vmem>> -> memref<1x8x128xi32, #tpu.memory_space<vmem>>
    %dma_start3A_391 = tpu.memref_squeeze %dma_start3A_390 : memref<1x8x128xi32, #tpu.memory_space<vmem>> -> memref<8x128xi32, #tpu.memory_space<vmem>>
    %dma_start3A_392 = arith.constant 0 : i32
    %dma_start3A_393 = arith.constant 0 : i32
    %dma_start3A_394 = tpu.memref_slice %arg2[%dma_start3A_378, %add3A, %dma_start3A_392, %dma_start3A_393] : memref<25x32x8x128xi32, #tpu.memory_space<hbm>> -> memref<1x1x8x128xi32, #tpu.memory_space<hbm>>
    %dma_start3A_395 = tpu.memref_squeeze %dma_start3A_394 : memref<1x1x8x128xi32, #tpu.memory_space<hbm>> -> memref<8x128xi32, #tpu.memory_space<hbm>>
    tpu.enqueue_dma source(%dma_start3A_395 : memref<8x128xi32, #tpu.memory_space<hbm>>) target(%dma_start3A_391 : memref<8x128xi32, #tpu.memory_space<vmem>>) target_semaphore(%arg10 : memref<!tpu.dma_semaphore, #tpu.memory_space<semaphore_mem>>)
    %dma_start3A_396 = arith.constant 22 : i32
    %dma_start3A_397 = arith.constant 22 : i32
    %dma_start3A_398 = arith.constant 0 : i32
    %dma_start3A_399 = arith.constant 0 : i32
    %dma_start3A_400 = tpu.memref_slice %arg6[%dma_start3A_397, %dma_start3A_398, %dma_start3A_399] : memref<25x8x128xi32, #tpu.memory_space<vmem>> -> memref<1x8x128xi32, #tpu.memory_space<vmem>>
    %dma_start3A_401 = tpu.memref_squeeze %dma_start3A_400 : memref<1x8x128xi32, #tpu.memory_space<vmem>> -> memref<8x128xi32, #tpu.memory_space<vmem>>
    %dma_start3A_402 = arith.constant 0 : i32
    %dma_start3A_403 = arith.constant 0 : i32
    %dma_start3A_404 = tpu.memref_slice %arg2[%dma_start3A_396, %add3A, %dma_start3A_402, %dma_start3A_403] : memref<25x32x8x128xi32, #tpu.memory_space<hbm>> -> memref<1x1x8x128xi32, #tpu.memory_space<hbm>>
    %dma_start3A_405 = tpu.memref_squeeze %dma_start3A_404 : memref<1x1x8x128xi32, #tpu.memory_space<hbm>> -> memref<8x128xi32, #tpu.memory_space<hbm>>
    %dma_start3A_406 = arith.constant 0 : i32
    %dma_start3A_407 = arith.constant 0 : i32
    %dma_start3A_408 = tpu.memref_slice %arg6[%dma_start3A_397, %dma_start3A_406, %dma_start3A_407] : memref<25x8x128xi32, #tpu.memory_space<vmem>> -> memref<1x8x128xi32, #tpu.memory_space<vmem>>
    %dma_start3A_409 = tpu.memref_squeeze %dma_start3A_408 : memref<1x8x128xi32, #tpu.memory_space<vmem>> -> memref<8x128xi32, #tpu.memory_space<vmem>>
    %dma_start3A_410 = arith.constant 0 : i32
    %dma_start3A_411 = arith.constant 0 : i32
    %dma_start3A_412 = tpu.memref_slice %arg2[%dma_start3A_396, %add3A, %dma_start3A_410, %dma_start3A_411] : memref<25x32x8x128xi32, #tpu.memory_space<hbm>> -> memref<1x1x8x128xi32, #tpu.memory_space<hbm>>
    %dma_start3A_413 = tpu.memref_squeeze %dma_start3A_412 : memref<1x1x8x128xi32, #tpu.memory_space<hbm>> -> memref<8x128xi32, #tpu.memory_space<hbm>>
    tpu.enqueue_dma source(%dma_start3A_413 : memref<8x128xi32, #tpu.memory_space<hbm>>) target(%dma_start3A_409 : memref<8x128xi32, #tpu.memory_space<vmem>>) target_semaphore(%arg10 : memref<!tpu.dma_semaphore, #tpu.memory_space<semaphore_mem>>)
    %dma_start3A_414 = arith.constant 23 : i32
    %dma_start3A_415 = arith.constant 23 : i32
    %dma_start3A_416 = arith.constant 0 : i32
    %dma_start3A_417 = arith.constant 0 : i32
    %dma_start3A_418 = tpu.memref_slice %arg6[%dma_start3A_415, %dma_start3A_416, %dma_start3A_417] : memref<25x8x128xi32, #tpu.memory_space<vmem>> -> memref<1x8x128xi32, #tpu.memory_space<vmem>>
    %dma_start3A_419 = tpu.memref_squeeze %dma_start3A_418 : memref<1x8x128xi32, #tpu.memory_space<vmem>> -> memref<8x128xi32, #tpu.memory_space<vmem>>
    %dma_start3A_420 = arith.constant 0 : i32
    %dma_start3A_421 = arith.constant 0 : i32
    %dma_start3A_422 = tpu.memref_slice %arg2[%dma_start3A_414, %add3A, %dma_start3A_420, %dma_start3A_421] : memref<25x32x8x128xi32, #tpu.memory_space<hbm>> -> memref<1x1x8x128xi32, #tpu.memory_space<hbm>>
    %dma_start3A_423 = tpu.memref_squeeze %dma_start3A_422 : memref<1x1x8x128xi32, #tpu.memory_space<hbm>> -> memref<8x128xi32, #tpu.memory_space<hbm>>
    %dma_start3A_424 = arith.constant 0 : i32
    %dma_start3A_425 = arith.constant 0 : i32
    %dma_start3A_426 = tpu.memref_slice %arg6[%dma_start3A_415, %dma_start3A_424, %dma_start3A_425] : memref<25x8x128xi32, #tpu.memory_space<vmem>> -> memref<1x8x128xi32, #tpu.memory_space<vmem>>
    %dma_start3A_427 = tpu.memref_squeeze %dma_start3A_426 : memref<1x8x128xi32, #tpu.memory_space<vmem>> -> memref<8x128xi32, #tpu.memory_space<vmem>>
    %dma_start3A_428 = arith.constant 0 : i32
    %dma_start3A_429 = arith.constant 0 : i32
    %dma_start3A_430 = tpu.memref_slice %arg2[%dma_start3A_414, %add3A, %dma_start3A_428, %dma_start3A_429] : memref<25x32x8x128xi32, #tpu.memory_space<hbm>> -> memref<1x1x8x128xi32, #tpu.memory_space<hbm>>
    %dma_start3A_431 = tpu.memref_squeeze %dma_start3A_430 : memref<1x1x8x128xi32, #tpu.memory_space<hbm>> -> memref<8x128xi32, #tpu.memory_space<hbm>>
    tpu.enqueue_dma source(%dma_start3A_431 : memref<8x128xi32, #tpu.memory_space<hbm>>) target(%dma_start3A_427 : memref<8x128xi32, #tpu.memory_space<vmem>>) target_semaphore(%arg10 : memref<!tpu.dma_semaphore, #tpu.memory_space<semaphore_mem>>)
    %dma_start3A_432 = arith.constant 24 : i32
    %dma_start3A_433 = arith.constant 24 : i32
    %dma_start3A_434 = arith.constant 0 : i32
    %dma_start3A_435 = arith.constant 0 : i32
    %dma_start3A_436 = tpu.memref_slice %arg6[%dma_start3A_433, %dma_start3A_434, %dma_start3A_435] : memref<25x8x128xi32, #tpu.memory_space<vmem>> -> memref<1x8x128xi32, #tpu.memory_space<vmem>>
    %dma_start3A_437 = tpu.memref_squeeze %dma_start3A_436 : memref<1x8x128xi32, #tpu.memory_space<vmem>> -> memref<8x128xi32, #tpu.memory_space<vmem>>
    %dma_start3A_438 = arith.constant 0 : i32
    %dma_start3A_439 = arith.constant 0 : i32
    %dma_start3A_440 = tpu.memref_slice %arg2[%dma_start3A_432, %add3A, %dma_start3A_438, %dma_start3A_439] : memref<25x32x8x128xi32, #tpu.memory_space<hbm>> -> memref<1x1x8x128xi32, #tpu.memory_space<hbm>>
    %dma_start3A_441 = tpu.memref_squeeze %dma_start3A_440 : memref<1x1x8x128xi32, #tpu.memory_space<hbm>> -> memref<8x128xi32, #tpu.memory_space<hbm>>
    %dma_start3A_442 = arith.constant 0 : i32
    %dma_start3A_443 = arith.constant 0 : i32
    %dma_start3A_444 = tpu.memref_slice %arg6[%dma_start3A_433, %dma_start3A_442, %dma_start3A_443] : memref<25x8x128xi32, #tpu.memory_space<vmem>> -> memref<1x8x128xi32, #tpu.memory_space<vmem>>
    %dma_start3A_445 = tpu.memref_squeeze %dma_start3A_444 : memref<1x8x128xi32, #tpu.memory_space<vmem>> -> memref<8x128xi32, #tpu.memory_space<vmem>>
    %dma_start3A_446 = arith.constant 0 : i32
    %dma_start3A_447 = arith.constant 0 : i32
    %dma_start3A_448 = tpu.memref_slice %arg2[%dma_start3A_432, %add3A, %dma_start3A_446, %dma_start3A_447] : memref<25x32x8x128xi32, #tpu.memory_space<hbm>> -> memref<1x1x8x128xi32, #tpu.memory_space<hbm>>
    %dma_start3A_449 = tpu.memref_squeeze %dma_start3A_448 : memref<1x1x8x128xi32, #tpu.memory_space<hbm>> -> memref<8x128xi32, #tpu.memory_space<hbm>>
    tpu.enqueue_dma source(%dma_start3A_449 : memref<8x128xi32, #tpu.memory_space<hbm>>) target(%dma_start3A_445 : memref<8x128xi32, #tpu.memory_space<vmem>>) target_semaphore(%arg10 : memref<!tpu.dma_semaphore, #tpu.memory_space<semaphore_mem>>)
    tpu.enqueue_dma source(%arg4 : memref<200x64xf32, #tpu.memory_space<hbm>>) target(%arg7 : memref<200x64xf32, #tpu.memory_space<vmem>>) target_semaphore(%arg11 : memref<!tpu.dma_semaphore, #tpu.memory_space<semaphore_mem>>)
    %dma_wait3A = arith.constant 0 : i32
    %dma_wait3A_450 = arith.constant 0 : i32
    %dma_wait3A_451 = arith.constant 0 : i32
    %dma_wait3A_452 = arith.constant 0 : i32
    %dma_wait3A_453 = arith.constant 0 : i32
    %dma_wait3A_454 = tpu.memref_slice %arg6[%dma_wait3A_451, %dma_wait3A_452, %dma_wait3A_453] : memref<25x8x128xi32, #tpu.memory_space<vmem>> -> memref<1x8x128xi32, #tpu.memory_space<vmem>>
    %dma_wait3A_455 = tpu.memref_squeeze %dma_wait3A_454 : memref<1x8x128xi32, #tpu.memory_space<vmem>> -> memref<8x128xi32, #tpu.memory_space<vmem>>
    %dma_wait3A_456 = arith.constant 0 : i32
    %dma_wait3A_457 = arith.constant 0 : i32
    %dma_wait3A_458 = tpu.memref_slice %arg2[%dma_wait3A, %dma_wait3A_450, %dma_wait3A_456, %dma_wait3A_457] : memref<25x32x8x128xi32, #tpu.memory_space<hbm>> -> memref<1x1x8x128xi32, #tpu.memory_space<hbm>>
    %dma_wait3A_459 = tpu.memref_squeeze %dma_wait3A_458 : memref<1x1x8x128xi32, #tpu.memory_space<hbm>> -> memref<8x128xi32, #tpu.memory_space<hbm>>
    %dma_wait3A_460 = arith.constant 0 : i32
    %dma_wait3A_461 = arith.constant 0 : i32
    %dma_wait3A_462 = tpu.memref_slice %arg6[%dma_wait3A_451, %dma_wait3A_460, %dma_wait3A_461] : memref<25x8x128xi32, #tpu.memory_space<vmem>> -> memref<1x8x128xi32, #tpu.memory_space<vmem>>
    %dma_wait3A_463 = tpu.memref_squeeze %dma_wait3A_462 : memref<1x8x128xi32, #tpu.memory_space<vmem>> -> memref<8x128xi32, #tpu.memory_space<vmem>>
    %dma_wait3A_464 = arith.constant 0 : i32
    %dma_wait3A_465 = arith.constant 0 : i32
    %dma_wait3A_466 = tpu.memref_slice %arg2[%dma_wait3A, %dma_wait3A_450, %dma_wait3A_464, %dma_wait3A_465] : memref<25x32x8x128xi32, #tpu.memory_space<hbm>> -> memref<1x1x8x128xi32, #tpu.memory_space<hbm>>
    %dma_wait3A_467 = tpu.memref_squeeze %dma_wait3A_466 : memref<1x1x8x128xi32, #tpu.memory_space<hbm>> -> memref<8x128xi32, #tpu.memory_space<hbm>>
    tpu.wait_dma2 semaphore(%arg10 : memref<!tpu.dma_semaphore, #tpu.memory_space<semaphore_mem>>) src(%dma_wait3A_467 : memref<8x128xi32, #tpu.memory_space<hbm>>) dst(%dma_wait3A_463 : memref<8x128xi32, #tpu.memory_space<vmem>>)
    %dma_wait3A_468 = arith.constant 0 : i32
    %dma_wait3A_469 = arith.constant 0 : i32
    %dma_wait3A_470 = arith.constant 1 : i32
    %dma_wait3A_471 = arith.constant 0 : i32
    %dma_wait3A_472 = arith.constant 0 : i32
    %dma_wait3A_473 = tpu.memref_slice %arg6[%dma_wait3A_470, %dma_wait3A_471, %dma_wait3A_472] : memref<25x8x128xi32, #tpu.memory_space<vmem>> -> memref<1x8x128xi32, #tpu.memory_space<vmem>>
    %dma_wait3A_474 = tpu.memref_squeeze %dma_wait3A_473 : memref<1x8x128xi32, #tpu.memory_space<vmem>> -> memref<8x128xi32, #tpu.memory_space<vmem>>
    %dma_wait3A_475 = arith.constant 0 : i32
    %dma_wait3A_476 = arith.constant 0 : i32
    %dma_wait3A_477 = tpu.memref_slice %arg2[%dma_wait3A_468, %dma_wait3A_469, %dma_wait3A_475, %dma_wait3A_476] : memref<25x32x8x128xi32, #tpu.memory_space<hbm>> -> memref<1x1x8x128xi32, #tpu.memory_space<hbm>>
    %dma_wait3A_478 = tpu.memref_squeeze %dma_wait3A_477 : memref<1x1x8x128xi32, #tpu.memory_space<hbm>> -> memref<8x128xi32, #tpu.memory_space<hbm>>
    %dma_wait3A_479 = arith.constant 0 : i32
    %dma_wait3A_480 = arith.constant 0 : i32
    %dma_wait3A_481 = tpu.memref_slice %arg6[%dma_wait3A_470, %dma_wait3A_479, %dma_wait3A_480] : memref<25x8x128xi32, #tpu.memory_space<vmem>> -> memref<1x8x128xi32, #tpu.memory_space<vmem>>
    %dma_wait3A_482 = tpu.memref_squeeze %dma_wait3A_481 : memref<1x8x128xi32, #tpu.memory_space<vmem>> -> memref<8x128xi32, #tpu.memory_space<vmem>>
    %dma_wait3A_483 = arith.constant 0 : i32
    %dma_wait3A_484 = arith.constant 0 : i32
    %dma_wait3A_485 = tpu.memref_slice %arg2[%dma_wait3A_468, %dma_wait3A_469, %dma_wait3A_483, %dma_wait3A_484] : memref<25x32x8x128xi32, #tpu.memory_space<hbm>> -> memref<1x1x8x128xi32, #tpu.memory_space<hbm>>
    %dma_wait3A_486 = tpu.memref_squeeze %dma_wait3A_485 : memref<1x1x8x128xi32, #tpu.memory_space<hbm>> -> memref<8x128xi32, #tpu.memory_space<hbm>>
    tpu.wait_dma2 semaphore(%arg10 : memref<!tpu.dma_semaphore, #tpu.memory_space<semaphore_mem>>) src(%dma_wait3A_486 : memref<8x128xi32, #tpu.memory_space<hbm>>) dst(%dma_wait3A_482 : memref<8x128xi32, #tpu.memory_space<vmem>>)
    %dma_wait3A_487 = arith.constant 0 : i32
    %dma_wait3A_488 = arith.constant 0 : i32
    %dma_wait3A_489 = arith.constant 2 : i32
    %dma_wait3A_490 = arith.constant 0 : i32
    %dma_wait3A_491 = arith.constant 0 : i32
    %dma_wait3A_492 = tpu.memref_slice %arg6[%dma_wait3A_489, %dma_wait3A_490, %dma_wait3A_491] : memref<25x8x128xi32, #tpu.memory_space<vmem>> -> memref<1x8x128xi32, #tpu.memory_space<vmem>>
    %dma_wait3A_493 = tpu.memref_squeeze %dma_wait3A_492 : memref<1x8x128xi32, #tpu.memory_space<vmem>> -> memref<8x128xi32, #tpu.memory_space<vmem>>
    %dma_wait3A_494 = arith.constant 0 : i32
    %dma_wait3A_495 = arith.constant 0 : i32
    %dma_wait3A_496 = tpu.memref_slice %arg2[%dma_wait3A_487, %dma_wait3A_488, %dma_wait3A_494, %dma_wait3A_495] : memref<25x32x8x128xi32, #tpu.memory_space<hbm>> -> memref<1x1x8x128xi32, #tpu.memory_space<hbm>>
    %dma_wait3A_497 = tpu.memref_squeeze %dma_wait3A_496 : memref<1x1x8x128xi32, #tpu.memory_space<hbm>> -> memref<8x128xi32, #tpu.memory_space<hbm>>
    %dma_wait3A_498 = arith.constant 0 : i32
    %dma_wait3A_499 = arith.constant 0 : i32
    %dma_wait3A_500 = tpu.memref_slice %arg6[%dma_wait3A_489, %dma_wait3A_498, %dma_wait3A_499] : memref<25x8x128xi32, #tpu.memory_space<vmem>> -> memref<1x8x128xi32, #tpu.memory_space<vmem>>
    %dma_wait3A_501 = tpu.memref_squeeze %dma_wait3A_500 : memref<1x8x128xi32, #tpu.memory_space<vmem>> -> memref<8x128xi32, #tpu.memory_space<vmem>>
    %dma_wait3A_502 = arith.constant 0 : i32
    %dma_wait3A_503 = arith.constant 0 : i32
    %dma_wait3A_504 = tpu.memref_slice %arg2[%dma_wait3A_487, %dma_wait3A_488, %dma_wait3A_502, %dma_wait3A_503] : memref<25x32x8x128xi32, #tpu.memory_space<hbm>> -> memref<1x1x8x128xi32, #tpu.memory_space<hbm>>
    %dma_wait3A_505 = tpu.memref_squeeze %dma_wait3A_504 : memref<1x1x8x128xi32, #tpu.memory_space<hbm>> -> memref<8x128xi32, #tpu.memory_space<hbm>>
    tpu.wait_dma2 semaphore(%arg10 : memref<!tpu.dma_semaphore, #tpu.memory_space<semaphore_mem>>) src(%dma_wait3A_505 : memref<8x128xi32, #tpu.memory_space<hbm>>) dst(%dma_wait3A_501 : memref<8x128xi32, #tpu.memory_space<vmem>>)
    %dma_wait3A_506 = arith.constant 0 : i32
    %dma_wait3A_507 = arith.constant 0 : i32
    %dma_wait3A_508 = arith.constant 3 : i32
    %dma_wait3A_509 = arith.constant 0 : i32
    %dma_wait3A_510 = arith.constant 0 : i32
    %dma_wait3A_511 = tpu.memref_slice %arg6[%dma_wait3A_508, %dma_wait3A_509, %dma_wait3A_510] : memref<25x8x128xi32, #tpu.memory_space<vmem>> -> memref<1x8x128xi32, #tpu.memory_space<vmem>>
    %dma_wait3A_512 = tpu.memref_squeeze %dma_wait3A_511 : memref<1x8x128xi32, #tpu.memory_space<vmem>> -> memref<8x128xi32, #tpu.memory_space<vmem>>
    %dma_wait3A_513 = arith.constant 0 : i32
    %dma_wait3A_514 = arith.constant 0 : i32
    %dma_wait3A_515 = tpu.memref_slice %arg2[%dma_wait3A_506, %dma_wait3A_507, %dma_wait3A_513, %dma_wait3A_514] : memref<25x32x8x128xi32, #tpu.memory_space<hbm>> -> memref<1x1x8x128xi32, #tpu.memory_space<hbm>>
    %dma_wait3A_516 = tpu.memref_squeeze %dma_wait3A_515 : memref<1x1x8x128xi32, #tpu.memory_space<hbm>> -> memref<8x128xi32, #tpu.memory_space<hbm>>
    %dma_wait3A_517 = arith.constant 0 : i32
    %dma_wait3A_518 = arith.constant 0 : i32
    %dma_wait3A_519 = tpu.memref_slice %arg6[%dma_wait3A_508, %dma_wait3A_517, %dma_wait3A_518] : memref<25x8x128xi32, #tpu.memory_space<vmem>> -> memref<1x8x128xi32, #tpu.memory_space<vmem>>
    %dma_wait3A_520 = tpu.memref_squeeze %dma_wait3A_519 : memref<1x8x128xi32, #tpu.memory_space<vmem>> -> memref<8x128xi32, #tpu.memory_space<vmem>>
    %dma_wait3A_521 = arith.constant 0 : i32
    %dma_wait3A_522 = arith.constant 0 : i32
    %dma_wait3A_523 = tpu.memref_slice %arg2[%dma_wait3A_506, %dma_wait3A_507, %dma_wait3A_521, %dma_wait3A_522] : memref<25x32x8x128xi32, #tpu.memory_space<hbm>> -> memref<1x1x8x128xi32, #tpu.memory_space<hbm>>
    %dma_wait3A_524 = tpu.memref_squeeze %dma_wait3A_523 : memref<1x1x8x128xi32, #tpu.memory_space<hbm>> -> memref<8x128xi32, #tpu.memory_space<hbm>>
    tpu.wait_dma2 semaphore(%arg10 : memref<!tpu.dma_semaphore, #tpu.memory_space<semaphore_mem>>) src(%dma_wait3A_524 : memref<8x128xi32, #tpu.memory_space<hbm>>) dst(%dma_wait3A_520 : memref<8x128xi32, #tpu.memory_space<vmem>>)
    %dma_wait3A_525 = arith.constant 0 : i32
    %dma_wait3A_526 = arith.constant 0 : i32
    %dma_wait3A_527 = arith.constant 4 : i32
    %dma_wait3A_528 = arith.constant 0 : i32
    %dma_wait3A_529 = arith.constant 0 : i32
    %dma_wait3A_530 = tpu.memref_slice %arg6[%dma_wait3A_527, %dma_wait3A_528, %dma_wait3A_529] : memref<25x8x128xi32, #tpu.memory_space<vmem>> -> memref<1x8x128xi32, #tpu.memory_space<vmem>>
    %dma_wait3A_531 = tpu.memref_squeeze %dma_wait3A_530 : memref<1x8x128xi32, #tpu.memory_space<vmem>> -> memref<8x128xi32, #tpu.memory_space<vmem>>
    %dma_wait3A_532 = arith.constant 0 : i32
    %dma_wait3A_533 = arith.constant 0 : i32
    %dma_wait3A_534 = tpu.memref_slice %arg2[%dma_wait3A_525, %dma_wait3A_526, %dma_wait3A_532, %dma_wait3A_533] : memref<25x32x8x128xi32, #tpu.memory_space<hbm>> -> memref<1x1x8x128xi32, #tpu.memory_space<hbm>>
    %dma_wait3A_535 = tpu.memref_squeeze %dma_wait3A_534 : memref<1x1x8x128xi32, #tpu.memory_space<hbm>> -> memref<8x128xi32, #tpu.memory_space<hbm>>
    %dma_wait3A_536 = arith.constant 0 : i32
    %dma_wait3A_537 = arith.constant 0 : i32
    %dma_wait3A_538 = tpu.memref_slice %arg6[%dma_wait3A_527, %dma_wait3A_536, %dma_wait3A_537] : memref<25x8x128xi32, #tpu.memory_space<vmem>> -> memref<1x8x128xi32, #tpu.memory_space<vmem>>
    %dma_wait3A_539 = tpu.memref_squeeze %dma_wait3A_538 : memref<1x8x128xi32, #tpu.memory_space<vmem>> -> memref<8x128xi32, #tpu.memory_space<vmem>>
    %dma_wait3A_540 = arith.constant 0 : i32
    %dma_wait3A_541 = arith.constant 0 : i32
    %dma_wait3A_542 = tpu.memref_slice %arg2[%dma_wait3A_525, %dma_wait3A_526, %dma_wait3A_540, %dma_wait3A_541] : memref<25x32x8x128xi32, #tpu.memory_space<hbm>> -> memref<1x1x8x128xi32, #tpu.memory_space<hbm>>
    %dma_wait3A_543 = tpu.memref_squeeze %dma_wait3A_542 : memref<1x1x8x128xi32, #tpu.memory_space<hbm>> -> memref<8x128xi32, #tpu.memory_space<hbm>>
    tpu.wait_dma2 semaphore(%arg10 : memref<!tpu.dma_semaphore, #tpu.memory_space<semaphore_mem>>) src(%dma_wait3A_543 : memref<8x128xi32, #tpu.memory_space<hbm>>) dst(%dma_wait3A_539 : memref<8x128xi32, #tpu.memory_space<vmem>>)
    %dma_wait3A_544 = arith.constant 0 : i32
    %dma_wait3A_545 = arith.constant 0 : i32
    %dma_wait3A_546 = arith.constant 5 : i32
    %dma_wait3A_547 = arith.constant 0 : i32
    %dma_wait3A_548 = arith.constant 0 : i32
    %dma_wait3A_549 = tpu.memref_slice %arg6[%dma_wait3A_546, %dma_wait3A_547, %dma_wait3A_548] : memref<25x8x128xi32, #tpu.memory_space<vmem>> -> memref<1x8x128xi32, #tpu.memory_space<vmem>>
    %dma_wait3A_550 = tpu.memref_squeeze %dma_wait3A_549 : memref<1x8x128xi32, #tpu.memory_space<vmem>> -> memref<8x128xi32, #tpu.memory_space<vmem>>
    %dma_wait3A_551 = arith.constant 0 : i32
    %dma_wait3A_552 = arith.constant 0 : i32
    %dma_wait3A_553 = tpu.memref_slice %arg2[%dma_wait3A_544, %dma_wait3A_545, %dma_wait3A_551, %dma_wait3A_552] : memref<25x32x8x128xi32, #tpu.memory_space<hbm>> -> memref<1x1x8x128xi32, #tpu.memory_space<hbm>>
    %dma_wait3A_554 = tpu.memref_squeeze %dma_wait3A_553 : memref<1x1x8x128xi32, #tpu.memory_space<hbm>> -> memref<8x128xi32, #tpu.memory_space<hbm>>
    %dma_wait3A_555 = arith.constant 0 : i32
    %dma_wait3A_556 = arith.constant 0 : i32
    %dma_wait3A_557 = tpu.memref_slice %arg6[%dma_wait3A_546, %dma_wait3A_555, %dma_wait3A_556] : memref<25x8x128xi32, #tpu.memory_space<vmem>> -> memref<1x8x128xi32, #tpu.memory_space<vmem>>
    %dma_wait3A_558 = tpu.memref_squeeze %dma_wait3A_557 : memref<1x8x128xi32, #tpu.memory_space<vmem>> -> memref<8x128xi32, #tpu.memory_space<vmem>>
    %dma_wait3A_559 = arith.constant 0 : i32
    %dma_wait3A_560 = arith.constant 0 : i32
    %dma_wait3A_561 = tpu.memref_slice %arg2[%dma_wait3A_544, %dma_wait3A_545, %dma_wait3A_559, %dma_wait3A_560] : memref<25x32x8x128xi32, #tpu.memory_space<hbm>> -> memref<1x1x8x128xi32, #tpu.memory_space<hbm>>
    %dma_wait3A_562 = tpu.memref_squeeze %dma_wait3A_561 : memref<1x1x8x128xi32, #tpu.memory_space<hbm>> -> memref<8x128xi32, #tpu.memory_space<hbm>>
    tpu.wait_dma2 semaphore(%arg10 : memref<!tpu.dma_semaphore, #tpu.memory_space<semaphore_mem>>) src(%dma_wait3A_562 : memref<8x128xi32, #tpu.memory_space<hbm>>) dst(%dma_wait3A_558 : memref<8x128xi32, #tpu.memory_space<vmem>>)
    %dma_wait3A_563 = arith.constant 0 : i32
    %dma_wait3A_564 = arith.constant 0 : i32
    %dma_wait3A_565 = arith.constant 6 : i32
    %dma_wait3A_566 = arith.constant 0 : i32
    %dma_wait3A_567 = arith.constant 0 : i32
    %dma_wait3A_568 = tpu.memref_slice %arg6[%dma_wait3A_565, %dma_wait3A_566, %dma_wait3A_567] : memref<25x8x128xi32, #tpu.memory_space<vmem>> -> memref<1x8x128xi32, #tpu.memory_space<vmem>>
    %dma_wait3A_569 = tpu.memref_squeeze %dma_wait3A_568 : memref<1x8x128xi32, #tpu.memory_space<vmem>> -> memref<8x128xi32, #tpu.memory_space<vmem>>
    %dma_wait3A_570 = arith.constant 0 : i32
    %dma_wait3A_571 = arith.constant 0 : i32
    %dma_wait3A_572 = tpu.memref_slice %arg2[%dma_wait3A_563, %dma_wait3A_564, %dma_wait3A_570, %dma_wait3A_571] : memref<25x32x8x128xi32, #tpu.memory_space<hbm>> -> memref<1x1x8x128xi32, #tpu.memory_space<hbm>>
    %dma_wait3A_573 = tpu.memref_squeeze %dma_wait3A_572 : memref<1x1x8x128xi32, #tpu.memory_space<hbm>> -> memref<8x128xi32, #tpu.memory_space<hbm>>
    %dma_wait3A_574 = arith.constant 0 : i32
    %dma_wait3A_575 = arith.constant 0 : i32
    %dma_wait3A_576 = tpu.memref_slice %arg6[%dma_wait3A_565, %dma_wait3A_574, %dma_wait3A_575] : memref<25x8x128xi32, #tpu.memory_space<vmem>> -> memref<1x8x128xi32, #tpu.memory_space<vmem>>
    %dma_wait3A_577 = tpu.memref_squeeze %dma_wait3A_576 : memref<1x8x128xi32, #tpu.memory_space<vmem>> -> memref<8x128xi32, #tpu.memory_space<vmem>>
    %dma_wait3A_578 = arith.constant 0 : i32
    %dma_wait3A_579 = arith.constant 0 : i32
    %dma_wait3A_580 = tpu.memref_slice %arg2[%dma_wait3A_563, %dma_wait3A_564, %dma_wait3A_578, %dma_wait3A_579] : memref<25x32x8x128xi32, #tpu.memory_space<hbm>> -> memref<1x1x8x128xi32, #tpu.memory_space<hbm>>
    %dma_wait3A_581 = tpu.memref_squeeze %dma_wait3A_580 : memref<1x1x8x128xi32, #tpu.memory_space<hbm>> -> memref<8x128xi32, #tpu.memory_space<hbm>>
    tpu.wait_dma2 semaphore(%arg10 : memref<!tpu.dma_semaphore, #tpu.memory_space<semaphore_mem>>) src(%dma_wait3A_581 : memref<8x128xi32, #tpu.memory_space<hbm>>) dst(%dma_wait3A_577 : memref<8x128xi32, #tpu.memory_space<vmem>>)
    %dma_wait3A_582 = arith.constant 0 : i32
    %dma_wait3A_583 = arith.constant 0 : i32
    %dma_wait3A_584 = arith.constant 7 : i32
    %dma_wait3A_585 = arith.constant 0 : i32
    %dma_wait3A_586 = arith.constant 0 : i32
    %dma_wait3A_587 = tpu.memref_slice %arg6[%dma_wait3A_584, %dma_wait3A_585, %dma_wait3A_586] : memref<25x8x128xi32, #tpu.memory_space<vmem>> -> memref<1x8x128xi32, #tpu.memory_space<vmem>>
    %dma_wait3A_588 = tpu.memref_squeeze %dma_wait3A_587 : memref<1x8x128xi32, #tpu.memory_space<vmem>> -> memref<8x128xi32, #tpu.memory_space<vmem>>
    %dma_wait3A_589 = arith.constant 0 : i32
    %dma_wait3A_590 = arith.constant 0 : i32
    %dma_wait3A_591 = tpu.memref_slice %arg2[%dma_wait3A_582, %dma_wait3A_583, %dma_wait3A_589, %dma_wait3A_590] : memref<25x32x8x128xi32, #tpu.memory_space<hbm>> -> memref<1x1x8x128xi32, #tpu.memory_space<hbm>>
    %dma_wait3A_592 = tpu.memref_squeeze %dma_wait3A_591 : memref<1x1x8x128xi32, #tpu.memory_space<hbm>> -> memref<8x128xi32, #tpu.memory_space<hbm>>
    %dma_wait3A_593 = arith.constant 0 : i32
    %dma_wait3A_594 = arith.constant 0 : i32
    %dma_wait3A_595 = tpu.memref_slice %arg6[%dma_wait3A_584, %dma_wait3A_593, %dma_wait3A_594] : memref<25x8x128xi32, #tpu.memory_space<vmem>> -> memref<1x8x128xi32, #tpu.memory_space<vmem>>
    %dma_wait3A_596 = tpu.memref_squeeze %dma_wait3A_595 : memref<1x8x128xi32, #tpu.memory_space<vmem>> -> memref<8x128xi32, #tpu.memory_space<vmem>>
    %dma_wait3A_597 = arith.constant 0 : i32
    %dma_wait3A_598 = arith.constant 0 : i32
    %dma_wait3A_599 = tpu.memref_slice %arg2[%dma_wait3A_582, %dma_wait3A_583, %dma_wait3A_597, %dma_wait3A_598] : memref<25x32x8x128xi32, #tpu.memory_space<hbm>> -> memref<1x1x8x128xi32, #tpu.memory_space<hbm>>
    %dma_wait3A_600 = tpu.memref_squeeze %dma_wait3A_599 : memref<1x1x8x128xi32, #tpu.memory_space<hbm>> -> memref<8x128xi32, #tpu.memory_space<hbm>>
    tpu.wait_dma2 semaphore(%arg10 : memref<!tpu.dma_semaphore, #tpu.memory_space<semaphore_mem>>) src(%dma_wait3A_600 : memref<8x128xi32, #tpu.memory_space<hbm>>) dst(%dma_wait3A_596 : memref<8x128xi32, #tpu.memory_space<vmem>>)
    %dma_wait3A_601 = arith.constant 0 : i32
    %dma_wait3A_602 = arith.constant 0 : i32
    %dma_wait3A_603 = arith.constant 8 : i32
    %dma_wait3A_604 = arith.constant 0 : i32
    %dma_wait3A_605 = arith.constant 0 : i32
    %dma_wait3A_606 = tpu.memref_slice %arg6[%dma_wait3A_603, %dma_wait3A_604, %dma_wait3A_605] : memref<25x8x128xi32, #tpu.memory_space<vmem>> -> memref<1x8x128xi32, #tpu.memory_space<vmem>>
    %dma_wait3A_607 = tpu.memref_squeeze %dma_wait3A_606 : memref<1x8x128xi32, #tpu.memory_space<vmem>> -> memref<8x128xi32, #tpu.memory_space<vmem>>
    %dma_wait3A_608 = arith.constant 0 : i32
    %dma_wait3A_609 = arith.constant 0 : i32
    %dma_wait3A_610 = tpu.memref_slice %arg2[%dma_wait3A_601, %dma_wait3A_602, %dma_wait3A_608, %dma_wait3A_609] : memref<25x32x8x128xi32, #tpu.memory_space<hbm>> -> memref<1x1x8x128xi32, #tpu.memory_space<hbm>>
    %dma_wait3A_611 = tpu.memref_squeeze %dma_wait3A_610 : memref<1x1x8x128xi32, #tpu.memory_space<hbm>> -> memref<8x128xi32, #tpu.memory_space<hbm>>
    %dma_wait3A_612 = arith.constant 0 : i32
    %dma_wait3A_613 = arith.constant 0 : i32
    %dma_wait3A_614 = tpu.memref_slice %arg6[%dma_wait3A_603, %dma_wait3A_612, %dma_wait3A_613] : memref<25x8x128xi32, #tpu.memory_space<vmem>> -> memref<1x8x128xi32, #tpu.memory_space<vmem>>
    %dma_wait3A_615 = tpu.memref_squeeze %dma_wait3A_614 : memref<1x8x128xi32, #tpu.memory_space<vmem>> -> memref<8x128xi32, #tpu.memory_space<vmem>>
    %dma_wait3A_616 = arith.constant 0 : i32
    %dma_wait3A_617 = arith.constant 0 : i32
    %dma_wait3A_618 = tpu.memref_slice %arg2[%dma_wait3A_601, %dma_wait3A_602, %dma_wait3A_616, %dma_wait3A_617] : memref<25x32x8x128xi32, #tpu.memory_space<hbm>> -> memref<1x1x8x128xi32, #tpu.memory_space<hbm>>
    %dma_wait3A_619 = tpu.memref_squeeze %dma_wait3A_618 : memref<1x1x8x128xi32, #tpu.memory_space<hbm>> -> memref<8x128xi32, #tpu.memory_space<hbm>>
    tpu.wait_dma2 semaphore(%arg10 : memref<!tpu.dma_semaphore, #tpu.memory_space<semaphore_mem>>) src(%dma_wait3A_619 : memref<8x128xi32, #tpu.memory_space<hbm>>) dst(%dma_wait3A_615 : memref<8x128xi32, #tpu.memory_space<vmem>>)
    %dma_wait3A_620 = arith.constant 0 : i32
    %dma_wait3A_621 = arith.constant 0 : i32
    %dma_wait3A_622 = arith.constant 9 : i32
    %dma_wait3A_623 = arith.constant 0 : i32
    %dma_wait3A_624 = arith.constant 0 : i32
    %dma_wait3A_625 = tpu.memref_slice %arg6[%dma_wait3A_622, %dma_wait3A_623, %dma_wait3A_624] : memref<25x8x128xi32, #tpu.memory_space<vmem>> -> memref<1x8x128xi32, #tpu.memory_space<vmem>>
    %dma_wait3A_626 = tpu.memref_squeeze %dma_wait3A_625 : memref<1x8x128xi32, #tpu.memory_space<vmem>> -> memref<8x128xi32, #tpu.memory_space<vmem>>
    %dma_wait3A_627 = arith.constant 0 : i32
    %dma_wait3A_628 = arith.constant 0 : i32
    %dma_wait3A_629 = tpu.memref_slice %arg2[%dma_wait3A_620, %dma_wait3A_621, %dma_wait3A_627, %dma_wait3A_628] : memref<25x32x8x128xi32, #tpu.memory_space<hbm>> -> memref<1x1x8x128xi32, #tpu.memory_space<hbm>>
    %dma_wait3A_630 = tpu.memref_squeeze %dma_wait3A_629 : memref<1x1x8x128xi32, #tpu.memory_space<hbm>> -> memref<8x128xi32, #tpu.memory_space<hbm>>
    %dma_wait3A_631 = arith.constant 0 : i32
    %dma_wait3A_632 = arith.constant 0 : i32
    %dma_wait3A_633 = tpu.memref_slice %arg6[%dma_wait3A_622, %dma_wait3A_631, %dma_wait3A_632] : memref<25x8x128xi32, #tpu.memory_space<vmem>> -> memref<1x8x128xi32, #tpu.memory_space<vmem>>
    %dma_wait3A_634 = tpu.memref_squeeze %dma_wait3A_633 : memref<1x8x128xi32, #tpu.memory_space<vmem>> -> memref<8x128xi32, #tpu.memory_space<vmem>>
    %dma_wait3A_635 = arith.constant 0 : i32
    %dma_wait3A_636 = arith.constant 0 : i32
    %dma_wait3A_637 = tpu.memref_slice %arg2[%dma_wait3A_620, %dma_wait3A_621, %dma_wait3A_635, %dma_wait3A_636] : memref<25x32x8x128xi32, #tpu.memory_space<hbm>> -> memref<1x1x8x128xi32, #tpu.memory_space<hbm>>
    %dma_wait3A_638 = tpu.memref_squeeze %dma_wait3A_637 : memref<1x1x8x128xi32, #tpu.memory_space<hbm>> -> memref<8x128xi32, #tpu.memory_space<hbm>>
    tpu.wait_dma2 semaphore(%arg10 : memref<!tpu.dma_semaphore, #tpu.memory_space<semaphore_mem>>) src(%dma_wait3A_638 : memref<8x128xi32, #tpu.memory_space<hbm>>) dst(%dma_wait3A_634 : memref<8x128xi32, #tpu.memory_space<vmem>>)
    %dma_wait3A_639 = arith.constant 0 : i32
    %dma_wait3A_640 = arith.constant 0 : i32
    %dma_wait3A_641 = arith.constant 10 : i32
    %dma_wait3A_642 = arith.constant 0 : i32
    %dma_wait3A_643 = arith.constant 0 : i32
    %dma_wait3A_644 = tpu.memref_slice %arg6[%dma_wait3A_641, %dma_wait3A_642, %dma_wait3A_643] : memref<25x8x128xi32, #tpu.memory_space<vmem>> -> memref<1x8x128xi32, #tpu.memory_space<vmem>>
    %dma_wait3A_645 = tpu.memref_squeeze %dma_wait3A_644 : memref<1x8x128xi32, #tpu.memory_space<vmem>> -> memref<8x128xi32, #tpu.memory_space<vmem>>
    %dma_wait3A_646 = arith.constant 0 : i32
    %dma_wait3A_647 = arith.constant 0 : i32
    %dma_wait3A_648 = tpu.memref_slice %arg2[%dma_wait3A_639, %dma_wait3A_640, %dma_wait3A_646, %dma_wait3A_647] : memref<25x32x8x128xi32, #tpu.memory_space<hbm>> -> memref<1x1x8x128xi32, #tpu.memory_space<hbm>>
    %dma_wait3A_649 = tpu.memref_squeeze %dma_wait3A_648 : memref<1x1x8x128xi32, #tpu.memory_space<hbm>> -> memref<8x128xi32, #tpu.memory_space<hbm>>
    %dma_wait3A_650 = arith.constant 0 : i32
    %dma_wait3A_651 = arith.constant 0 : i32
    %dma_wait3A_652 = tpu.memref_slice %arg6[%dma_wait3A_641, %dma_wait3A_650, %dma_wait3A_651] : memref<25x8x128xi32, #tpu.memory_space<vmem>> -> memref<1x8x128xi32, #tpu.memory_space<vmem>>
    %dma_wait3A_653 = tpu.memref_squeeze %dma_wait3A_652 : memref<1x8x128xi32, #tpu.memory_space<vmem>> -> memref<8x128xi32, #tpu.memory_space<vmem>>
    %dma_wait3A_654 = arith.constant 0 : i32
    %dma_wait3A_655 = arith.constant 0 : i32
    %dma_wait3A_656 = tpu.memref_slice %arg2[%dma_wait3A_639, %dma_wait3A_640, %dma_wait3A_654, %dma_wait3A_655] : memref<25x32x8x128xi32, #tpu.memory_space<hbm>> -> memref<1x1x8x128xi32, #tpu.memory_space<hbm>>
    %dma_wait3A_657 = tpu.memref_squeeze %dma_wait3A_656 : memref<1x1x8x128xi32, #tpu.memory_space<hbm>> -> memref<8x128xi32, #tpu.memory_space<hbm>>
    tpu.wait_dma2 semaphore(%arg10 : memref<!tpu.dma_semaphore, #tpu.memory_space<semaphore_mem>>) src(%dma_wait3A_657 : memref<8x128xi32, #tpu.memory_space<hbm>>) dst(%dma_wait3A_653 : memref<8x128xi32, #tpu.memory_space<vmem>>)
    %dma_wait3A_658 = arith.constant 0 : i32
    %dma_wait3A_659 = arith.constant 0 : i32
    %dma_wait3A_660 = arith.constant 11 : i32
    %dma_wait3A_661 = arith.constant 0 : i32
    %dma_wait3A_662 = arith.constant 0 : i32
    %dma_wait3A_663 = tpu.memref_slice %arg6[%dma_wait3A_660, %dma_wait3A_661, %dma_wait3A_662] : memref<25x8x128xi32, #tpu.memory_space<vmem>> -> memref<1x8x128xi32, #tpu.memory_space<vmem>>
    %dma_wait3A_664 = tpu.memref_squeeze %dma_wait3A_663 : memref<1x8x128xi32, #tpu.memory_space<vmem>> -> memref<8x128xi32, #tpu.memory_space<vmem>>
    %dma_wait3A_665 = arith.constant 0 : i32
    %dma_wait3A_666 = arith.constant 0 : i32
    %dma_wait3A_667 = tpu.memref_slice %arg2[%dma_wait3A_658, %dma_wait3A_659, %dma_wait3A_665, %dma_wait3A_666] : memref<25x32x8x128xi32, #tpu.memory_space<hbm>> -> memref<1x1x8x128xi32, #tpu.memory_space<hbm>>
    %dma_wait3A_668 = tpu.memref_squeeze %dma_wait3A_667 : memref<1x1x8x128xi32, #tpu.memory_space<hbm>> -> memref<8x128xi32, #tpu.memory_space<hbm>>
    %dma_wait3A_669 = arith.constant 0 : i32
    %dma_wait3A_670 = arith.constant 0 : i32
    %dma_wait3A_671 = tpu.memref_slice %arg6[%dma_wait3A_660, %dma_wait3A_669, %dma_wait3A_670] : memref<25x8x128xi32, #tpu.memory_space<vmem>> -> memref<1x8x128xi32, #tpu.memory_space<vmem>>
    %dma_wait3A_672 = tpu.memref_squeeze %dma_wait3A_671 : memref<1x8x128xi32, #tpu.memory_space<vmem>> -> memref<8x128xi32, #tpu.memory_space<vmem>>
    %dma_wait3A_673 = arith.constant 0 : i32
    %dma_wait3A_674 = arith.constant 0 : i32
    %dma_wait3A_675 = tpu.memref_slice %arg2[%dma_wait3A_658, %dma_wait3A_659, %dma_wait3A_673, %dma_wait3A_674] : memref<25x32x8x128xi32, #tpu.memory_space<hbm>> -> memref<1x1x8x128xi32, #tpu.memory_space<hbm>>
    %dma_wait3A_676 = tpu.memref_squeeze %dma_wait3A_675 : memref<1x1x8x128xi32, #tpu.memory_space<hbm>> -> memref<8x128xi32, #tpu.memory_space<hbm>>
    tpu.wait_dma2 semaphore(%arg10 : memref<!tpu.dma_semaphore, #tpu.memory_space<semaphore_mem>>) src(%dma_wait3A_676 : memref<8x128xi32, #tpu.memory_space<hbm>>) dst(%dma_wait3A_672 : memref<8x128xi32, #tpu.memory_space<vmem>>)
    %dma_wait3A_677 = arith.constant 0 : i32
    %dma_wait3A_678 = arith.constant 0 : i32
    %dma_wait3A_679 = arith.constant 12 : i32
    %dma_wait3A_680 = arith.constant 0 : i32
    %dma_wait3A_681 = arith.constant 0 : i32
    %dma_wait3A_682 = tpu.memref_slice %arg6[%dma_wait3A_679, %dma_wait3A_680, %dma_wait3A_681] : memref<25x8x128xi32, #tpu.memory_space<vmem>> -> memref<1x8x128xi32, #tpu.memory_space<vmem>>
    %dma_wait3A_683 = tpu.memref_squeeze %dma_wait3A_682 : memref<1x8x128xi32, #tpu.memory_space<vmem>> -> memref<8x128xi32, #tpu.memory_space<vmem>>
    %dma_wait3A_684 = arith.constant 0 : i32
    %dma_wait3A_685 = arith.constant 0 : i32
    %dma_wait3A_686 = tpu.memref_slice %arg2[%dma_wait3A_677, %dma_wait3A_678, %dma_wait3A_684, %dma_wait3A_685] : memref<25x32x8x128xi32, #tpu.memory_space<hbm>> -> memref<1x1x8x128xi32, #tpu.memory_space<hbm>>
    %dma_wait3A_687 = tpu.memref_squeeze %dma_wait3A_686 : memref<1x1x8x128xi32, #tpu.memory_space<hbm>> -> memref<8x128xi32, #tpu.memory_space<hbm>>
    %dma_wait3A_688 = arith.constant 0 : i32
    %dma_wait3A_689 = arith.constant 0 : i32
    %dma_wait3A_690 = tpu.memref_slice %arg6[%dma_wait3A_679, %dma_wait3A_688, %dma_wait3A_689] : memref<25x8x128xi32, #tpu.memory_space<vmem>> -> memref<1x8x128xi32, #tpu.memory_space<vmem>>
    %dma_wait3A_691 = tpu.memref_squeeze %dma_wait3A_690 : memref<1x8x128xi32, #tpu.memory_space<vmem>> -> memref<8x128xi32, #tpu.memory_space<vmem>>
    %dma_wait3A_692 = arith.constant 0 : i32
    %dma_wait3A_693 = arith.constant 0 : i32
    %dma_wait3A_694 = tpu.memref_slice %arg2[%dma_wait3A_677, %dma_wait3A_678, %dma_wait3A_692, %dma_wait3A_693] : memref<25x32x8x128xi32, #tpu.memory_space<hbm>> -> memref<1x1x8x128xi32, #tpu.memory_space<hbm>>
    %dma_wait3A_695 = tpu.memref_squeeze %dma_wait3A_694 : memref<1x1x8x128xi32, #tpu.memory_space<hbm>> -> memref<8x128xi32, #tpu.memory_space<hbm>>
    tpu.wait_dma2 semaphore(%arg10 : memref<!tpu.dma_semaphore, #tpu.memory_space<semaphore_mem>>) src(%dma_wait3A_695 : memref<8x128xi32, #tpu.memory_space<hbm>>) dst(%dma_wait3A_691 : memref<8x128xi32, #tpu.memory_space<vmem>>)
    %dma_wait3A_696 = arith.constant 0 : i32
    %dma_wait3A_697 = arith.constant 0 : i32
    %dma_wait3A_698 = arith.constant 13 : i32
    %dma_wait3A_699 = arith.constant 0 : i32
    %dma_wait3A_700 = arith.constant 0 : i32
    %dma_wait3A_701 = tpu.memref_slice %arg6[%dma_wait3A_698, %dma_wait3A_699, %dma_wait3A_700] : memref<25x8x128xi32, #tpu.memory_space<vmem>> -> memref<1x8x128xi32, #tpu.memory_space<vmem>>
    %dma_wait3A_702 = tpu.memref_squeeze %dma_wait3A_701 : memref<1x8x128xi32, #tpu.memory_space<vmem>> -> memref<8x128xi32, #tpu.memory_space<vmem>>
    %dma_wait3A_703 = arith.constant 0 : i32
    %dma_wait3A_704 = arith.constant 0 : i32
    %dma_wait3A_705 = tpu.memref_slice %arg2[%dma_wait3A_696, %dma_wait3A_697, %dma_wait3A_703, %dma_wait3A_704] : memref<25x32x8x128xi32, #tpu.memory_space<hbm>> -> memref<1x1x8x128xi32, #tpu.memory_space<hbm>>
    %dma_wait3A_706 = tpu.memref_squeeze %dma_wait3A_705 : memref<1x1x8x128xi32, #tpu.memory_space<hbm>> -> memref<8x128xi32, #tpu.memory_space<hbm>>
    %dma_wait3A_707 = arith.constant 0 : i32
    %dma_wait3A_708 = arith.constant 0 : i32
    %dma_wait3A_709 = tpu.memref_slice %arg6[%dma_wait3A_698, %dma_wait3A_707, %dma_wait3A_708] : memref<25x8x128xi32, #tpu.memory_space<vmem>> -> memref<1x8x128xi32, #tpu.memory_space<vmem>>
    %dma_wait3A_710 = tpu.memref_squeeze %dma_wait3A_709 : memref<1x8x128xi32, #tpu.memory_space<vmem>> -> memref<8x128xi32, #tpu.memory_space<vmem>>
    %dma_wait3A_711 = arith.constant 0 : i32
    %dma_wait3A_712 = arith.constant 0 : i32
    %dma_wait3A_713 = tpu.memref_slice %arg2[%dma_wait3A_696, %dma_wait3A_697, %dma_wait3A_711, %dma_wait3A_712] : memref<25x32x8x128xi32, #tpu.memory_space<hbm>> -> memref<1x1x8x128xi32, #tpu.memory_space<hbm>>
    %dma_wait3A_714 = tpu.memref_squeeze %dma_wait3A_713 : memref<1x1x8x128xi32, #tpu.memory_space<hbm>> -> memref<8x128xi32, #tpu.memory_space<hbm>>
    tpu.wait_dma2 semaphore(%arg10 : memref<!tpu.dma_semaphore, #tpu.memory_space<semaphore_mem>>) src(%dma_wait3A_714 : memref<8x128xi32, #tpu.memory_space<hbm>>) dst(%dma_wait3A_710 : memref<8x128xi32, #tpu.memory_space<vmem>>)
    %dma_wait3A_715 = arith.constant 0 : i32
    %dma_wait3A_716 = arith.constant 0 : i32
    %dma_wait3A_717 = arith.constant 14 : i32
    %dma_wait3A_718 = arith.constant 0 : i32
    %dma_wait3A_719 = arith.constant 0 : i32
    %dma_wait3A_720 = tpu.memref_slice %arg6[%dma_wait3A_717, %dma_wait3A_718, %dma_wait3A_719] : memref<25x8x128xi32, #tpu.memory_space<vmem>> -> memref<1x8x128xi32, #tpu.memory_space<vmem>>
    %dma_wait3A_721 = tpu.memref_squeeze %dma_wait3A_720 : memref<1x8x128xi32, #tpu.memory_space<vmem>> -> memref<8x128xi32, #tpu.memory_space<vmem>>
    %dma_wait3A_722 = arith.constant 0 : i32
    %dma_wait3A_723 = arith.constant 0 : i32
    %dma_wait3A_724 = tpu.memref_slice %arg2[%dma_wait3A_715, %dma_wait3A_716, %dma_wait3A_722, %dma_wait3A_723] : memref<25x32x8x128xi32, #tpu.memory_space<hbm>> -> memref<1x1x8x128xi32, #tpu.memory_space<hbm>>
    %dma_wait3A_725 = tpu.memref_squeeze %dma_wait3A_724 : memref<1x1x8x128xi32, #tpu.memory_space<hbm>> -> memref<8x128xi32, #tpu.memory_space<hbm>>
    %dma_wait3A_726 = arith.constant 0 : i32
    %dma_wait3A_727 = arith.constant 0 : i32
    %dma_wait3A_728 = tpu.memref_slice %arg6[%dma_wait3A_717, %dma_wait3A_726, %dma_wait3A_727] : memref<25x8x128xi32, #tpu.memory_space<vmem>> -> memref<1x8x128xi32, #tpu.memory_space<vmem>>
    %dma_wait3A_729 = tpu.memref_squeeze %dma_wait3A_728 : memref<1x8x128xi32, #tpu.memory_space<vmem>> -> memref<8x128xi32, #tpu.memory_space<vmem>>
    %dma_wait3A_730 = arith.constant 0 : i32
    %dma_wait3A_731 = arith.constant 0 : i32
    %dma_wait3A_732 = tpu.memref_slice %arg2[%dma_wait3A_715, %dma_wait3A_716, %dma_wait3A_730, %dma_wait3A_731] : memref<25x32x8x128xi32, #tpu.memory_space<hbm>> -> memref<1x1x8x128xi32, #tpu.memory_space<hbm>>
    %dma_wait3A_733 = tpu.memref_squeeze %dma_wait3A_732 : memref<1x1x8x128xi32, #tpu.memory_space<hbm>> -> memref<8x128xi32, #tpu.memory_space<hbm>>
    tpu.wait_dma2 semaphore(%arg10 : memref<!tpu.dma_semaphore, #tpu.memory_space<semaphore_mem>>) src(%dma_wait3A_733 : memref<8x128xi32, #tpu.memory_space<hbm>>) dst(%dma_wait3A_729 : memref<8x128xi32, #tpu.memory_space<vmem>>)
    %dma_wait3A_734 = arith.constant 0 : i32
    %dma_wait3A_735 = arith.constant 0 : i32
    %dma_wait3A_736 = arith.constant 15 : i32
    %dma_wait3A_737 = arith.constant 0 : i32
    %dma_wait3A_738 = arith.constant 0 : i32
    %dma_wait3A_739 = tpu.memref_slice %arg6[%dma_wait3A_736, %dma_wait3A_737, %dma_wait3A_738] : memref<25x8x128xi32, #tpu.memory_space<vmem>> -> memref<1x8x128xi32, #tpu.memory_space<vmem>>
    %dma_wait3A_740 = tpu.memref_squeeze %dma_wait3A_739 : memref<1x8x128xi32, #tpu.memory_space<vmem>> -> memref<8x128xi32, #tpu.memory_space<vmem>>
    %dma_wait3A_741 = arith.constant 0 : i32
    %dma_wait3A_742 = arith.constant 0 : i32
    %dma_wait3A_743 = tpu.memref_slice %arg2[%dma_wait3A_734, %dma_wait3A_735, %dma_wait3A_741, %dma_wait3A_742] : memref<25x32x8x128xi32, #tpu.memory_space<hbm>> -> memref<1x1x8x128xi32, #tpu.memory_space<hbm>>
    %dma_wait3A_744 = tpu.memref_squeeze %dma_wait3A_743 : memref<1x1x8x128xi32, #tpu.memory_space<hbm>> -> memref<8x128xi32, #tpu.memory_space<hbm>>
    %dma_wait3A_745 = arith.constant 0 : i32
    %dma_wait3A_746 = arith.constant 0 : i32
    %dma_wait3A_747 = tpu.memref_slice %arg6[%dma_wait3A_736, %dma_wait3A_745, %dma_wait3A_746] : memref<25x8x128xi32, #tpu.memory_space<vmem>> -> memref<1x8x128xi32, #tpu.memory_space<vmem>>
    %dma_wait3A_748 = tpu.memref_squeeze %dma_wait3A_747 : memref<1x8x128xi32, #tpu.memory_space<vmem>> -> memref<8x128xi32, #tpu.memory_space<vmem>>
    %dma_wait3A_749 = arith.constant 0 : i32
    %dma_wait3A_750 = arith.constant 0 : i32
    %dma_wait3A_751 = tpu.memref_slice %arg2[%dma_wait3A_734, %dma_wait3A_735, %dma_wait3A_749, %dma_wait3A_750] : memref<25x32x8x128xi32, #tpu.memory_space<hbm>> -> memref<1x1x8x128xi32, #tpu.memory_space<hbm>>
    %dma_wait3A_752 = tpu.memref_squeeze %dma_wait3A_751 : memref<1x1x8x128xi32, #tpu.memory_space<hbm>> -> memref<8x128xi32, #tpu.memory_space<hbm>>
    tpu.wait_dma2 semaphore(%arg10 : memref<!tpu.dma_semaphore, #tpu.memory_space<semaphore_mem>>) src(%dma_wait3A_752 : memref<8x128xi32, #tpu.memory_space<hbm>>) dst(%dma_wait3A_748 : memref<8x128xi32, #tpu.memory_space<vmem>>)
    %dma_wait3A_753 = arith.constant 0 : i32
    %dma_wait3A_754 = arith.constant 0 : i32
    %dma_wait3A_755 = arith.constant 16 : i32
    %dma_wait3A_756 = arith.constant 0 : i32
    %dma_wait3A_757 = arith.constant 0 : i32
    %dma_wait3A_758 = tpu.memref_slice %arg6[%dma_wait3A_755, %dma_wait3A_756, %dma_wait3A_757] : memref<25x8x128xi32, #tpu.memory_space<vmem>> -> memref<1x8x128xi32, #tpu.memory_space<vmem>>
    %dma_wait3A_759 = tpu.memref_squeeze %dma_wait3A_758 : memref<1x8x128xi32, #tpu.memory_space<vmem>> -> memref<8x128xi32, #tpu.memory_space<vmem>>
    %dma_wait3A_760 = arith.constant 0 : i32
    %dma_wait3A_761 = arith.constant 0 : i32
    %dma_wait3A_762 = tpu.memref_slice %arg2[%dma_wait3A_753, %dma_wait3A_754, %dma_wait3A_760, %dma_wait3A_761] : memref<25x32x8x128xi32, #tpu.memory_space<hbm>> -> memref<1x1x8x128xi32, #tpu.memory_space<hbm>>
    %dma_wait3A_763 = tpu.memref_squeeze %dma_wait3A_762 : memref<1x1x8x128xi32, #tpu.memory_space<hbm>> -> memref<8x128xi32, #tpu.memory_space<hbm>>
    %dma_wait3A_764 = arith.constant 0 : i32
    %dma_wait3A_765 = arith.constant 0 : i32
    %dma_wait3A_766 = tpu.memref_slice %arg6[%dma_wait3A_755, %dma_wait3A_764, %dma_wait3A_765] : memref<25x8x128xi32, #tpu.memory_space<vmem>> -> memref<1x8x128xi32, #tpu.memory_space<vmem>>
    %dma_wait3A_767 = tpu.memref_squeeze %dma_wait3A_766 : memref<1x8x128xi32, #tpu.memory_space<vmem>> -> memref<8x128xi32, #tpu.memory_space<vmem>>
    %dma_wait3A_768 = arith.constant 0 : i32
    %dma_wait3A_769 = arith.constant 0 : i32
    %dma_wait3A_770 = tpu.memref_slice %arg2[%dma_wait3A_753, %dma_wait3A_754, %dma_wait3A_768, %dma_wait3A_769] : memref<25x32x8x128xi32, #tpu.memory_space<hbm>> -> memref<1x1x8x128xi32, #tpu.memory_space<hbm>>
    %dma_wait3A_771 = tpu.memref_squeeze %dma_wait3A_770 : memref<1x1x8x128xi32, #tpu.memory_space<hbm>> -> memref<8x128xi32, #tpu.memory_space<hbm>>
    tpu.wait_dma2 semaphore(%arg10 : memref<!tpu.dma_semaphore, #tpu.memory_space<semaphore_mem>>) src(%dma_wait3A_771 : memref<8x128xi32, #tpu.memory_space<hbm>>) dst(%dma_wait3A_767 : memref<8x128xi32, #tpu.memory_space<vmem>>)
    %dma_wait3A_772 = arith.constant 0 : i32
    %dma_wait3A_773 = arith.constant 0 : i32
    %dma_wait3A_774 = arith.constant 17 : i32
    %dma_wait3A_775 = arith.constant 0 : i32
    %dma_wait3A_776 = arith.constant 0 : i32
    %dma_wait3A_777 = tpu.memref_slice %arg6[%dma_wait3A_774, %dma_wait3A_775, %dma_wait3A_776] : memref<25x8x128xi32, #tpu.memory_space<vmem>> -> memref<1x8x128xi32, #tpu.memory_space<vmem>>
    %dma_wait3A_778 = tpu.memref_squeeze %dma_wait3A_777 : memref<1x8x128xi32, #tpu.memory_space<vmem>> -> memref<8x128xi32, #tpu.memory_space<vmem>>
    %dma_wait3A_779 = arith.constant 0 : i32
    %dma_wait3A_780 = arith.constant 0 : i32
    %dma_wait3A_781 = tpu.memref_slice %arg2[%dma_wait3A_772, %dma_wait3A_773, %dma_wait3A_779, %dma_wait3A_780] : memref<25x32x8x128xi32, #tpu.memory_space<hbm>> -> memref<1x1x8x128xi32, #tpu.memory_space<hbm>>
    %dma_wait3A_782 = tpu.memref_squeeze %dma_wait3A_781 : memref<1x1x8x128xi32, #tpu.memory_space<hbm>> -> memref<8x128xi32, #tpu.memory_space<hbm>>
    %dma_wait3A_783 = arith.constant 0 : i32
    %dma_wait3A_784 = arith.constant 0 : i32
    %dma_wait3A_785 = tpu.memref_slice %arg6[%dma_wait3A_774, %dma_wait3A_783, %dma_wait3A_784] : memref<25x8x128xi32, #tpu.memory_space<vmem>> -> memref<1x8x128xi32, #tpu.memory_space<vmem>>
    %dma_wait3A_786 = tpu.memref_squeeze %dma_wait3A_785 : memref<1x8x128xi32, #tpu.memory_space<vmem>> -> memref<8x128xi32, #tpu.memory_space<vmem>>
    %dma_wait3A_787 = arith.constant 0 : i32
    %dma_wait3A_788 = arith.constant 0 : i32
    %dma_wait3A_789 = tpu.memref_slice %arg2[%dma_wait3A_772, %dma_wait3A_773, %dma_wait3A_787, %dma_wait3A_788] : memref<25x32x8x128xi32, #tpu.memory_space<hbm>> -> memref<1x1x8x128xi32, #tpu.memory_space<hbm>>
    %dma_wait3A_790 = tpu.memref_squeeze %dma_wait3A_789 : memref<1x1x8x128xi32, #tpu.memory_space<hbm>> -> memref<8x128xi32, #tpu.memory_space<hbm>>
    tpu.wait_dma2 semaphore(%arg10 : memref<!tpu.dma_semaphore, #tpu.memory_space<semaphore_mem>>) src(%dma_wait3A_790 : memref<8x128xi32, #tpu.memory_space<hbm>>) dst(%dma_wait3A_786 : memref<8x128xi32, #tpu.memory_space<vmem>>)
    %dma_wait3A_791 = arith.constant 0 : i32
    %dma_wait3A_792 = arith.constant 0 : i32
    %dma_wait3A_793 = arith.constant 18 : i32
    %dma_wait3A_794 = arith.constant 0 : i32
    %dma_wait3A_795 = arith.constant 0 : i32
    %dma_wait3A_796 = tpu.memref_slice %arg6[%dma_wait3A_793, %dma_wait3A_794, %dma_wait3A_795] : memref<25x8x128xi32, #tpu.memory_space<vmem>> -> memref<1x8x128xi32, #tpu.memory_space<vmem>>
    %dma_wait3A_797 = tpu.memref_squeeze %dma_wait3A_796 : memref<1x8x128xi32, #tpu.memory_space<vmem>> -> memref<8x128xi32, #tpu.memory_space<vmem>>
    %dma_wait3A_798 = arith.constant 0 : i32
    %dma_wait3A_799 = arith.constant 0 : i32
    %dma_wait3A_800 = tpu.memref_slice %arg2[%dma_wait3A_791, %dma_wait3A_792, %dma_wait3A_798, %dma_wait3A_799] : memref<25x32x8x128xi32, #tpu.memory_space<hbm>> -> memref<1x1x8x128xi32, #tpu.memory_space<hbm>>
    %dma_wait3A_801 = tpu.memref_squeeze %dma_wait3A_800 : memref<1x1x8x128xi32, #tpu.memory_space<hbm>> -> memref<8x128xi32, #tpu.memory_space<hbm>>
    %dma_wait3A_802 = arith.constant 0 : i32
    %dma_wait3A_803 = arith.constant 0 : i32
    %dma_wait3A_804 = tpu.memref_slice %arg6[%dma_wait3A_793, %dma_wait3A_802, %dma_wait3A_803] : memref<25x8x128xi32, #tpu.memory_space<vmem>> -> memref<1x8x128xi32, #tpu.memory_space<vmem>>
    %dma_wait3A_805 = tpu.memref_squeeze %dma_wait3A_804 : memref<1x8x128xi32, #tpu.memory_space<vmem>> -> memref<8x128xi32, #tpu.memory_space<vmem>>
    %dma_wait3A_806 = arith.constant 0 : i32
    %dma_wait3A_807 = arith.constant 0 : i32
    %dma_wait3A_808 = tpu.memref_slice %arg2[%dma_wait3A_791, %dma_wait3A_792, %dma_wait3A_806, %dma_wait3A_807] : memref<25x32x8x128xi32, #tpu.memory_space<hbm>> -> memref<1x1x8x128xi32, #tpu.memory_space<hbm>>
    %dma_wait3A_809 = tpu.memref_squeeze %dma_wait3A_808 : memref<1x1x8x128xi32, #tpu.memory_space<hbm>> -> memref<8x128xi32, #tpu.memory_space<hbm>>
    tpu.wait_dma2 semaphore(%arg10 : memref<!tpu.dma_semaphore, #tpu.memory_space<semaphore_mem>>) src(%dma_wait3A_809 : memref<8x128xi32, #tpu.memory_space<hbm>>) dst(%dma_wait3A_805 : memref<8x128xi32, #tpu.memory_space<vmem>>)
    %dma_wait3A_810 = arith.constant 0 : i32
    %dma_wait3A_811 = arith.constant 0 : i32
    %dma_wait3A_812 = arith.constant 19 : i32
    %dma_wait3A_813 = arith.constant 0 : i32
    %dma_wait3A_814 = arith.constant 0 : i32
    %dma_wait3A_815 = tpu.memref_slice %arg6[%dma_wait3A_812, %dma_wait3A_813, %dma_wait3A_814] : memref<25x8x128xi32, #tpu.memory_space<vmem>> -> memref<1x8x128xi32, #tpu.memory_space<vmem>>
    %dma_wait3A_816 = tpu.memref_squeeze %dma_wait3A_815 : memref<1x8x128xi32, #tpu.memory_space<vmem>> -> memref<8x128xi32, #tpu.memory_space<vmem>>
    %dma_wait3A_817 = arith.constant 0 : i32
    %dma_wait3A_818 = arith.constant 0 : i32
    %dma_wait3A_819 = tpu.memref_slice %arg2[%dma_wait3A_810, %dma_wait3A_811, %dma_wait3A_817, %dma_wait3A_818] : memref<25x32x8x128xi32, #tpu.memory_space<hbm>> -> memref<1x1x8x128xi32, #tpu.memory_space<hbm>>
    %dma_wait3A_820 = tpu.memref_squeeze %dma_wait3A_819 : memref<1x1x8x128xi32, #tpu.memory_space<hbm>> -> memref<8x128xi32, #tpu.memory_space<hbm>>
    %dma_wait3A_821 = arith.constant 0 : i32
    %dma_wait3A_822 = arith.constant 0 : i32
    %dma_wait3A_823 = tpu.memref_slice %arg6[%dma_wait3A_812, %dma_wait3A_821, %dma_wait3A_822] : memref<25x8x128xi32, #tpu.memory_space<vmem>> -> memref<1x8x128xi32, #tpu.memory_space<vmem>>
    %dma_wait3A_824 = tpu.memref_squeeze %dma_wait3A_823 : memref<1x8x128xi32, #tpu.memory_space<vmem>> -> memref<8x128xi32, #tpu.memory_space<vmem>>
    %dma_wait3A_825 = arith.constant 0 : i32
    %dma_wait3A_826 = arith.constant 0 : i32
    %dma_wait3A_827 = tpu.memref_slice %arg2[%dma_wait3A_810, %dma_wait3A_811, %dma_wait3A_825, %dma_wait3A_826] : memref<25x32x8x128xi32, #tpu.memory_space<hbm>> -> memref<1x1x8x128xi32, #tpu.memory_space<hbm>>
    %dma_wait3A_828 = tpu.memref_squeeze %dma_wait3A_827 : memref<1x1x8x128xi32, #tpu.memory_space<hbm>> -> memref<8x128xi32, #tpu.memory_space<hbm>>
    tpu.wait_dma2 semaphore(%arg10 : memref<!tpu.dma_semaphore, #tpu.memory_space<semaphore_mem>>) src(%dma_wait3A_828 : memref<8x128xi32, #tpu.memory_space<hbm>>) dst(%dma_wait3A_824 : memref<8x128xi32, #tpu.memory_space<vmem>>)
    %dma_wait3A_829 = arith.constant 0 : i32
    %dma_wait3A_830 = arith.constant 0 : i32
    %dma_wait3A_831 = arith.constant 20 : i32
    %dma_wait3A_832 = arith.constant 0 : i32
    %dma_wait3A_833 = arith.constant 0 : i32
    %dma_wait3A_834 = tpu.memref_slice %arg6[%dma_wait3A_831, %dma_wait3A_832, %dma_wait3A_833] : memref<25x8x128xi32, #tpu.memory_space<vmem>> -> memref<1x8x128xi32, #tpu.memory_space<vmem>>
    %dma_wait3A_835 = tpu.memref_squeeze %dma_wait3A_834 : memref<1x8x128xi32, #tpu.memory_space<vmem>> -> memref<8x128xi32, #tpu.memory_space<vmem>>
    %dma_wait3A_836 = arith.constant 0 : i32
    %dma_wait3A_837 = arith.constant 0 : i32
    %dma_wait3A_838 = tpu.memref_slice %arg2[%dma_wait3A_829, %dma_wait3A_830, %dma_wait3A_836, %dma_wait3A_837] : memref<25x32x8x128xi32, #tpu.memory_space<hbm>> -> memref<1x1x8x128xi32, #tpu.memory_space<hbm>>
    %dma_wait3A_839 = tpu.memref_squeeze %dma_wait3A_838 : memref<1x1x8x128xi32, #tpu.memory_space<hbm>> -> memref<8x128xi32, #tpu.memory_space<hbm>>
    %dma_wait3A_840 = arith.constant 0 : i32
    %dma_wait3A_841 = arith.constant 0 : i32
    %dma_wait3A_842 = tpu.memref_slice %arg6[%dma_wait3A_831, %dma_wait3A_840, %dma_wait3A_841] : memref<25x8x128xi32, #tpu.memory_space<vmem>> -> memref<1x8x128xi32, #tpu.memory_space<vmem>>
    %dma_wait3A_843 = tpu.memref_squeeze %dma_wait3A_842 : memref<1x8x128xi32, #tpu.memory_space<vmem>> -> memref<8x128xi32, #tpu.memory_space<vmem>>
    %dma_wait3A_844 = arith.constant 0 : i32
    %dma_wait3A_845 = arith.constant 0 : i32
    %dma_wait3A_846 = tpu.memref_slice %arg2[%dma_wait3A_829, %dma_wait3A_830, %dma_wait3A_844, %dma_wait3A_845] : memref<25x32x8x128xi32, #tpu.memory_space<hbm>> -> memref<1x1x8x128xi32, #tpu.memory_space<hbm>>
    %dma_wait3A_847 = tpu.memref_squeeze %dma_wait3A_846 : memref<1x1x8x128xi32, #tpu.memory_space<hbm>> -> memref<8x128xi32, #tpu.memory_space<hbm>>
    tpu.wait_dma2 semaphore(%arg10 : memref<!tpu.dma_semaphore, #tpu.memory_space<semaphore_mem>>) src(%dma_wait3A_847 : memref<8x128xi32, #tpu.memory_space<hbm>>) dst(%dma_wait3A_843 : memref<8x128xi32, #tpu.memory_space<vmem>>)
    %dma_wait3A_848 = arith.constant 0 : i32
    %dma_wait3A_849 = arith.constant 0 : i32
    %dma_wait3A_850 = arith.constant 21 : i32
    %dma_wait3A_851 = arith.constant 0 : i32
    %dma_wait3A_852 = arith.constant 0 : i32
    %dma_wait3A_853 = tpu.memref_slice %arg6[%dma_wait3A_850, %dma_wait3A_851, %dma_wait3A_852] : memref<25x8x128xi32, #tpu.memory_space<vmem>> -> memref<1x8x128xi32, #tpu.memory_space<vmem>>
    %dma_wait3A_854 = tpu.memref_squeeze %dma_wait3A_853 : memref<1x8x128xi32, #tpu.memory_space<vmem>> -> memref<8x128xi32, #tpu.memory_space<vmem>>
    %dma_wait3A_855 = arith.constant 0 : i32
    %dma_wait3A_856 = arith.constant 0 : i32
    %dma_wait3A_857 = tpu.memref_slice %arg2[%dma_wait3A_848, %dma_wait3A_849, %dma_wait3A_855, %dma_wait3A_856] : memref<25x32x8x128xi32, #tpu.memory_space<hbm>> -> memref<1x1x8x128xi32, #tpu.memory_space<hbm>>
    %dma_wait3A_858 = tpu.memref_squeeze %dma_wait3A_857 : memref<1x1x8x128xi32, #tpu.memory_space<hbm>> -> memref<8x128xi32, #tpu.memory_space<hbm>>
    %dma_wait3A_859 = arith.constant 0 : i32
    %dma_wait3A_860 = arith.constant 0 : i32
    %dma_wait3A_861 = tpu.memref_slice %arg6[%dma_wait3A_850, %dma_wait3A_859, %dma_wait3A_860] : memref<25x8x128xi32, #tpu.memory_space<vmem>> -> memref<1x8x128xi32, #tpu.memory_space<vmem>>
    %dma_wait3A_862 = tpu.memref_squeeze %dma_wait3A_861 : memref<1x8x128xi32, #tpu.memory_space<vmem>> -> memref<8x128xi32, #tpu.memory_space<vmem>>
    %dma_wait3A_863 = arith.constant 0 : i32
    %dma_wait3A_864 = arith.constant 0 : i32
    %dma_wait3A_865 = tpu.memref_slice %arg2[%dma_wait3A_848, %dma_wait3A_849, %dma_wait3A_863, %dma_wait3A_864] : memref<25x32x8x128xi32, #tpu.memory_space<hbm>> -> memref<1x1x8x128xi32, #tpu.memory_space<hbm>>
    %dma_wait3A_866 = tpu.memref_squeeze %dma_wait3A_865 : memref<1x1x8x128xi32, #tpu.memory_space<hbm>> -> memref<8x128xi32, #tpu.memory_space<hbm>>
    tpu.wait_dma2 semaphore(%arg10 : memref<!tpu.dma_semaphore, #tpu.memory_space<semaphore_mem>>) src(%dma_wait3A_866 : memref<8x128xi32, #tpu.memory_space<hbm>>) dst(%dma_wait3A_862 : memref<8x128xi32, #tpu.memory_space<vmem>>)
    %dma_wait3A_867 = arith.constant 0 : i32
    %dma_wait3A_868 = arith.constant 0 : i32
    %dma_wait3A_869 = arith.constant 22 : i32
    %dma_wait3A_870 = arith.constant 0 : i32
    %dma_wait3A_871 = arith.constant 0 : i32
    %dma_wait3A_872 = tpu.memref_slice %arg6[%dma_wait3A_869, %dma_wait3A_870, %dma_wait3A_871] : memref<25x8x128xi32, #tpu.memory_space<vmem>> -> memref<1x8x128xi32, #tpu.memory_space<vmem>>
    %dma_wait3A_873 = tpu.memref_squeeze %dma_wait3A_872 : memref<1x8x128xi32, #tpu.memory_space<vmem>> -> memref<8x128xi32, #tpu.memory_space<vmem>>
    %dma_wait3A_874 = arith.constant 0 : i32
    %dma_wait3A_875 = arith.constant 0 : i32
    %dma_wait3A_876 = tpu.memref_slice %arg2[%dma_wait3A_867, %dma_wait3A_868, %dma_wait3A_874, %dma_wait3A_875] : memref<25x32x8x128xi32, #tpu.memory_space<hbm>> -> memref<1x1x8x128xi32, #tpu.memory_space<hbm>>
    %dma_wait3A_877 = tpu.memref_squeeze %dma_wait3A_876 : memref<1x1x8x128xi32, #tpu.memory_space<hbm>> -> memref<8x128xi32, #tpu.memory_space<hbm>>
    %dma_wait3A_878 = arith.constant 0 : i32
    %dma_wait3A_879 = arith.constant 0 : i32
    %dma_wait3A_880 = tpu.memref_slice %arg6[%dma_wait3A_869, %dma_wait3A_878, %dma_wait3A_879] : memref<25x8x128xi32, #tpu.memory_space<vmem>> -> memref<1x8x128xi32, #tpu.memory_space<vmem>>
    %dma_wait3A_881 = tpu.memref_squeeze %dma_wait3A_880 : memref<1x8x128xi32, #tpu.memory_space<vmem>> -> memref<8x128xi32, #tpu.memory_space<vmem>>
    %dma_wait3A_882 = arith.constant 0 : i32
    %dma_wait3A_883 = arith.constant 0 : i32
    %dma_wait3A_884 = tpu.memref_slice %arg2[%dma_wait3A_867, %dma_wait3A_868, %dma_wait3A_882, %dma_wait3A_883] : memref<25x32x8x128xi32, #tpu.memory_space<hbm>> -> memref<1x1x8x128xi32, #tpu.memory_space<hbm>>
    %dma_wait3A_885 = tpu.memref_squeeze %dma_wait3A_884 : memref<1x1x8x128xi32, #tpu.memory_space<hbm>> -> memref<8x128xi32, #tpu.memory_space<hbm>>
    tpu.wait_dma2 semaphore(%arg10 : memref<!tpu.dma_semaphore, #tpu.memory_space<semaphore_mem>>) src(%dma_wait3A_885 : memref<8x128xi32, #tpu.memory_space<hbm>>) dst(%dma_wait3A_881 : memref<8x128xi32, #tpu.memory_space<vmem>>)
    %dma_wait3A_886 = arith.constant 0 : i32
    %dma_wait3A_887 = arith.constant 0 : i32
    %dma_wait3A_888 = arith.constant 23 : i32
    %dma_wait3A_889 = arith.constant 0 : i32
    %dma_wait3A_890 = arith.constant 0 : i32
    %dma_wait3A_891 = tpu.memref_slice %arg6[%dma_wait3A_888, %dma_wait3A_889, %dma_wait3A_890] : memref<25x8x128xi32, #tpu.memory_space<vmem>> -> memref<1x8x128xi32, #tpu.memory_space<vmem>>
    %dma_wait3A_892 = tpu.memref_squeeze %dma_wait3A_891 : memref<1x8x128xi32, #tpu.memory_space<vmem>> -> memref<8x128xi32, #tpu.memory_space<vmem>>
    %dma_wait3A_893 = arith.constant 0 : i32
    %dma_wait3A_894 = arith.constant 0 : i32
    %dma_wait3A_895 = tpu.memref_slice %arg2[%dma_wait3A_886, %dma_wait3A_887, %dma_wait3A_893, %dma_wait3A_894] : memref<25x32x8x128xi32, #tpu.memory_space<hbm>> -> memref<1x1x8x128xi32, #tpu.memory_space<hbm>>
    %dma_wait3A_896 = tpu.memref_squeeze %dma_wait3A_895 : memref<1x1x8x128xi32, #tpu.memory_space<hbm>> -> memref<8x128xi32, #tpu.memory_space<hbm>>
    %dma_wait3A_897 = arith.constant 0 : i32
    %dma_wait3A_898 = arith.constant 0 : i32
    %dma_wait3A_899 = tpu.memref_slice %arg6[%dma_wait3A_888, %dma_wait3A_897, %dma_wait3A_898] : memref<25x8x128xi32, #tpu.memory_space<vmem>> -> memref<1x8x128xi32, #tpu.memory_space<vmem>>
    %dma_wait3A_900 = tpu.memref_squeeze %dma_wait3A_899 : memref<1x8x128xi32, #tpu.memory_space<vmem>> -> memref<8x128xi32, #tpu.memory_space<vmem>>
    %dma_wait3A_901 = arith.constant 0 : i32
    %dma_wait3A_902 = arith.constant 0 : i32
    %dma_wait3A_903 = tpu.memref_slice %arg2[%dma_wait3A_886, %dma_wait3A_887, %dma_wait3A_901, %dma_wait3A_902] : memref<25x32x8x128xi32, #tpu.memory_space<hbm>> -> memref<1x1x8x128xi32, #tpu.memory_space<hbm>>
    %dma_wait3A_904 = tpu.memref_squeeze %dma_wait3A_903 : memref<1x1x8x128xi32, #tpu.memory_space<hbm>> -> memref<8x128xi32, #tpu.memory_space<hbm>>
    tpu.wait_dma2 semaphore(%arg10 : memref<!tpu.dma_semaphore, #tpu.memory_space<semaphore_mem>>) src(%dma_wait3A_904 : memref<8x128xi32, #tpu.memory_space<hbm>>) dst(%dma_wait3A_900 : memref<8x128xi32, #tpu.memory_space<vmem>>)
    %dma_wait3A_905 = arith.constant 0 : i32
    %dma_wait3A_906 = arith.constant 0 : i32
    %dma_wait3A_907 = arith.constant 24 : i32
    %dma_wait3A_908 = arith.constant 0 : i32
    %dma_wait3A_909 = arith.constant 0 : i32
    %dma_wait3A_910 = tpu.memref_slice %arg6[%dma_wait3A_907, %dma_wait3A_908, %dma_wait3A_909] : memref<25x8x128xi32, #tpu.memory_space<vmem>> -> memref<1x8x128xi32, #tpu.memory_space<vmem>>
    %dma_wait3A_911 = tpu.memref_squeeze %dma_wait3A_910 : memref<1x8x128xi32, #tpu.memory_space<vmem>> -> memref<8x128xi32, #tpu.memory_space<vmem>>
    %dma_wait3A_912 = arith.constant 0 : i32
    %dma_wait3A_913 = arith.constant 0 : i32
    %dma_wait3A_914 = tpu.memref_slice %arg2[%dma_wait3A_905, %dma_wait3A_906, %dma_wait3A_912, %dma_wait3A_913] : memref<25x32x8x128xi32, #tpu.memory_space<hbm>> -> memref<1x1x8x128xi32, #tpu.memory_space<hbm>>
    %dma_wait3A_915 = tpu.memref_squeeze %dma_wait3A_914 : memref<1x1x8x128xi32, #tpu.memory_space<hbm>> -> memref<8x128xi32, #tpu.memory_space<hbm>>
    %dma_wait3A_916 = arith.constant 0 : i32
    %dma_wait3A_917 = arith.constant 0 : i32
    %dma_wait3A_918 = tpu.memref_slice %arg6[%dma_wait3A_907, %dma_wait3A_916, %dma_wait3A_917] : memref<25x8x128xi32, #tpu.memory_space<vmem>> -> memref<1x8x128xi32, #tpu.memory_space<vmem>>
    %dma_wait3A_919 = tpu.memref_squeeze %dma_wait3A_918 : memref<1x8x128xi32, #tpu.memory_space<vmem>> -> memref<8x128xi32, #tpu.memory_space<vmem>>
    %dma_wait3A_920 = arith.constant 0 : i32
    %dma_wait3A_921 = arith.constant 0 : i32
    %dma_wait3A_922 = tpu.memref_slice %arg2[%dma_wait3A_905, %dma_wait3A_906, %dma_wait3A_920, %dma_wait3A_921] : memref<25x32x8x128xi32, #tpu.memory_space<hbm>> -> memref<1x1x8x128xi32, #tpu.memory_space<hbm>>
    %dma_wait3A_923 = tpu.memref_squeeze %dma_wait3A_922 : memref<1x1x8x128xi32, #tpu.memory_space<hbm>> -> memref<8x128xi32, #tpu.memory_space<hbm>>
    tpu.wait_dma2 semaphore(%arg10 : memref<!tpu.dma_semaphore, #tpu.memory_space<semaphore_mem>>) src(%dma_wait3A_923 : memref<8x128xi32, #tpu.memory_space<hbm>>) dst(%dma_wait3A_919 : memref<8x128xi32, #tpu.memory_space<vmem>>)
    tpu.wait_dma2 semaphore(%arg11 : memref<!tpu.dma_semaphore, #tpu.memory_space<semaphore_mem>>) src(%arg4 : memref<200x64xf32, #tpu.memory_space<hbm>>) dst(%arg7 : memref<200x64xf32, #tpu.memory_space<vmem>>)
    %iota3A = tpu.iota {dimensions = array<i32: 0>} : vector<16xi32>
    %dma_start3A_924 = arith.constant 0 : i32
    %dma_start3A_925 = arith.constant 0 : i32
    %dma_start3A_926 = arith.constant 0 : i32
    %dma_start3A_927 = arith.constant 0 : i32
    %dma_start3A_928 = arith.constant 0 : i32
    %dma_start3A_929 = tpu.memref_slice %arg8[%dma_start3A_926, %dma_start3A_927, %dma_start3A_928] : memref<2x128x64xf32, #tpu.memory_space<vmem>> -> memref<1x128x64xf32, #tpu.memory_space<vmem>>
    %dma_start3A_930 = tpu.memref_squeeze %dma_start3A_929 : memref<1x128x64xf32, #tpu.memory_space<vmem>> -> memref<128x64xf32, #tpu.memory_space<vmem>>
    %dma_start3A_931 = arith.constant 0 : i32
    %dma_start3A_932 = tpu.memref_slice %arg6[%dma_start3A_924, %dma_start3A_925, %dma_start3A_931] : memref<25x8x128xi32, #tpu.memory_space<vmem>> -> memref<1x1x128xi32, #tpu.memory_space<vmem>>
    %dma_start3A_933 = tpu.memref_squeeze %dma_start3A_932 : memref<1x1x128xi32, #tpu.memory_space<vmem>> -> memref<128xi32, #tpu.memory_space<vmem>>
    %dma_start3A_934 = arith.constant 0 : i32
    %dma_start3A_935 = arith.constant 0 : i32
    %dma_start3A_936 = tpu.memref_slice %arg3[%dma_start3A_934, %dma_start3A_935] : memref<100000x64xf32, #tpu.memory_space<hbm>> -> memref<100000x64xf32, #tpu.memory_space<hbm>>
    tpu.enqueue_indirect_dma source(%dma_start3A_936 : memref<100000x64xf32, #tpu.memory_space<hbm>>) target(%dma_start3A_930 : memref<128x64xf32, #tpu.memory_space<vmem>>) offsets(%dma_start3A_933 : memref<128xi32, #tpu.memory_space<vmem>>) semaphore(%arg11 : memref<!tpu.dma_semaphore, #tpu.memory_space<semaphore_mem>>)
    %scan3A = arith.constant 0 : i32
    %scan3A_937 = arith.constant 0 : i32
    %scan3A_938 = arith.constant 200 : i32
    %scan3A_939 = arith.addi %scan3A_937, %scan3A_938 : i32
    %scan3A_940 = arith.constant 1 : i32
    scf.for %scan3A_1278 = %scan3A_937 to %scan3A_939 step %scan3A_940  : i32 {
      %rem3A = arith.constant 2 : i32
      %rem3A_1279 = arith.remsi %scan3A_1278, %rem3A : i32
      %dma_wait3A_1280 = arith.constant 0 : i32
      %dma_wait3A_1281 = arith.constant 0 : i32
      %dma_wait3A_1282 = arith.constant 0 : i32
      %dma_wait3A_1283 = arith.constant 0 : i32
      %dma_wait3A_1284 = tpu.memref_slice %arg8[%rem3A_1279, %dma_wait3A_1282, %dma_wait3A_1283] : memref<2x128x64xf32, #tpu.memory_space<vmem>> -> memref<1x128x64xf32, #tpu.memory_space<vmem>>
      %dma_wait3A_1285 = tpu.memref_squeeze %dma_wait3A_1284 : memref<1x128x64xf32, #tpu.memory_space<vmem>> -> memref<128x64xf32, #tpu.memory_space<vmem>>
      %dma_wait3A_1286 = arith.constant 0 : i32
      %dma_wait3A_1287 = tpu.memref_slice %arg6[%dma_wait3A_1280, %dma_wait3A_1281, %dma_wait3A_1286] : memref<25x8x128xi32, #tpu.memory_space<vmem>> -> memref<1x1x128xi32, #tpu.memory_space<vmem>>
      %dma_wait3A_1288 = tpu.memref_squeeze %dma_wait3A_1287 : memref<1x1x128xi32, #tpu.memory_space<vmem>> -> memref<128xi32, #tpu.memory_space<vmem>>
      %dma_wait3A_1289 = arith.constant 0 : i32
      %dma_wait3A_1290 = arith.constant 0 : i32
      %dma_wait3A_1291 = tpu.memref_slice %arg3[%dma_wait3A_1289, %dma_wait3A_1290] : memref<100000x64xf32, #tpu.memory_space<hbm>> -> memref<100000x64xf32, #tpu.memory_space<hbm>>
      tpu.wait_indirect_dma semaphore(%arg11 : memref<!tpu.dma_semaphore, #tpu.memory_space<semaphore_mem>>) src(%dma_wait3A_1291 : memref<100000x64xf32, #tpu.memory_space<hbm>>) dst(%dma_wait3A_1285 : memref<128x64xf32, #tpu.memory_space<vmem>>)
      %add3A_1292 = arith.constant 1 : i32
      %add3A_1293 = arith.addi %scan3A_1278, %add3A_1292 : i32
      %lt3A = arith.constant 200 : i32
      %lt3A_1294 = arith.cmpi slt, %add3A_1293, %lt3A : i32
      %convert_element_type3A = arith.extui %lt3A_1294 : i1 to i32
      %cond3A = arith.constant 0 : i32
      %cond3A_1295 = arith.cmpi ne, %convert_element_type3A, %cond3A : i32
      scf.if %cond3A_1295 {
        %add3A_1450 = arith.constant 1 : i32
        %add3A_1451 = arith.addi %scan3A_1278, %add3A_1450 : i32
        %sub3A = arith.constant 1 : i32
        %sub3A_1452 = arith.subi %sub3A, %rem3A_1279 : i32
        %jit3A = arith.constant 8 : i32
        %div3A = arith.divsi %add3A_1451, %jit3A : i32
        %sign3A = arith.constant 0 : i32
        %sign3A_1453 = arith.cmpi sgt, %add3A_1451, %sign3A : i32
        %sign3A_1454 = arith.extui %sign3A_1453 : i1 to i32
        %sign3A_1455 = arith.constant 0 : i32
        %sign3A_1456 = arith.cmpi slt, %add3A_1451, %sign3A_1455 : i32
        %sign3A_1457 = arith.extui %sign3A_1456 : i1 to i32
        %sign3A_1458 = arith.subi %sign3A_1454, %sign3A_1457 : i32
        %sign3A_1459 = arith.constant 0 : i32
        %sign3A_1460 = arith.cmpi sgt, %jit3A, %sign3A_1459 : i32
        %sign3A_1461 = arith.extui %sign3A_1460 : i1 to i32
        %sign3A_1462 = arith.constant 0 : i32
        %sign3A_1463 = arith.cmpi slt, %jit3A, %sign3A_1462 : i32
        %sign3A_1464 = arith.extui %sign3A_1463 : i1 to i32
        %sign3A_1465 = arith.subi %sign3A_1461, %sign3A_1464 : i32
        %ne3A = arith.cmpi ne, %sign3A_1458, %sign3A_1465 : i32
        %rem3A_1466 = arith.remsi %add3A_1451, %jit3A : i32
        %ne3A_1467 = arith.constant 0 : i32
        %ne3A_1468 = arith.cmpi ne, %rem3A_1466, %ne3A_1467 : i32
        %and3A = arith.andi %ne3A, %ne3A_1468 : i1
        %sub3A_1469 = arith.constant 1 : i32
        %sub3A_1470 = arith.subi %div3A, %sub3A_1469 : i32
        %select_n3A = arith.select %and3A, %sub3A_1470, %div3A : i32
        %jit3A_1471 = arith.constant 8 : i32
        %eq3A = arith.constant 0 : i32
        %eq3A_1472 = arith.cmpi eq, %jit3A_1471, %eq3A : i32
        %jit3A_1473 = arith.constant 1 : i32
        %select_n3A_1474 = arith.select %eq3A_1472, %jit3A_1473, %jit3A_1471 : i32
        %rem3A_1475 = arith.remsi %add3A_1451, %select_n3A_1474 : i32
        %ne3A_1476 = arith.constant 0 : i32
        %ne3A_1477 = arith.cmpi ne, %rem3A_1475, %ne3A_1476 : i32
        %lt3A_1478 = arith.constant 0 : i32
        %lt3A_1479 = arith.cmpi slt, %rem3A_1475, %lt3A_1478 : i32
        %lt3A_1480 = arith.constant 0 : i32
        %lt3A_1481 = arith.cmpi slt, %select_n3A_1474, %lt3A_1480 : i32
        %ne3A_1482 = arith.xori %lt3A_1479, %lt3A_1481 : i1
        %and3A_1483 = arith.andi %ne3A_1482, %ne3A_1477 : i1
        %add3A_1484 = arith.addi %rem3A_1475, %select_n3A_1474 : i32
        %select_n3A_1485 = arith.select %and3A_1483, %add3A_1484, %rem3A_1475 : i32
        %dma_start3A_1486 = arith.constant 0 : i32
        %dma_start3A_1487 = arith.constant 0 : i32
        %dma_start3A_1488 = tpu.memref_slice %arg8[%sub3A_1452, %dma_start3A_1486, %dma_start3A_1487] : memref<2x128x64xf32, #tpu.memory_space<vmem>> -> memref<1x128x64xf32, #tpu.memory_space<vmem>>
        %dma_start3A_1489 = tpu.memref_squeeze %dma_start3A_1488 : memref<1x128x64xf32, #tpu.memory_space<vmem>> -> memref<128x64xf32, #tpu.memory_space<vmem>>
        %dma_start3A_1490 = arith.constant 0 : i32
        %dma_start3A_1491 = tpu.memref_slice %arg6[%select_n3A, %select_n3A_1485, %dma_start3A_1490] : memref<25x8x128xi32, #tpu.memory_space<vmem>> -> memref<1x1x128xi32, #tpu.memory_space<vmem>>
        %dma_start3A_1492 = tpu.memref_squeeze %dma_start3A_1491 : memref<1x1x128xi32, #tpu.memory_space<vmem>> -> memref<128xi32, #tpu.memory_space<vmem>>
        %dma_start3A_1493 = arith.constant 0 : i32
        %dma_start3A_1494 = arith.constant 0 : i32
        %dma_start3A_1495 = tpu.memref_slice %arg3[%dma_start3A_1493, %dma_start3A_1494] : memref<100000x64xf32, #tpu.memory_space<hbm>> -> memref<100000x64xf32, #tpu.memory_space<hbm>>
        tpu.enqueue_indirect_dma source(%dma_start3A_1495 : memref<100000x64xf32, #tpu.memory_space<hbm>>) target(%dma_start3A_1489 : memref<128x64xf32, #tpu.memory_space<vmem>>) offsets(%dma_start3A_1492 : memref<128xi32, #tpu.memory_space<vmem>>) semaphore(%arg11 : memref<!tpu.dma_semaphore, #tpu.memory_space<semaphore_mem>>)
      } else {
      }
      %ge3A = arith.constant 2 : i32
      %ge3A_1296 = arith.cmpi sge, %scan3A_1278, %ge3A : i32
      %convert_element_type3A_1297 = arith.extui %ge3A_1296 : i1 to i32
      %cond3A_1298 = arith.constant 0 : i32
      %cond3A_1299 = arith.cmpi ne, %convert_element_type3A_1297, %cond3A_1298 : i32
      scf.if %cond3A_1299 {
        %dma_wait3A_1450 = arith.constant 0 : i32
        %dma_wait3A_1451 = arith.constant 0 : i32
        %dma_wait3A_1452 = arith.constant 0 : i32
        %dma_wait3A_1453 = arith.constant 0 : i32
        %dma_wait3A_1454 = arith.constant 0 : i32
        %dma_wait3A_1455 = arith.constant 0 : i32
        %dma_wait3A_1456 = tpu.memref_slice %arg9[%rem3A_1279, %dma_wait3A_1450, %dma_wait3A_1454, %dma_wait3A_1455] : memref<2x8x8x129xf32, #tpu.memory_space<vmem>> -> memref<1x1x8x128xf32, #tpu.memory_space<vmem>>
        %dma_wait3A_1457 = tpu.memref_squeeze %dma_wait3A_1456 : memref<1x1x8x128xf32, #tpu.memory_space<vmem>> -> memref<8x128xf32, #tpu.memory_space<vmem>>
        %dma_wait3A_1458 = arith.constant 0 : i32
        %dma_wait3A_1459 = arith.constant 0 : i32
        %dma_wait3A_1460 = tpu.memref_slice %arg5[%dma_wait3A_1451, %dma_wait3A_1452, %dma_wait3A_1453, %dma_wait3A_1458, %dma_wait3A_1459] : memref<200x8x32x8x128xf32, #tpu.memory_space<hbm>> -> memref<1x1x1x8x128xf32, #tpu.memory_space<hbm>>
        %dma_wait3A_1461 = tpu.memref_squeeze %dma_wait3A_1460 : memref<1x1x1x8x128xf32, #tpu.memory_space<hbm>> -> memref<8x128xf32, #tpu.memory_space<hbm>>
        %dma_wait3A_1462 = arith.constant 0 : i32
        %dma_wait3A_1463 = arith.constant 0 : i32
        %dma_wait3A_1464 = tpu.memref_slice %arg5[%dma_wait3A_1451, %dma_wait3A_1452, %dma_wait3A_1453, %dma_wait3A_1462, %dma_wait3A_1463] : memref<200x8x32x8x128xf32, #tpu.memory_space<hbm>> -> memref<1x1x1x8x128xf32, #tpu.memory_space<hbm>>
        %dma_wait3A_1465 = tpu.memref_squeeze %dma_wait3A_1464 : memref<1x1x1x8x128xf32, #tpu.memory_space<hbm>> -> memref<8x128xf32, #tpu.memory_space<hbm>>
        %dma_wait3A_1466 = arith.constant 0 : i32
        %dma_wait3A_1467 = arith.constant 0 : i32
        %dma_wait3A_1468 = tpu.memref_slice %arg9[%rem3A_1279, %dma_wait3A_1450, %dma_wait3A_1466, %dma_wait3A_1467] : memref<2x8x8x129xf32, #tpu.memory_space<vmem>> -> memref<1x1x8x128xf32, #tpu.memory_space<vmem>>
        %dma_wait3A_1469 = tpu.memref_squeeze %dma_wait3A_1468 : memref<1x1x8x128xf32, #tpu.memory_space<vmem>> -> memref<8x128xf32, #tpu.memory_space<vmem>>
        tpu.wait_dma2 semaphore(%arg12 : memref<!tpu.dma_semaphore, #tpu.memory_space<semaphore_mem>>) src(%dma_wait3A_1469 : memref<8x128xf32, #tpu.memory_space<vmem>>) dst(%dma_wait3A_1465 : memref<8x128xf32, #tpu.memory_space<hbm>>)
        %dma_wait3A_1470 = arith.constant 1 : i32
        %dma_wait3A_1471 = arith.constant 0 : i32
        %dma_wait3A_1472 = arith.constant 0 : i32
        %dma_wait3A_1473 = arith.constant 0 : i32
        %dma_wait3A_1474 = arith.constant 0 : i32
        %dma_wait3A_1475 = arith.constant 0 : i32
        %dma_wait3A_1476 = tpu.memref_slice %arg9[%rem3A_1279, %dma_wait3A_1470, %dma_wait3A_1474, %dma_wait3A_1475] : memref<2x8x8x129xf32, #tpu.memory_space<vmem>> -> memref<1x1x8x128xf32, #tpu.memory_space<vmem>>
        %dma_wait3A_1477 = tpu.memref_squeeze %dma_wait3A_1476 : memref<1x1x8x128xf32, #tpu.memory_space<vmem>> -> memref<8x128xf32, #tpu.memory_space<vmem>>
        %dma_wait3A_1478 = arith.constant 0 : i32
        %dma_wait3A_1479 = arith.constant 0 : i32
        %dma_wait3A_1480 = tpu.memref_slice %arg5[%dma_wait3A_1471, %dma_wait3A_1472, %dma_wait3A_1473, %dma_wait3A_1478, %dma_wait3A_1479] : memref<200x8x32x8x128xf32, #tpu.memory_space<hbm>> -> memref<1x1x1x8x128xf32, #tpu.memory_space<hbm>>
        %dma_wait3A_1481 = tpu.memref_squeeze %dma_wait3A_1480 : memref<1x1x1x8x128xf32, #tpu.memory_space<hbm>> -> memref<8x128xf32, #tpu.memory_space<hbm>>
        %dma_wait3A_1482 = arith.constant 0 : i32
        %dma_wait3A_1483 = arith.constant 0 : i32
        %dma_wait3A_1484 = tpu.memref_slice %arg5[%dma_wait3A_1471, %dma_wait3A_1472, %dma_wait3A_1473, %dma_wait3A_1482, %dma_wait3A_1483] : memref<200x8x32x8x128xf32, #tpu.memory_space<hbm>> -> memref<1x1x1x8x128xf32, #tpu.memory_space<hbm>>
        %dma_wait3A_1485 = tpu.memref_squeeze %dma_wait3A_1484 : memref<1x1x1x8x128xf32, #tpu.memory_space<hbm>> -> memref<8x128xf32, #tpu.memory_space<hbm>>
        %dma_wait3A_1486 = arith.constant 0 : i32
        %dma_wait3A_1487 = arith.constant 0 : i32
        %dma_wait3A_1488 = tpu.memref_slice %arg9[%rem3A_1279, %dma_wait3A_1470, %dma_wait3A_1486, %dma_wait3A_1487] : memref<2x8x8x129xf32, #tpu.memory_space<vmem>> -> memref<1x1x8x128xf32, #tpu.memory_space<vmem>>
        %dma_wait3A_1489 = tpu.memref_squeeze %dma_wait3A_1488 : memref<1x1x8x128xf32, #tpu.memory_space<vmem>> -> memref<8x128xf32, #tpu.memory_space<vmem>>
        tpu.wait_dma2 semaphore(%arg12 : memref<!tpu.dma_semaphore, #tpu.memory_space<semaphore_mem>>) src(%dma_wait3A_1489 : memref<8x128xf32, #tpu.memory_space<vmem>>) dst(%dma_wait3A_1485 : memref<8x128xf32, #tpu.memory_space<hbm>>)
        %dma_wait3A_1490 = arith.constant 2 : i32
        %dma_wait3A_1491 = arith.constant 0 : i32
        %dma_wait3A_1492 = arith.constant 0 : i32
        %dma_wait3A_1493 = arith.constant 0 : i32
        %dma_wait3A_1494 = arith.constant 0 : i32
        %dma_wait3A_1495 = arith.constant 0 : i32
        %dma_wait3A_1496 = tpu.memref_slice %arg9[%rem3A_1279, %dma_wait3A_1490, %dma_wait3A_1494, %dma_wait3A_1495] : memref<2x8x8x129xf32, #tpu.memory_space<vmem>> -> memref<1x1x8x128xf32, #tpu.memory_space<vmem>>
        %dma_wait3A_1497 = tpu.memref_squeeze %dma_wait3A_1496 : memref<1x1x8x128xf32, #tpu.memory_space<vmem>> -> memref<8x128xf32, #tpu.memory_space<vmem>>
        %dma_wait3A_1498 = arith.constant 0 : i32
        %dma_wait3A_1499 = arith.constant 0 : i32
        %dma_wait3A_1500 = tpu.memref_slice %arg5[%dma_wait3A_1491, %dma_wait3A_1492, %dma_wait3A_1493, %dma_wait3A_1498, %dma_wait3A_1499] : memref<200x8x32x8x128xf32, #tpu.memory_space<hbm>> -> memref<1x1x1x8x128xf32, #tpu.memory_space<hbm>>
        %dma_wait3A_1501 = tpu.memref_squeeze %dma_wait3A_1500 : memref<1x1x1x8x128xf32, #tpu.memory_space<hbm>> -> memref<8x128xf32, #tpu.memory_space<hbm>>
        %dma_wait3A_1502 = arith.constant 0 : i32
        %dma_wait3A_1503 = arith.constant 0 : i32
        %dma_wait3A_1504 = tpu.memref_slice %arg5[%dma_wait3A_1491, %dma_wait3A_1492, %dma_wait3A_1493, %dma_wait3A_1502, %dma_wait3A_1503] : memref<200x8x32x8x128xf32, #tpu.memory_space<hbm>> -> memref<1x1x1x8x128xf32, #tpu.memory_space<hbm>>
        %dma_wait3A_1505 = tpu.memref_squeeze %dma_wait3A_1504 : memref<1x1x1x8x128xf32, #tpu.memory_space<hbm>> -> memref<8x128xf32, #tpu.memory_space<hbm>>
        %dma_wait3A_1506 = arith.constant 0 : i32
        %dma_wait3A_1507 = arith.constant 0 : i32
        %dma_wait3A_1508 = tpu.memref_slice %arg9[%rem3A_1279, %dma_wait3A_1490, %dma_wait3A_1506, %dma_wait3A_1507] : memref<2x8x8x129xf32, #tpu.memory_space<vmem>> -> memref<1x1x8x128xf32, #tpu.memory_space<vmem>>
        %dma_wait3A_1509 = tpu.memref_squeeze %dma_wait3A_1508 : memref<1x1x8x128xf32, #tpu.memory_space<vmem>> -> memref<8x128xf32, #tpu.memory_space<vmem>>
        tpu.wait_dma2 semaphore(%arg12 : memref<!tpu.dma_semaphore, #tpu.memory_space<semaphore_mem>>) src(%dma_wait3A_1509 : memref<8x128xf32, #tpu.memory_space<vmem>>) dst(%dma_wait3A_1505 : memref<8x128xf32, #tpu.memory_space<hbm>>)
        %dma_wait3A_1510 = arith.constant 3 : i32
        %dma_wait3A_1511 = arith.constant 0 : i32
        %dma_wait3A_1512 = arith.constant 0 : i32
        %dma_wait3A_1513 = arith.constant 0 : i32
        %dma_wait3A_1514 = arith.constant 0 : i32
        %dma_wait3A_1515 = arith.constant 0 : i32
        %dma_wait3A_1516 = tpu.memref_slice %arg9[%rem3A_1279, %dma_wait3A_1510, %dma_wait3A_1514, %dma_wait3A_1515] : memref<2x8x8x129xf32, #tpu.memory_space<vmem>> -> memref<1x1x8x128xf32, #tpu.memory_space<vmem>>
        %dma_wait3A_1517 = tpu.memref_squeeze %dma_wait3A_1516 : memref<1x1x8x128xf32, #tpu.memory_space<vmem>> -> memref<8x128xf32, #tpu.memory_space<vmem>>
        %dma_wait3A_1518 = arith.constant 0 : i32
        %dma_wait3A_1519 = arith.constant 0 : i32
        %dma_wait3A_1520 = tpu.memref_slice %arg5[%dma_wait3A_1511, %dma_wait3A_1512, %dma_wait3A_1513, %dma_wait3A_1518, %dma_wait3A_1519] : memref<200x8x32x8x128xf32, #tpu.memory_space<hbm>> -> memref<1x1x1x8x128xf32, #tpu.memory_space<hbm>>
        %dma_wait3A_1521 = tpu.memref_squeeze %dma_wait3A_1520 : memref<1x1x1x8x128xf32, #tpu.memory_space<hbm>> -> memref<8x128xf32, #tpu.memory_space<hbm>>
        %dma_wait3A_1522 = arith.constant 0 : i32
        %dma_wait3A_1523 = arith.constant 0 : i32
        %dma_wait3A_1524 = tpu.memref_slice %arg5[%dma_wait3A_1511, %dma_wait3A_1512, %dma_wait3A_1513, %dma_wait3A_1522, %dma_wait3A_1523] : memref<200x8x32x8x128xf32, #tpu.memory_space<hbm>> -> memref<1x1x1x8x128xf32, #tpu.memory_space<hbm>>
        %dma_wait3A_1525 = tpu.memref_squeeze %dma_wait3A_1524 : memref<1x1x1x8x128xf32, #tpu.memory_space<hbm>> -> memref<8x128xf32, #tpu.memory_space<hbm>>
        %dma_wait3A_1526 = arith.constant 0 : i32
        %dma_wait3A_1527 = arith.constant 0 : i32
        %dma_wait3A_1528 = tpu.memref_slice %arg9[%rem3A_1279, %dma_wait3A_1510, %dma_wait3A_1526, %dma_wait3A_1527] : memref<2x8x8x129xf32, #tpu.memory_space<vmem>> -> memref<1x1x8x128xf32, #tpu.memory_space<vmem>>
        %dma_wait3A_1529 = tpu.memref_squeeze %dma_wait3A_1528 : memref<1x1x8x128xf32, #tpu.memory_space<vmem>> -> memref<8x128xf32, #tpu.memory_space<vmem>>
        tpu.wait_dma2 semaphore(%arg12 : memref<!tpu.dma_semaphore, #tpu.memory_space<semaphore_mem>>) src(%dma_wait3A_1529 : memref<8x128xf32, #tpu.memory_space<vmem>>) dst(%dma_wait3A_1525 : memref<8x128xf32, #tpu.memory_space<hbm>>)
        %dma_wait3A_1530 = arith.constant 4 : i32
        %dma_wait3A_1531 = arith.constant 0 : i32
        %dma_wait3A_1532 = arith.constant 0 : i32
        %dma_wait3A_1533 = arith.constant 0 : i32
        %dma_wait3A_1534 = arith.constant 0 : i32
        %dma_wait3A_1535 = arith.constant 0 : i32
        %dma_wait3A_1536 = tpu.memref_slice %arg9[%rem3A_1279, %dma_wait3A_1530, %dma_wait3A_1534, %dma_wait3A_1535] : memref<2x8x8x129xf32, #tpu.memory_space<vmem>> -> memref<1x1x8x128xf32, #tpu.memory_space<vmem>>
        %dma_wait3A_1537 = tpu.memref_squeeze %dma_wait3A_1536 : memref<1x1x8x128xf32, #tpu.memory_space<vmem>> -> memref<8x128xf32, #tpu.memory_space<vmem>>
        %dma_wait3A_1538 = arith.constant 0 : i32
        %dma_wait3A_1539 = arith.constant 0 : i32
        %dma_wait3A_1540 = tpu.memref_slice %arg5[%dma_wait3A_1531, %dma_wait3A_1532, %dma_wait3A_1533, %dma_wait3A_1538, %dma_wait3A_1539] : memref<200x8x32x8x128xf32, #tpu.memory_space<hbm>> -> memref<1x1x1x8x128xf32, #tpu.memory_space<hbm>>
        %dma_wait3A_1541 = tpu.memref_squeeze %dma_wait3A_1540 : memref<1x1x1x8x128xf32, #tpu.memory_space<hbm>> -> memref<8x128xf32, #tpu.memory_space<hbm>>
        %dma_wait3A_1542 = arith.constant 0 : i32
        %dma_wait3A_1543 = arith.constant 0 : i32
        %dma_wait3A_1544 = tpu.memref_slice %arg5[%dma_wait3A_1531, %dma_wait3A_1532, %dma_wait3A_1533, %dma_wait3A_1542, %dma_wait3A_1543] : memref<200x8x32x8x128xf32, #tpu.memory_space<hbm>> -> memref<1x1x1x8x128xf32, #tpu.memory_space<hbm>>
        %dma_wait3A_1545 = tpu.memref_squeeze %dma_wait3A_1544 : memref<1x1x1x8x128xf32, #tpu.memory_space<hbm>> -> memref<8x128xf32, #tpu.memory_space<hbm>>
        %dma_wait3A_1546 = arith.constant 0 : i32
        %dma_wait3A_1547 = arith.constant 0 : i32
        %dma_wait3A_1548 = tpu.memref_slice %arg9[%rem3A_1279, %dma_wait3A_1530, %dma_wait3A_1546, %dma_wait3A_1547] : memref<2x8x8x129xf32, #tpu.memory_space<vmem>> -> memref<1x1x8x128xf32, #tpu.memory_space<vmem>>
        %dma_wait3A_1549 = tpu.memref_squeeze %dma_wait3A_1548 : memref<1x1x8x128xf32, #tpu.memory_space<vmem>> -> memref<8x128xf32, #tpu.memory_space<vmem>>
        tpu.wait_dma2 semaphore(%arg12 : memref<!tpu.dma_semaphore, #tpu.memory_space<semaphore_mem>>) src(%dma_wait3A_1549 : memref<8x128xf32, #tpu.memory_space<vmem>>) dst(%dma_wait3A_1545 : memref<8x128xf32, #tpu.memory_space<hbm>>)
        %dma_wait3A_1550 = arith.constant 5 : i32
        %dma_wait3A_1551 = arith.constant 0 : i32
        %dma_wait3A_1552 = arith.constant 0 : i32
        %dma_wait3A_1553 = arith.constant 0 : i32
        %dma_wait3A_1554 = arith.constant 0 : i32
        %dma_wait3A_1555 = arith.constant 0 : i32
        %dma_wait3A_1556 = tpu.memref_slice %arg9[%rem3A_1279, %dma_wait3A_1550, %dma_wait3A_1554, %dma_wait3A_1555] : memref<2x8x8x129xf32, #tpu.memory_space<vmem>> -> memref<1x1x8x128xf32, #tpu.memory_space<vmem>>
        %dma_wait3A_1557 = tpu.memref_squeeze %dma_wait3A_1556 : memref<1x1x8x128xf32, #tpu.memory_space<vmem>> -> memref<8x128xf32, #tpu.memory_space<vmem>>
        %dma_wait3A_1558 = arith.constant 0 : i32
        %dma_wait3A_1559 = arith.constant 0 : i32
        %dma_wait3A_1560 = tpu.memref_slice %arg5[%dma_wait3A_1551, %dma_wait3A_1552, %dma_wait3A_1553, %dma_wait3A_1558, %dma_wait3A_1559] : memref<200x8x32x8x128xf32, #tpu.memory_space<hbm>> -> memref<1x1x1x8x128xf32, #tpu.memory_space<hbm>>
        %dma_wait3A_1561 = tpu.memref_squeeze %dma_wait3A_1560 : memref<1x1x1x8x128xf32, #tpu.memory_space<hbm>> -> memref<8x128xf32, #tpu.memory_space<hbm>>
        %dma_wait3A_1562 = arith.constant 0 : i32
        %dma_wait3A_1563 = arith.constant 0 : i32
        %dma_wait3A_1564 = tpu.memref_slice %arg5[%dma_wait3A_1551, %dma_wait3A_1552, %dma_wait3A_1553, %dma_wait3A_1562, %dma_wait3A_1563] : memref<200x8x32x8x128xf32, #tpu.memory_space<hbm>> -> memref<1x1x1x8x128xf32, #tpu.memory_space<hbm>>
        %dma_wait3A_1565 = tpu.memref_squeeze %dma_wait3A_1564 : memref<1x1x1x8x128xf32, #tpu.memory_space<hbm>> -> memref<8x128xf32, #tpu.memory_space<hbm>>
        %dma_wait3A_1566 = arith.constant 0 : i32
        %dma_wait3A_1567 = arith.constant 0 : i32
        %dma_wait3A_1568 = tpu.memref_slice %arg9[%rem3A_1279, %dma_wait3A_1550, %dma_wait3A_1566, %dma_wait3A_1567] : memref<2x8x8x129xf32, #tpu.memory_space<vmem>> -> memref<1x1x8x128xf32, #tpu.memory_space<vmem>>
        %dma_wait3A_1569 = tpu.memref_squeeze %dma_wait3A_1568 : memref<1x1x8x128xf32, #tpu.memory_space<vmem>> -> memref<8x128xf32, #tpu.memory_space<vmem>>
        tpu.wait_dma2 semaphore(%arg12 : memref<!tpu.dma_semaphore, #tpu.memory_space<semaphore_mem>>) src(%dma_wait3A_1569 : memref<8x128xf32, #tpu.memory_space<vmem>>) dst(%dma_wait3A_1565 : memref<8x128xf32, #tpu.memory_space<hbm>>)
        %dma_wait3A_1570 = arith.constant 6 : i32
        %dma_wait3A_1571 = arith.constant 0 : i32
        %dma_wait3A_1572 = arith.constant 0 : i32
        %dma_wait3A_1573 = arith.constant 0 : i32
        %dma_wait3A_1574 = arith.constant 0 : i32
        %dma_wait3A_1575 = arith.constant 0 : i32
        %dma_wait3A_1576 = tpu.memref_slice %arg9[%rem3A_1279, %dma_wait3A_1570, %dma_wait3A_1574, %dma_wait3A_1575] : memref<2x8x8x129xf32, #tpu.memory_space<vmem>> -> memref<1x1x8x128xf32, #tpu.memory_space<vmem>>
        %dma_wait3A_1577 = tpu.memref_squeeze %dma_wait3A_1576 : memref<1x1x8x128xf32, #tpu.memory_space<vmem>> -> memref<8x128xf32, #tpu.memory_space<vmem>>
        %dma_wait3A_1578 = arith.constant 0 : i32
        %dma_wait3A_1579 = arith.constant 0 : i32
        %dma_wait3A_1580 = tpu.memref_slice %arg5[%dma_wait3A_1571, %dma_wait3A_1572, %dma_wait3A_1573, %dma_wait3A_1578, %dma_wait3A_1579] : memref<200x8x32x8x128xf32, #tpu.memory_space<hbm>> -> memref<1x1x1x8x128xf32, #tpu.memory_space<hbm>>
        %dma_wait3A_1581 = tpu.memref_squeeze %dma_wait3A_1580 : memref<1x1x1x8x128xf32, #tpu.memory_space<hbm>> -> memref<8x128xf32, #tpu.memory_space<hbm>>
        %dma_wait3A_1582 = arith.constant 0 : i32
        %dma_wait3A_1583 = arith.constant 0 : i32
        %dma_wait3A_1584 = tpu.memref_slice %arg5[%dma_wait3A_1571, %dma_wait3A_1572, %dma_wait3A_1573, %dma_wait3A_1582, %dma_wait3A_1583] : memref<200x8x32x8x128xf32, #tpu.memory_space<hbm>> -> memref<1x1x1x8x128xf32, #tpu.memory_space<hbm>>
        %dma_wait3A_1585 = tpu.memref_squeeze %dma_wait3A_1584 : memref<1x1x1x8x128xf32, #tpu.memory_space<hbm>> -> memref<8x128xf32, #tpu.memory_space<hbm>>
        %dma_wait3A_1586 = arith.constant 0 : i32
        %dma_wait3A_1587 = arith.constant 0 : i32
        %dma_wait3A_1588 = tpu.memref_slice %arg9[%rem3A_1279, %dma_wait3A_1570, %dma_wait3A_1586, %dma_wait3A_1587] : memref<2x8x8x129xf32, #tpu.memory_space<vmem>> -> memref<1x1x8x128xf32, #tpu.memory_space<vmem>>
        %dma_wait3A_1589 = tpu.memref_squeeze %dma_wait3A_1588 : memref<1x1x8x128xf32, #tpu.memory_space<vmem>> -> memref<8x128xf32, #tpu.memory_space<vmem>>
        tpu.wait_dma2 semaphore(%arg12 : memref<!tpu.dma_semaphore, #tpu.memory_space<semaphore_mem>>) src(%dma_wait3A_1589 : memref<8x128xf32, #tpu.memory_space<vmem>>) dst(%dma_wait3A_1585 : memref<8x128xf32, #tpu.memory_space<hbm>>)
        %dma_wait3A_1590 = arith.constant 7 : i32
        %dma_wait3A_1591 = arith.constant 0 : i32
        %dma_wait3A_1592 = arith.constant 0 : i32
        %dma_wait3A_1593 = arith.constant 0 : i32
        %dma_wait3A_1594 = arith.constant 0 : i32
        %dma_wait3A_1595 = arith.constant 0 : i32
        %dma_wait3A_1596 = tpu.memref_slice %arg9[%rem3A_1279, %dma_wait3A_1590, %dma_wait3A_1594, %dma_wait3A_1595] : memref<2x8x8x129xf32, #tpu.memory_space<vmem>> -> memref<1x1x8x128xf32, #tpu.memory_space<vmem>>
        %dma_wait3A_1597 = tpu.memref_squeeze %dma_wait3A_1596 : memref<1x1x8x128xf32, #tpu.memory_space<vmem>> -> memref<8x128xf32, #tpu.memory_space<vmem>>
        %dma_wait3A_1598 = arith.constant 0 : i32
        %dma_wait3A_1599 = arith.constant 0 : i32
        %dma_wait3A_1600 = tpu.memref_slice %arg5[%dma_wait3A_1591, %dma_wait3A_1592, %dma_wait3A_1593, %dma_wait3A_1598, %dma_wait3A_1599] : memref<200x8x32x8x128xf32, #tpu.memory_space<hbm>> -> memref<1x1x1x8x128xf32, #tpu.memory_space<hbm>>
        %dma_wait3A_1601 = tpu.memref_squeeze %dma_wait3A_1600 : memref<1x1x1x8x128xf32, #tpu.memory_space<hbm>> -> memref<8x128xf32, #tpu.memory_space<hbm>>
        %dma_wait3A_1602 = arith.constant 0 : i32
        %dma_wait3A_1603 = arith.constant 0 : i32
        %dma_wait3A_1604 = tpu.memref_slice %arg5[%dma_wait3A_1591, %dma_wait3A_1592, %dma_wait3A_1593, %dma_wait3A_1602, %dma_wait3A_1603] : memref<200x8x32x8x128xf32, #tpu.memory_space<hbm>> -> memref<1x1x1x8x128xf32, #tpu.memory_space<hbm>>
        %dma_wait3A_1605 = tpu.memref_squeeze %dma_wait3A_1604 : memref<1x1x1x8x128xf32, #tpu.memory_space<hbm>> -> memref<8x128xf32, #tpu.memory_space<hbm>>
        %dma_wait3A_1606 = arith.constant 0 : i32
        %dma_wait3A_1607 = arith.constant 0 : i32
        %dma_wait3A_1608 = tpu.memref_slice %arg9[%rem3A_1279, %dma_wait3A_1590, %dma_wait3A_1606, %dma_wait3A_1607] : memref<2x8x8x129xf32, #tpu.memory_space<vmem>> -> memref<1x1x8x128xf32, #tpu.memory_space<vmem>>
        %dma_wait3A_1609 = tpu.memref_squeeze %dma_wait3A_1608 : memref<1x1x8x128xf32, #tpu.memory_space<vmem>> -> memref<8x128xf32, #tpu.memory_space<vmem>>
        tpu.wait_dma2 semaphore(%arg12 : memref<!tpu.dma_semaphore, #tpu.memory_space<semaphore_mem>>) src(%dma_wait3A_1609 : memref<8x128xf32, #tpu.memory_space<vmem>>) dst(%dma_wait3A_1605 : memref<8x128xf32, #tpu.memory_space<hbm>>)
      } else {
      }
      %scan3A_1300 = arith.constant 0 : i32
      %scan3A_1301 = arith.constant 0 : i32
      %scan3A_1302 = arith.constant 128 : i32
      %scan3A_1303 = arith.addi %scan3A_1301, %scan3A_1302 : i32
      %scan3A_1304 = arith.constant 1 : i32
      scf.for %scan3A_1450 = %scan3A_1301 to %scan3A_1303 step %scan3A_1304  : i32 {
        %broadcast_in_dim3A = vector.broadcast %scan3A_1450 : i32 to vector<16xi32>
        %broadcast_in_dim3A_1451 = vector.broadcast %rem3A_1279 : i32 to vector<16xi32>
        %add3A_1452 = arith.constant 0 : i32
        %add3A_1453 = vector.broadcast %add3A_1452 : i32 to vector<16xi32>
        %add3A_1454 = arith.addi %add3A_1453, %iota3A : vector<16xi32>
        %get3A = arith.index_cast %rem3A_1279 : i32 to index
        %get3A_1455 = arith.index_cast %scan3A_1450 : i32 to index
        %get3A_1456 = arith.constant 0 : index
        %get3A_1457 = tpu.vector_load %arg8[%get3A, %get3A_1455, %get3A_1456] {strides = array<i32>} : memref<2x128x64xf32, #tpu.memory_space<vmem>>, vector<16xf32>,
        %get3A_1458 = arith.index_cast %scan3A_1278 : i32 to index
        %get3A_1459 = arith.constant 0 : index
        %get3A_1460 = tpu.vector_load %arg7[%get3A_1458, %get3A_1459] {strides = array<i32>} : memref<200x64xf32, #tpu.memory_space<vmem>>, vector<16xf32>,
        %add3A_1461 = arith.addf %get3A_1457, %get3A_1460 : vector<16xf32>
        %jit3A = arith.constant 8 : i32
        %div3A = vector.broadcast %jit3A : i32 to vector<16xi32>
        %div3A_1462 = arith.divsi %add3A_1454, %div3A : vector<16xi32>
        %sign3A = arith.constant 0 : i32
        %sign3A_1463 = vector.broadcast %sign3A : i32 to vector<16xi32>
        %sign3A_1464 = arith.cmpi sgt, %add3A_1454, %sign3A_1463 : vector<16xi32>
        %sign3A_1465 = arith.extui %sign3A_1464 : vector<16xi1> to vector<16xi32>
        %sign3A_1466 = arith.constant 0 : i32
        %sign3A_1467 = vector.broadcast %sign3A_1466 : i32 to vector<16xi32>
        %sign3A_1468 = arith.cmpi slt, %add3A_1454, %sign3A_1467 : vector<16xi32>
        %sign3A_1469 = arith.extui %sign3A_1468 : vector<16xi1> to vector<16xi32>
        %sign3A_1470 = arith.subi %sign3A_1465, %sign3A_1469 : vector<16xi32>
        %sign3A_1471 = arith.constant 0 : i32
        %sign3A_1472 = arith.cmpi sgt, %jit3A, %sign3A_1471 : i32
        %sign3A_1473 = arith.extui %sign3A_1472 : i1 to i32
        %sign3A_1474 = arith.constant 0 : i32
        %sign3A_1475 = arith.cmpi slt, %jit3A, %sign3A_1474 : i32
        %sign3A_1476 = arith.extui %sign3A_1475 : i1 to i32
        %sign3A_1477 = arith.subi %sign3A_1473, %sign3A_1476 : i32
        %ne3A = vector.broadcast %sign3A_1477 : i32 to vector<16xi32>
        %ne3A_1478 = arith.cmpi ne, %sign3A_1470, %ne3A : vector<16xi32>
        %rem3A_1479 = vector.broadcast %jit3A : i32 to vector<16xi32>
        %rem3A_1480 = arith.remsi %add3A_1454, %rem3A_1479 : vector<16xi32>
        %ne3A_1481 = arith.constant 0 : i32
        %ne3A_1482 = vector.broadcast %ne3A_1481 : i32 to vector<16xi32>
        %ne3A_1483 = arith.cmpi ne, %rem3A_1480, %ne3A_1482 : vector<16xi32>
        %and3A = arith.andi %ne3A_1478, %ne3A_1483 : vector<16xi1>
        %sub3A = arith.constant 1 : i32
        %sub3A_1484 = vector.broadcast %sub3A : i32 to vector<16xi32>
        %sub3A_1485 = arith.subi %div3A_1462, %sub3A_1484 : vector<16xi32>
        %select_n3A = arith.select %and3A, %sub3A_1485, %div3A_1462 : vector<16xi1>, vector<16xi32>
        %jit3A_1486 = arith.constant 8 : i32
        %eq3A = arith.constant 0 : i32
        %eq3A_1487 = arith.cmpi eq, %jit3A_1486, %eq3A : i32
        %jit3A_1488 = arith.constant 1 : i32
        %select_n3A_1489 = arith.select %eq3A_1487, %jit3A_1488, %jit3A_1486 : i32
        %rem3A_1490 = vector.broadcast %select_n3A_1489 : i32 to vector<16xi32>
        %rem3A_1491 = arith.remsi %add3A_1454, %rem3A_1490 : vector<16xi32>
        %ne3A_1492 = arith.constant 0 : i32
        %ne3A_1493 = vector.broadcast %ne3A_1492 : i32 to vector<16xi32>
        %ne3A_1494 = arith.cmpi ne, %rem3A_1491, %ne3A_1493 : vector<16xi32>
        %lt3A_1495 = arith.constant 0 : i32
        %lt3A_1496 = vector.broadcast %lt3A_1495 : i32 to vector<16xi32>
        %lt3A_1497 = arith.cmpi slt, %rem3A_1491, %lt3A_1496 : vector<16xi32>
        %lt3A_1498 = arith.constant 0 : i32
        %lt3A_1499 = arith.cmpi slt, %select_n3A_1489, %lt3A_1498 : i32
        %ne3A_1500 = vector.broadcast %lt3A_1499 : i1 to vector<16xi1>
        %ne3A_1501 = vector.broadcast %ne3A_1500 : vector<16xi1> to vector<16xi1>
        %ne3A_1502 = arith.xori %lt3A_1497, %ne3A_1501 : vector<16xi1>
        %and3A_1503 = arith.andi %ne3A_1502, %ne3A_1494 : vector<16xi1>
        %add3A_1504 = vector.broadcast %select_n3A_1489 : i32 to vector<16xi32>
        %add3A_1505 = arith.addi %rem3A_1491, %add3A_1504 : vector<16xi32>
        %select_n3A_1506 = arith.select %and3A_1503, %add3A_1505, %rem3A_1491 : vector<16xi1>, vector<16xi32>
        tpu.vector_store_idx %arg9[%broadcast_in_dim3A_1451, %select_n3A, %select_n3A_1506, %broadcast_in_dim3A], %add3A_1461 : memref<2x8x8x129xf32, #tpu.memory_space<vmem>>[vector<16xi32>, vector<16xi32>, vector<16xi32>, vector<16xi32>], vector<16xf32>,
        %add3A_1507 = arith.constant 16 : i32
        %add3A_1508 = vector.broadcast %add3A_1507 : i32 to vector<16xi32>
        %add3A_1509 = arith.addi %add3A_1508, %iota3A : vector<16xi32>
        %get3A_1510 = arith.index_cast %rem3A_1279 : i32 to index
        %get3A_1511 = arith.index_cast %scan3A_1450 : i32 to index
        %get3A_1512 = arith.constant 16 : index
        %get3A_1513 = tpu.vector_load %arg8[%get3A_1510, %get3A_1511, %get3A_1512] {strides = array<i32>} : memref<2x128x64xf32, #tpu.memory_space<vmem>>, vector<16xf32>,
        %get3A_1514 = arith.index_cast %scan3A_1278 : i32 to index
        %get3A_1515 = arith.constant 16 : index
        %get3A_1516 = tpu.vector_load %arg7[%get3A_1514, %get3A_1515] {strides = array<i32>} : memref<200x64xf32, #tpu.memory_space<vmem>>, vector<16xf32>,
        %add3A_1517 = arith.addf %get3A_1513, %get3A_1516 : vector<16xf32>
        %jit3A_1518 = arith.constant 8 : i32
        %div3A_1519 = vector.broadcast %jit3A_1518 : i32 to vector<16xi32>
        %div3A_1520 = arith.divsi %add3A_1509, %div3A_1519 : vector<16xi32>
        %sign3A_1521 = arith.constant 0 : i32
        %sign3A_1522 = vector.broadcast %sign3A_1521 : i32 to vector<16xi32>
        %sign3A_1523 = arith.cmpi sgt, %add3A_1509, %sign3A_1522 : vector<16xi32>
        %sign3A_1524 = arith.extui %sign3A_1523 : vector<16xi1> to vector<16xi32>
        %sign3A_1525 = arith.constant 0 : i32
        %sign3A_1526 = vector.broadcast %sign3A_1525 : i32 to vector<16xi32>
        %sign3A_1527 = arith.cmpi slt, %add3A_1509, %sign3A_1526 : vector<16xi32>
        %sign3A_1528 = arith.extui %sign3A_1527 : vector<16xi1> to vector<16xi32>
        %sign3A_1529 = arith.subi %sign3A_1524, %sign3A_1528 : vector<16xi32>
        %sign3A_1530 = arith.constant 0 : i32
        %sign3A_1531 = arith.cmpi sgt, %jit3A_1518, %sign3A_1530 : i32
        %sign3A_1532 = arith.extui %sign3A_1531 : i1 to i32
        %sign3A_1533 = arith.constant 0 : i32
        %sign3A_1534 = arith.cmpi slt, %jit3A_1518, %sign3A_1533 : i32
        %sign3A_1535 = arith.extui %sign3A_1534 : i1 to i32
        %sign3A_1536 = arith.subi %sign3A_1532, %sign3A_1535 : i32
        %ne3A_1537 = vector.broadcast %sign3A_1536 : i32 to vector<16xi32>
        %ne3A_1538 = arith.cmpi ne, %sign3A_1529, %ne3A_1537 : vector<16xi32>
        %rem3A_1539 = vector.broadcast %jit3A_1518 : i32 to vector<16xi32>
        %rem3A_1540 = arith.remsi %add3A_1509, %rem3A_1539 : vector<16xi32>
        %ne3A_1541 = arith.constant 0 : i32
        %ne3A_1542 = vector.broadcast %ne3A_1541 : i32 to vector<16xi32>
        %ne3A_1543 = arith.cmpi ne, %rem3A_1540, %ne3A_1542 : vector<16xi32>
        %and3A_1544 = arith.andi %ne3A_1538, %ne3A_1543 : vector<16xi1>
        %sub3A_1545 = arith.constant 1 : i32
        %sub3A_1546 = vector.broadcast %sub3A_1545 : i32 to vector<16xi32>
        %sub3A_1547 = arith.subi %div3A_1520, %sub3A_1546 : vector<16xi32>
        %select_n3A_1548 = arith.select %and3A_1544, %sub3A_1547, %div3A_1520 : vector<16xi1>, vector<16xi32>
        %jit3A_1549 = arith.constant 8 : i32
        %eq3A_1550 = arith.constant 0 : i32
        %eq3A_1551 = arith.cmpi eq, %jit3A_1549, %eq3A_1550 : i32
        %jit3A_1552 = arith.constant 1 : i32
        %select_n3A_1553 = arith.select %eq3A_1551, %jit3A_1552, %jit3A_1549 : i32
        %rem3A_1554 = vector.broadcast %select_n3A_1553 : i32 to vector<16xi32>
        %rem3A_1555 = arith.remsi %add3A_1509, %rem3A_1554 : vector<16xi32>
        %ne3A_1556 = arith.constant 0 : i32
        %ne3A_1557 = vector.broadcast %ne3A_1556 : i32 to vector<16xi32>
        %ne3A_1558 = arith.cmpi ne, %rem3A_1555, %ne3A_1557 : vector<16xi32>
        %lt3A_1559 = arith.constant 0 : i32
        %lt3A_1560 = vector.broadcast %lt3A_1559 : i32 to vector<16xi32>
        %lt3A_1561 = arith.cmpi slt, %rem3A_1555, %lt3A_1560 : vector<16xi32>
        %lt3A_1562 = arith.constant 0 : i32
        %lt3A_1563 = arith.cmpi slt, %select_n3A_1553, %lt3A_1562 : i32
        %ne3A_1564 = vector.broadcast %lt3A_1563 : i1 to vector<16xi1>
        %ne3A_1565 = vector.broadcast %ne3A_1564 : vector<16xi1> to vector<16xi1>
        %ne3A_1566 = arith.xori %lt3A_1561, %ne3A_1565 : vector<16xi1>
        %and3A_1567 = arith.andi %ne3A_1566, %ne3A_1558 : vector<16xi1>
        %add3A_1568 = vector.broadcast %select_n3A_1553 : i32 to vector<16xi32>
        %add3A_1569 = arith.addi %rem3A_1555, %add3A_1568 : vector<16xi32>
        %select_n3A_1570 = arith.select %and3A_1567, %add3A_1569, %rem3A_1555 : vector<16xi1>, vector<16xi32>
        tpu.vector_store_idx %arg9[%broadcast_in_dim3A_1451, %select_n3A_1548, %select_n3A_1570, %broadcast_in_dim3A], %add3A_1517 : memref<2x8x8x129xf32, #tpu.memory_space<vmem>>[vector<16xi32>, vector<16xi32>, vector<16xi32>, vector<16xi32>], vector<16xf32>,
        %add3A_1571 = arith.constant 32 : i32
        %add3A_1572 = vector.broadcast %add3A_1571 : i32 to vector<16xi32>
        %add3A_1573 = arith.addi %add3A_1572, %iota3A : vector<16xi32>
        %get3A_1574 = arith.index_cast %rem3A_1279 : i32 to index
        %get3A_1575 = arith.index_cast %scan3A_1450 : i32 to index
        %get3A_1576 = arith.constant 32 : index
        %get3A_1577 = tpu.vector_load %arg8[%get3A_1574, %get3A_1575, %get3A_1576] {strides = array<i32>} : memref<2x128x64xf32, #tpu.memory_space<vmem>>, vector<16xf32>,
        %get3A_1578 = arith.index_cast %scan3A_1278 : i32 to index
        %get3A_1579 = arith.constant 32 : index
        %get3A_1580 = tpu.vector_load %arg7[%get3A_1578, %get3A_1579] {strides = array<i32>} : memref<200x64xf32, #tpu.memory_space<vmem>>, vector<16xf32>,
        %add3A_1581 = arith.addf %get3A_1577, %get3A_1580 : vector<16xf32>
        %jit3A_1582 = arith.constant 8 : i32
        %div3A_1583 = vector.broadcast %jit3A_1582 : i32 to vector<16xi32>
        %div3A_1584 = arith.divsi %add3A_1573, %div3A_1583 : vector<16xi32>
        %sign3A_1585 = arith.constant 0 : i32
        %sign3A_1586 = vector.broadcast %sign3A_1585 : i32 to vector<16xi32>
        %sign3A_1587 = arith.cmpi sgt, %add3A_1573, %sign3A_1586 : vector<16xi32>
        %sign3A_1588 = arith.extui %sign3A_1587 : vector<16xi1> to vector<16xi32>
        %sign3A_1589 = arith.constant 0 : i32
        %sign3A_1590 = vector.broadcast %sign3A_1589 : i32 to vector<16xi32>
        %sign3A_1591 = arith.cmpi slt, %add3A_1573, %sign3A_1590 : vector<16xi32>
        %sign3A_1592 = arith.extui %sign3A_1591 : vector<16xi1> to vector<16xi32>
        %sign3A_1593 = arith.subi %sign3A_1588, %sign3A_1592 : vector<16xi32>
        %sign3A_1594 = arith.constant 0 : i32
        %sign3A_1595 = arith.cmpi sgt, %jit3A_1582, %sign3A_1594 : i32
        %sign3A_1596 = arith.extui %sign3A_1595 : i1 to i32
        %sign3A_1597 = arith.constant 0 : i32
        %sign3A_1598 = arith.cmpi slt, %jit3A_1582, %sign3A_1597 : i32
        %sign3A_1599 = arith.extui %sign3A_1598 : i1 to i32
        %sign3A_1600 = arith.subi %sign3A_1596, %sign3A_1599 : i32
        %ne3A_1601 = vector.broadcast %sign3A_1600 : i32 to vector<16xi32>
        %ne3A_1602 = arith.cmpi ne, %sign3A_1593, %ne3A_1601 : vector<16xi32>
        %rem3A_1603 = vector.broadcast %jit3A_1582 : i32 to vector<16xi32>
        %rem3A_1604 = arith.remsi %add3A_1573, %rem3A_1603 : vector<16xi32>
        %ne3A_1605 = arith.constant 0 : i32
        %ne3A_1606 = vector.broadcast %ne3A_1605 : i32 to vector<16xi32>
        %ne3A_1607 = arith.cmpi ne, %rem3A_1604, %ne3A_1606 : vector<16xi32>
        %and3A_1608 = arith.andi %ne3A_1602, %ne3A_1607 : vector<16xi1>
        %sub3A_1609 = arith.constant 1 : i32
        %sub3A_1610 = vector.broadcast %sub3A_1609 : i32 to vector<16xi32>
        %sub3A_1611 = arith.subi %div3A_1584, %sub3A_1610 : vector<16xi32>
        %select_n3A_1612 = arith.select %and3A_1608, %sub3A_1611, %div3A_1584 : vector<16xi1>, vector<16xi32>
        %jit3A_1613 = arith.constant 8 : i32
        %eq3A_1614 = arith.constant 0 : i32
        %eq3A_1615 = arith.cmpi eq, %jit3A_1613, %eq3A_1614 : i32
        %jit3A_1616 = arith.constant 1 : i32
        %select_n3A_1617 = arith.select %eq3A_1615, %jit3A_1616, %jit3A_1613 : i32
        %rem3A_1618 = vector.broadcast %select_n3A_1617 : i32 to vector<16xi32>
        %rem3A_1619 = arith.remsi %add3A_1573, %rem3A_1618 : vector<16xi32>
        %ne3A_1620 = arith.constant 0 : i32
        %ne3A_1621 = vector.broadcast %ne3A_1620 : i32 to vector<16xi32>
        %ne3A_1622 = arith.cmpi ne, %rem3A_1619, %ne3A_1621 : vector<16xi32>
        %lt3A_1623 = arith.constant 0 : i32
        %lt3A_1624 = vector.broadcast %lt3A_1623 : i32 to vector<16xi32>
        %lt3A_1625 = arith.cmpi slt, %rem3A_1619, %lt3A_1624 : vector<16xi32>
        %lt3A_1626 = arith.constant 0 : i32
        %lt3A_1627 = arith.cmpi slt, %select_n3A_1617, %lt3A_1626 : i32
        %ne3A_1628 = vector.broadcast %lt3A_1627 : i1 to vector<16xi1>
        %ne3A_1629 = vector.broadcast %ne3A_1628 : vector<16xi1> to vector<16xi1>
        %ne3A_1630 = arith.xori %lt3A_1625, %ne3A_1629 : vector<16xi1>
        %and3A_1631 = arith.andi %ne3A_1630, %ne3A_1622 : vector<16xi1>
        %add3A_1632 = vector.broadcast %select_n3A_1617 : i32 to vector<16xi32>
        %add3A_1633 = arith.addi %rem3A_1619, %add3A_1632 : vector<16xi32>
        %select_n3A_1634 = arith.select %and3A_1631, %add3A_1633, %rem3A_1619 : vector<16xi1>, vector<16xi32>
        tpu.vector_store_idx %arg9[%broadcast_in_dim3A_1451, %select_n3A_1612, %select_n3A_1634, %broadcast_in_dim3A], %add3A_1581 : memref<2x8x8x129xf32, #tpu.memory_space<vmem>>[vector<16xi32>, vector<16xi32>, vector<16xi32>, vector<16xi32>], vector<16xf32>,
        %add3A_1635 = arith.constant 48 : i32
        %add3A_1636 = vector.broadcast %add3A_1635 : i32 to vector<16xi32>
        %add3A_1637 = arith.addi %add3A_1636, %iota3A : vector<16xi32>
        %get3A_1638 = arith.index_cast %rem3A_1279 : i32 to index
        %get3A_1639 = arith.index_cast %scan3A_1450 : i32 to index
        %get3A_1640 = arith.constant 48 : index
        %get3A_1641 = tpu.vector_load %arg8[%get3A_1638, %get3A_1639, %get3A_1640] {strides = array<i32>} : memref<2x128x64xf32, #tpu.memory_space<vmem>>, vector<16xf32>,
        %get3A_1642 = arith.index_cast %scan3A_1278 : i32 to index
        %get3A_1643 = arith.constant 48 : index
        %get3A_1644 = tpu.vector_load %arg7[%get3A_1642, %get3A_1643] {strides = array<i32>} : memref<200x64xf32, #tpu.memory_space<vmem>>, vector<16xf32>,
        %add3A_1645 = arith.addf %get3A_1641, %get3A_1644 : vector<16xf32>
        %jit3A_1646 = arith.constant 8 : i32
        %div3A_1647 = vector.broadcast %jit3A_1646 : i32 to vector<16xi32>
        %div3A_1648 = arith.divsi %add3A_1637, %div3A_1647 : vector<16xi32>
        %sign3A_1649 = arith.constant 0 : i32
        %sign3A_1650 = vector.broadcast %sign3A_1649 : i32 to vector<16xi32>
        %sign3A_1651 = arith.cmpi sgt, %add3A_1637, %sign3A_1650 : vector<16xi32>
        %sign3A_1652 = arith.extui %sign3A_1651 : vector<16xi1> to vector<16xi32>
        %sign3A_1653 = arith.constant 0 : i32
        %sign3A_1654 = vector.broadcast %sign3A_1653 : i32 to vector<16xi32>
        %sign3A_1655 = arith.cmpi slt, %add3A_1637, %sign3A_1654 : vector<16xi32>
        %sign3A_1656 = arith.extui %sign3A_1655 : vector<16xi1> to vector<16xi32>
        %sign3A_1657 = arith.subi %sign3A_1652, %sign3A_1656 : vector<16xi32>
        %sign3A_1658 = arith.constant 0 : i32
        %sign3A_1659 = arith.cmpi sgt, %jit3A_1646, %sign3A_1658 : i32
        %sign3A_1660 = arith.extui %sign3A_1659 : i1 to i32
        %sign3A_1661 = arith.constant 0 : i32
        %sign3A_1662 = arith.cmpi slt, %jit3A_1646, %sign3A_1661 : i32
        %sign3A_1663 = arith.extui %sign3A_1662 : i1 to i32
        %sign3A_1664 = arith.subi %sign3A_1660, %sign3A_1663 : i32
        %ne3A_1665 = vector.broadcast %sign3A_1664 : i32 to vector<16xi32>
        %ne3A_1666 = arith.cmpi ne, %sign3A_1657, %ne3A_1665 : vector<16xi32>
        %rem3A_1667 = vector.broadcast %jit3A_1646 : i32 to vector<16xi32>
        %rem3A_1668 = arith.remsi %add3A_1637, %rem3A_1667 : vector<16xi32>
        %ne3A_1669 = arith.constant 0 : i32
        %ne3A_1670 = vector.broadcast %ne3A_1669 : i32 to vector<16xi32>
        %ne3A_1671 = arith.cmpi ne, %rem3A_1668, %ne3A_1670 : vector<16xi32>
        %and3A_1672 = arith.andi %ne3A_1666, %ne3A_1671 : vector<16xi1>
        %sub3A_1673 = arith.constant 1 : i32
        %sub3A_1674 = vector.broadcast %sub3A_1673 : i32 to vector<16xi32>
        %sub3A_1675 = arith.subi %div3A_1648, %sub3A_1674 : vector<16xi32>
        %select_n3A_1676 = arith.select %and3A_1672, %sub3A_1675, %div3A_1648 : vector<16xi1>, vector<16xi32>
        %jit3A_1677 = arith.constant 8 : i32
        %eq3A_1678 = arith.constant 0 : i32
        %eq3A_1679 = arith.cmpi eq, %jit3A_1677, %eq3A_1678 : i32
        %jit3A_1680 = arith.constant 1 : i32
        %select_n3A_1681 = arith.select %eq3A_1679, %jit3A_1680, %jit3A_1677 : i32
        %rem3A_1682 = vector.broadcast %select_n3A_1681 : i32 to vector<16xi32>
        %rem3A_1683 = arith.remsi %add3A_1637, %rem3A_1682 : vector<16xi32>
        %ne3A_1684 = arith.constant 0 : i32
        %ne3A_1685 = vector.broadcast %ne3A_1684 : i32 to vector<16xi32>
        %ne3A_1686 = arith.cmpi ne, %rem3A_1683, %ne3A_1685 : vector<16xi32>
        %lt3A_1687 = arith.constant 0 : i32
        %lt3A_1688 = vector.broadcast %lt3A_1687 : i32 to vector<16xi32>
        %lt3A_1689 = arith.cmpi slt, %rem3A_1683, %lt3A_1688 : vector<16xi32>
        %lt3A_1690 = arith.constant 0 : i32
        %lt3A_1691 = arith.cmpi slt, %select_n3A_1681, %lt3A_1690 : i32
        %ne3A_1692 = vector.broadcast %lt3A_1691 : i1 to vector<16xi1>
        %ne3A_1693 = vector.broadcast %ne3A_1692 : vector<16xi1> to vector<16xi1>
        %ne3A_1694 = arith.xori %lt3A_1689, %ne3A_1693 : vector<16xi1>
        %and3A_1695 = arith.andi %ne3A_1694, %ne3A_1686 : vector<16xi1>
        %add3A_1696 = vector.broadcast %select_n3A_1681 : i32 to vector<16xi32>
        %add3A_1697 = arith.addi %rem3A_1683, %add3A_1696 : vector<16xi32>
        %select_n3A_1698 = arith.select %and3A_1695, %add3A_1697, %rem3A_1683 : vector<16xi1>, vector<16xi32>
        tpu.vector_store_idx %arg9[%broadcast_in_dim3A_1451, %select_n3A_1676, %select_n3A_1698, %broadcast_in_dim3A], %add3A_1645 : memref<2x8x8x129xf32, #tpu.memory_space<vmem>>[vector<16xi32>, vector<16xi32>, vector<16xi32>, vector<16xi32>], vector<16xf32>,
      }
      %scan3A_1305 = arith.constant 128 : i32
      %dma_start3A_1306 = arith.constant 0 : i32
      %dma_start3A_1307 = arith.constant 0 : i32
      %dma_start3A_1308 = arith.constant 0 : i32
      %dma_start3A_1309 = arith.constant 0 : i32
      %dma_start3A_1310 = tpu.memref_slice %arg9[%rem3A_1279, %dma_start3A_1306, %dma_start3A_1308, %dma_start3A_1309] : memref<2x8x8x129xf32, #tpu.memory_space<vmem>> -> memref<1x1x8x128xf32, #tpu.memory_space<vmem>>
      %dma_start3A_1311 = tpu.memref_squeeze %dma_start3A_1310 : memref<1x1x8x128xf32, #tpu.memory_space<vmem>> -> memref<8x128xf32, #tpu.memory_space<vmem>>
      %dma_start3A_1312 = arith.constant 0 : i32
      %dma_start3A_1313 = arith.constant 0 : i32
      %dma_start3A_1314 = tpu.memref_slice %arg5[%scan3A_1278, %dma_start3A_1307, %add3A, %dma_start3A_1312, %dma_start3A_1313] : memref<200x8x32x8x128xf32, #tpu.memory_space<hbm>> -> memref<1x1x1x8x128xf32, #tpu.memory_space<hbm>>
      %dma_start3A_1315 = tpu.memref_squeeze %dma_start3A_1314 : memref<1x1x1x8x128xf32, #tpu.memory_space<hbm>> -> memref<8x128xf32, #tpu.memory_space<hbm>>
      %dma_start3A_1316 = arith.constant 0 : i32
      %dma_start3A_1317 = arith.constant 0 : i32
      %dma_start3A_1318 = tpu.memref_slice %arg5[%scan3A_1278, %dma_start3A_1307, %add3A, %dma_start3A_1316, %dma_start3A_1317] : memref<200x8x32x8x128xf32, #tpu.memory_space<hbm>> -> memref<1x1x1x8x128xf32, #tpu.memory_space<hbm>>
      %dma_start3A_1319 = tpu.memref_squeeze %dma_start3A_1318 : memref<1x1x1x8x128xf32, #tpu.memory_space<hbm>> -> memref<8x128xf32, #tpu.memory_space<hbm>>
      %dma_start3A_1320 = arith.constant 0 : i32
      %dma_start3A_1321 = arith.constant 0 : i32
      %dma_start3A_1322 = tpu.memref_slice %arg9[%rem3A_1279, %dma_start3A_1306, %dma_start3A_1320, %dma_start3A_1321] : memref<2x8x8x129xf32, #tpu.memory_space<vmem>> -> memref<1x1x8x128xf32, #tpu.memory_space<vmem>>
      %dma_start3A_1323 = tpu.memref_squeeze %dma_start3A_1322 : memref<1x1x8x128xf32, #tpu.memory_space<vmem>> -> memref<8x128xf32, #tpu.memory_space<vmem>>
      tpu.enqueue_dma source(%dma_start3A_1323 : memref<8x128xf32, #tpu.memory_space<vmem>>) target(%dma_start3A_1319 : memref<8x128xf32, #tpu.memory_space<hbm>>) target_semaphore(%arg12 : memref<!tpu.dma_semaphore, #tpu.memory_space<semaphore_mem>>)
      %dma_start3A_1324 = arith.constant 1 : i32
      %dma_start3A_1325 = arith.constant 1 : i32
      %dma_start3A_1326 = arith.constant 0 : i32
      %dma_start3A_1327 = arith.constant 0 : i32
      %dma_start3A_1328 = tpu.memref_slice %arg9[%rem3A_1279, %dma_start3A_1324, %dma_start3A_1326, %dma_start3A_1327] : memref<2x8x8x129xf32, #tpu.memory_space<vmem>> -> memref<1x1x8x128xf32, #tpu.memory_space<vmem>>
      %dma_start3A_1329 = tpu.memref_squeeze %dma_start3A_1328 : memref<1x1x8x128xf32, #tpu.memory_space<vmem>> -> memref<8x128xf32, #tpu.memory_space<vmem>>
      %dma_start3A_1330 = arith.constant 0 : i32
      %dma_start3A_1331 = arith.constant 0 : i32
      %dma_start3A_1332 = tpu.memref_slice %arg5[%scan3A_1278, %dma_start3A_1325, %add3A, %dma_start3A_1330, %dma_start3A_1331] : memref<200x8x32x8x128xf32, #tpu.memory_space<hbm>> -> memref<1x1x1x8x128xf32, #tpu.memory_space<hbm>>
      %dma_start3A_1333 = tpu.memref_squeeze %dma_start3A_1332 : memref<1x1x1x8x128xf32, #tpu.memory_space<hbm>> -> memref<8x128xf32, #tpu.memory_space<hbm>>
      %dma_start3A_1334 = arith.constant 0 : i32
      %dma_start3A_1335 = arith.constant 0 : i32
      %dma_start3A_1336 = tpu.memref_slice %arg5[%scan3A_1278, %dma_start3A_1325, %add3A, %dma_start3A_1334, %dma_start3A_1335] : memref<200x8x32x8x128xf32, #tpu.memory_space<hbm>> -> memref<1x1x1x8x128xf32, #tpu.memory_space<hbm>>
      %dma_start3A_1337 = tpu.memref_squeeze %dma_start3A_1336 : memref<1x1x1x8x128xf32, #tpu.memory_space<hbm>> -> memref<8x128xf32, #tpu.memory_space<hbm>>
      %dma_start3A_1338 = arith.constant 0 : i32
      %dma_start3A_1339 = arith.constant 0 : i32
      %dma_start3A_1340 = tpu.memref_slice %arg9[%rem3A_1279, %dma_start3A_1324, %dma_start3A_1338, %dma_start3A_1339] : memref<2x8x8x129xf32, #tpu.memory_space<vmem>> -> memref<1x1x8x128xf32, #tpu.memory_space<vmem>>
      %dma_start3A_1341 = tpu.memref_squeeze %dma_start3A_1340 : memref<1x1x8x128xf32, #tpu.memory_space<vmem>> -> memref<8x128xf32, #tpu.memory_space<vmem>>
      tpu.enqueue_dma source(%dma_start3A_1341 : memref<8x128xf32, #tpu.memory_space<vmem>>) target(%dma_start3A_1337 : memref<8x128xf32, #tpu.memory_space<hbm>>) target_semaphore(%arg12 : memref<!tpu.dma_semaphore, #tpu.memory_space<semaphore_mem>>)
      %dma_start3A_1342 = arith.constant 2 : i32
      %dma_start3A_1343 = arith.constant 2 : i32
      %dma_start3A_1344 = arith.constant 0 : i32
      %dma_start3A_1345 = arith.constant 0 : i32
      %dma_start3A_1346 = tpu.memref_slice %arg9[%rem3A_1279, %dma_start3A_1342, %dma_start3A_1344, %dma_start3A_1345] : memref<2x8x8x129xf32, #tpu.memory_space<vmem>> -> memref<1x1x8x128xf32, #tpu.memory_space<vmem>>
      %dma_start3A_1347 = tpu.memref_squeeze %dma_start3A_1346 : memref<1x1x8x128xf32, #tpu.memory_space<vmem>> -> memref<8x128xf32, #tpu.memory_space<vmem>>
      %dma_start3A_1348 = arith.constant 0 : i32
      %dma_start3A_1349 = arith.constant 0 : i32
      %dma_start3A_1350 = tpu.memref_slice %arg5[%scan3A_1278, %dma_start3A_1343, %add3A, %dma_start3A_1348, %dma_start3A_1349] : memref<200x8x32x8x128xf32, #tpu.memory_space<hbm>> -> memref<1x1x1x8x128xf32, #tpu.memory_space<hbm>>
      %dma_start3A_1351 = tpu.memref_squeeze %dma_start3A_1350 : memref<1x1x1x8x128xf32, #tpu.memory_space<hbm>> -> memref<8x128xf32, #tpu.memory_space<hbm>>
      %dma_start3A_1352 = arith.constant 0 : i32
      %dma_start3A_1353 = arith.constant 0 : i32
      %dma_start3A_1354 = tpu.memref_slice %arg5[%scan3A_1278, %dma_start3A_1343, %add3A, %dma_start3A_1352, %dma_start3A_1353] : memref<200x8x32x8x128xf32, #tpu.memory_space<hbm>> -> memref<1x1x1x8x128xf32, #tpu.memory_space<hbm>>
      %dma_start3A_1355 = tpu.memref_squeeze %dma_start3A_1354 : memref<1x1x1x8x128xf32, #tpu.memory_space<hbm>> -> memref<8x128xf32, #tpu.memory_space<hbm>>
      %dma_start3A_1356 = arith.constant 0 : i32
      %dma_start3A_1357 = arith.constant 0 : i32
      %dma_start3A_1358 = tpu.memref_slice %arg9[%rem3A_1279, %dma_start3A_1342, %dma_start3A_1356, %dma_start3A_1357] : memref<2x8x8x129xf32, #tpu.memory_space<vmem>> -> memref<1x1x8x128xf32, #tpu.memory_space<vmem>>
      %dma_start3A_1359 = tpu.memref_squeeze %dma_start3A_1358 : memref<1x1x8x128xf32, #tpu.memory_space<vmem>> -> memref<8x128xf32, #tpu.memory_space<vmem>>
      tpu.enqueue_dma source(%dma_start3A_1359 : memref<8x128xf32, #tpu.memory_space<vmem>>) target(%dma_start3A_1355 : memref<8x128xf32, #tpu.memory_space<hbm>>) target_semaphore(%arg12 : memref<!tpu.dma_semaphore, #tpu.memory_space<semaphore_mem>>)
      %dma_start3A_1360 = arith.constant 3 : i32
      %dma_start3A_1361 = arith.constant 3 : i32
      %dma_start3A_1362 = arith.constant 0 : i32
      %dma_start3A_1363 = arith.constant 0 : i32
      %dma_start3A_1364 = tpu.memref_slice %arg9[%rem3A_1279, %dma_start3A_1360, %dma_start3A_1362, %dma_start3A_1363] : memref<2x8x8x129xf32, #tpu.memory_space<vmem>> -> memref<1x1x8x128xf32, #tpu.memory_space<vmem>>
      %dma_start3A_1365 = tpu.memref_squeeze %dma_start3A_1364 : memref<1x1x8x128xf32, #tpu.memory_space<vmem>> -> memref<8x128xf32, #tpu.memory_space<vmem>>
      %dma_start3A_1366 = arith.constant 0 : i32
      %dma_start3A_1367 = arith.constant 0 : i32
      %dma_start3A_1368 = tpu.memref_slice %arg5[%scan3A_1278, %dma_start3A_1361, %add3A, %dma_start3A_1366, %dma_start3A_1367] : memref<200x8x32x8x128xf32, #tpu.memory_space<hbm>> -> memref<1x1x1x8x128xf32, #tpu.memory_space<hbm>>
      %dma_start3A_1369 = tpu.memref_squeeze %dma_start3A_1368 : memref<1x1x1x8x128xf32, #tpu.memory_space<hbm>> -> memref<8x128xf32, #tpu.memory_space<hbm>>
      %dma_start3A_1370 = arith.constant 0 : i32
      %dma_start3A_1371 = arith.constant 0 : i32
      %dma_start3A_1372 = tpu.memref_slice %arg5[%scan3A_1278, %dma_start3A_1361, %add3A, %dma_start3A_1370, %dma_start3A_1371] : memref<200x8x32x8x128xf32, #tpu.memory_space<hbm>> -> memref<1x1x1x8x128xf32, #tpu.memory_space<hbm>>
      %dma_start3A_1373 = tpu.memref_squeeze %dma_start3A_1372 : memref<1x1x1x8x128xf32, #tpu.memory_space<hbm>> -> memref<8x128xf32, #tpu.memory_space<hbm>>
      %dma_start3A_1374 = arith.constant 0 : i32
      %dma_start3A_1375 = arith.constant 0 : i32
      %dma_start3A_1376 = tpu.memref_slice %arg9[%rem3A_1279, %dma_start3A_1360, %dma_start3A_1374, %dma_start3A_1375] : memref<2x8x8x129xf32, #tpu.memory_space<vmem>> -> memref<1x1x8x128xf32, #tpu.memory_space<vmem>>
      %dma_start3A_1377 = tpu.memref_squeeze %dma_start3A_1376 : memref<1x1x8x128xf32, #tpu.memory_space<vmem>> -> memref<8x128xf32, #tpu.memory_space<vmem>>
      tpu.enqueue_dma source(%dma_start3A_1377 : memref<8x128xf32, #tpu.memory_space<vmem>>) target(%dma_start3A_1373 : memref<8x128xf32, #tpu.memory_space<hbm>>) target_semaphore(%arg12 : memref<!tpu.dma_semaphore, #tpu.memory_space<semaphore_mem>>)
      %dma_start3A_1378 = arith.constant 4 : i32
      %dma_start3A_1379 = arith.constant 4 : i32
      %dma_start3A_1380 = arith.constant 0 : i32
      %dma_start3A_1381 = arith.constant 0 : i32
      %dma_start3A_1382 = tpu.memref_slice %arg9[%rem3A_1279, %dma_start3A_1378, %dma_start3A_1380, %dma_start3A_1381] : memref<2x8x8x129xf32, #tpu.memory_space<vmem>> -> memref<1x1x8x128xf32, #tpu.memory_space<vmem>>
      %dma_start3A_1383 = tpu.memref_squeeze %dma_start3A_1382 : memref<1x1x8x128xf32, #tpu.memory_space<vmem>> -> memref<8x128xf32, #tpu.memory_space<vmem>>
      %dma_start3A_1384 = arith.constant 0 : i32
      %dma_start3A_1385 = arith.constant 0 : i32
      %dma_start3A_1386 = tpu.memref_slice %arg5[%scan3A_1278, %dma_start3A_1379, %add3A, %dma_start3A_1384, %dma_start3A_1385] : memref<200x8x32x8x128xf32, #tpu.memory_space<hbm>> -> memref<1x1x1x8x128xf32, #tpu.memory_space<hbm>>
      %dma_start3A_1387 = tpu.memref_squeeze %dma_start3A_1386 : memref<1x1x1x8x128xf32, #tpu.memory_space<hbm>> -> memref<8x128xf32, #tpu.memory_space<hbm>>
      %dma_start3A_1388 = arith.constant 0 : i32
      %dma_start3A_1389 = arith.constant 0 : i32
      %dma_start3A_1390 = tpu.memref_slice %arg5[%scan3A_1278, %dma_start3A_1379, %add3A, %dma_start3A_1388, %dma_start3A_1389] : memref<200x8x32x8x128xf32, #tpu.memory_space<hbm>> -> memref<1x1x1x8x128xf32, #tpu.memory_space<hbm>>
      %dma_start3A_1391 = tpu.memref_squeeze %dma_start3A_1390 : memref<1x1x1x8x128xf32, #tpu.memory_space<hbm>> -> memref<8x128xf32, #tpu.memory_space<hbm>>
      %dma_start3A_1392 = arith.constant 0 : i32
      %dma_start3A_1393 = arith.constant 0 : i32
      %dma_start3A_1394 = tpu.memref_slice %arg9[%rem3A_1279, %dma_start3A_1378, %dma_start3A_1392, %dma_start3A_1393] : memref<2x8x8x129xf32, #tpu.memory_space<vmem>> -> memref<1x1x8x128xf32, #tpu.memory_space<vmem>>
      %dma_start3A_1395 = tpu.memref_squeeze %dma_start3A_1394 : memref<1x1x8x128xf32, #tpu.memory_space<vmem>> -> memref<8x128xf32, #tpu.memory_space<vmem>>
      tpu.enqueue_dma source(%dma_start3A_1395 : memref<8x128xf32, #tpu.memory_space<vmem>>) target(%dma_start3A_1391 : memref<8x128xf32, #tpu.memory_space<hbm>>) target_semaphore(%arg12 : memref<!tpu.dma_semaphore, #tpu.memory_space<semaphore_mem>>)
      %dma_start3A_1396 = arith.constant 5 : i32
      %dma_start3A_1397 = arith.constant 5 : i32
      %dma_start3A_1398 = arith.constant 0 : i32
      %dma_start3A_1399 = arith.constant 0 : i32
      %dma_start3A_1400 = tpu.memref_slice %arg9[%rem3A_1279, %dma_start3A_1396, %dma_start3A_1398, %dma_start3A_1399] : memref<2x8x8x129xf32, #tpu.memory_space<vmem>> -> memref<1x1x8x128xf32, #tpu.memory_space<vmem>>
      %dma_start3A_1401 = tpu.memref_squeeze %dma_start3A_1400 : memref<1x1x8x128xf32, #tpu.memory_space<vmem>> -> memref<8x128xf32, #tpu.memory_space<vmem>>
      %dma_start3A_1402 = arith.constant 0 : i32
      %dma_start3A_1403 = arith.constant 0 : i32
      %dma_start3A_1404 = tpu.memref_slice %arg5[%scan3A_1278, %dma_start3A_1397, %add3A, %dma_start3A_1402, %dma_start3A_1403] : memref<200x8x32x8x128xf32, #tpu.memory_space<hbm>> -> memref<1x1x1x8x128xf32, #tpu.memory_space<hbm>>
      %dma_start3A_1405 = tpu.memref_squeeze %dma_start3A_1404 : memref<1x1x1x8x128xf32, #tpu.memory_space<hbm>> -> memref<8x128xf32, #tpu.memory_space<hbm>>
      %dma_start3A_1406 = arith.constant 0 : i32
      %dma_start3A_1407 = arith.constant 0 : i32
      %dma_start3A_1408 = tpu.memref_slice %arg5[%scan3A_1278, %dma_start3A_1397, %add3A, %dma_start3A_1406, %dma_start3A_1407] : memref<200x8x32x8x128xf32, #tpu.memory_space<hbm>> -> memref<1x1x1x8x128xf32, #tpu.memory_space<hbm>>
      %dma_start3A_1409 = tpu.memref_squeeze %dma_start3A_1408 : memref<1x1x1x8x128xf32, #tpu.memory_space<hbm>> -> memref<8x128xf32, #tpu.memory_space<hbm>>
      %dma_start3A_1410 = arith.constant 0 : i32
      %dma_start3A_1411 = arith.constant 0 : i32
      %dma_start3A_1412 = tpu.memref_slice %arg9[%rem3A_1279, %dma_start3A_1396, %dma_start3A_1410, %dma_start3A_1411] : memref<2x8x8x129xf32, #tpu.memory_space<vmem>> -> memref<1x1x8x128xf32, #tpu.memory_space<vmem>>
      %dma_start3A_1413 = tpu.memref_squeeze %dma_start3A_1412 : memref<1x1x8x128xf32, #tpu.memory_space<vmem>> -> memref<8x128xf32, #tpu.memory_space<vmem>>
      tpu.enqueue_dma source(%dma_start3A_1413 : memref<8x128xf32, #tpu.memory_space<vmem>>) target(%dma_start3A_1409 : memref<8x128xf32, #tpu.memory_space<hbm>>) target_semaphore(%arg12 : memref<!tpu.dma_semaphore, #tpu.memory_space<semaphore_mem>>)
      %dma_start3A_1414 = arith.constant 6 : i32
      %dma_start3A_1415 = arith.constant 6 : i32
      %dma_start3A_1416 = arith.constant 0 : i32
      %dma_start3A_1417 = arith.constant 0 : i32
      %dma_start3A_1418 = tpu.memref_slice %arg9[%rem3A_1279, %dma_start3A_1414, %dma_start3A_1416, %dma_start3A_1417] : memref<2x8x8x129xf32, #tpu.memory_space<vmem>> -> memref<1x1x8x128xf32, #tpu.memory_space<vmem>>
      %dma_start3A_1419 = tpu.memref_squeeze %dma_start3A_1418 : memref<1x1x8x128xf32, #tpu.memory_space<vmem>> -> memref<8x128xf32, #tpu.memory_space<vmem>>
      %dma_start3A_1420 = arith.constant 0 : i32
      %dma_start3A_1421 = arith.constant 0 : i32
      %dma_start3A_1422 = tpu.memref_slice %arg5[%scan3A_1278, %dma_start3A_1415, %add3A, %dma_start3A_1420, %dma_start3A_1421] : memref<200x8x32x8x128xf32, #tpu.memory_space<hbm>> -> memref<1x1x1x8x128xf32, #tpu.memory_space<hbm>>
      %dma_start3A_1423 = tpu.memref_squeeze %dma_start3A_1422 : memref<1x1x1x8x128xf32, #tpu.memory_space<hbm>> -> memref<8x128xf32, #tpu.memory_space<hbm>>
      %dma_start3A_1424 = arith.constant 0 : i32
      %dma_start3A_1425 = arith.constant 0 : i32
      %dma_start3A_1426 = tpu.memref_slice %arg5[%scan3A_1278, %dma_start3A_1415, %add3A, %dma_start3A_1424, %dma_start3A_1425] : memref<200x8x32x8x128xf32, #tpu.memory_space<hbm>> -> memref<1x1x1x8x128xf32, #tpu.memory_space<hbm>>
      %dma_start3A_1427 = tpu.memref_squeeze %dma_start3A_1426 : memref<1x1x1x8x128xf32, #tpu.memory_space<hbm>> -> memref<8x128xf32, #tpu.memory_space<hbm>>
      %dma_start3A_1428 = arith.constant 0 : i32
      %dma_start3A_1429 = arith.constant 0 : i32
      %dma_start3A_1430 = tpu.memref_slice %arg9[%rem3A_1279, %dma_start3A_1414, %dma_start3A_1428, %dma_start3A_1429] : memref<2x8x8x129xf32, #tpu.memory_space<vmem>> -> memref<1x1x8x128xf32, #tpu.memory_space<vmem>>
      %dma_start3A_1431 = tpu.memref_squeeze %dma_start3A_1430 : memref<1x1x8x128xf32, #tpu.memory_space<vmem>> -> memref<8x128xf32, #tpu.memory_space<vmem>>
      tpu.enqueue_dma source(%dma_start3A_1431 : memref<8x128xf32, #tpu.memory_space<vmem>>) target(%dma_start3A_1427 : memref<8x128xf32, #tpu.memory_space<hbm>>) target_semaphore(%arg12 : memref<!tpu.dma_semaphore, #tpu.memory_space<semaphore_mem>>)
      %dma_start3A_1432 = arith.constant 7 : i32
      %dma_start3A_1433 = arith.constant 7 : i32
      %dma_start3A_1434 = arith.constant 0 : i32
      %dma_start3A_1435 = arith.constant 0 : i32
      %dma_start3A_1436 = tpu.memref_slice %arg9[%rem3A_1279, %dma_start3A_1432, %dma_start3A_1434, %dma_start3A_1435] : memref<2x8x8x129xf32, #tpu.memory_space<vmem>> -> memref<1x1x8x128xf32, #tpu.memory_space<vmem>>
      %dma_start3A_1437 = tpu.memref_squeeze %dma_start3A_1436 : memref<1x1x8x128xf32, #tpu.memory_space<vmem>> -> memref<8x128xf32, #tpu.memory_space<vmem>>
      %dma_start3A_1438 = arith.constant 0 : i32
      %dma_start3A_1439 = arith.constant 0 : i32
      %dma_start3A_1440 = tpu.memref_slice %arg5[%scan3A_1278, %dma_start3A_1433, %add3A, %dma_start3A_1438, %dma_start3A_1439] : memref<200x8x32x8x128xf32, #tpu.memory_space<hbm>> -> memref<1x1x1x8x128xf32, #tpu.memory_space<hbm>>
      %dma_start3A_1441 = tpu.memref_squeeze %dma_start3A_1440 : memref<1x1x1x8x128xf32, #tpu.memory_space<hbm>> -> memref<8x128xf32, #tpu.memory_space<hbm>>
      %dma_start3A_1442 = arith.constant 0 : i32
      %dma_start3A_1443 = arith.constant 0 : i32
      %dma_start3A_1444 = tpu.memref_slice %arg5[%scan3A_1278, %dma_start3A_1433, %add3A, %dma_start3A_1442, %dma_start3A_1443] : memref<200x8x32x8x128xf32, #tpu.memory_space<hbm>> -> memref<1x1x1x8x128xf32, #tpu.memory_space<hbm>>
      %dma_start3A_1445 = tpu.memref_squeeze %dma_start3A_1444 : memref<1x1x1x8x128xf32, #tpu.memory_space<hbm>> -> memref<8x128xf32, #tpu.memory_space<hbm>>
      %dma_start3A_1446 = arith.constant 0 : i32
      %dma_start3A_1447 = arith.constant 0 : i32
      %dma_start3A_1448 = tpu.memref_slice %arg9[%rem3A_1279, %dma_start3A_1432, %dma_start3A_1446, %dma_start3A_1447] : memref<2x8x8x129xf32, #tpu.memory_space<vmem>> -> memref<1x1x8x128xf32, #tpu.memory_space<vmem>>
      %dma_start3A_1449 = tpu.memref_squeeze %dma_start3A_1448 : memref<1x1x8x128xf32, #tpu.memory_space<vmem>> -> memref<8x128xf32, #tpu.memory_space<vmem>>
      tpu.enqueue_dma source(%dma_start3A_1449 : memref<8x128xf32, #tpu.memory_space<vmem>>) target(%dma_start3A_1445 : memref<8x128xf32, #tpu.memory_space<hbm>>) target_semaphore(%arg12 : memref<!tpu.dma_semaphore, #tpu.memory_space<semaphore_mem>>)
    }
    %scan3A_941 = arith.constant 200 : i32
    %dma_wait3A_942 = arith.constant 0 : i32
    %dma_wait3A_943 = arith.constant 0 : i32
    %dma_wait3A_944 = arith.constant 0 : i32
    %dma_wait3A_945 = arith.constant 0 : i32
    %dma_wait3A_946 = arith.constant 0 : i32
    %dma_wait3A_947 = arith.constant 0 : i32
    %dma_wait3A_948 = arith.constant 0 : i32
    %dma_wait3A_949 = tpu.memref_slice %arg9[%dma_wait3A_942, %dma_wait3A_943, %dma_wait3A_947, %dma_wait3A_948] : memref<2x8x8x129xf32, #tpu.memory_space<vmem>> -> memref<1x1x8x128xf32, #tpu.memory_space<vmem>>
    %dma_wait3A_950 = tpu.memref_squeeze %dma_wait3A_949 : memref<1x1x8x128xf32, #tpu.memory_space<vmem>> -> memref<8x128xf32, #tpu.memory_space<vmem>>
    %dma_wait3A_951 = arith.constant 0 : i32
    %dma_wait3A_952 = arith.constant 0 : i32
    %dma_wait3A_953 = tpu.memref_slice %arg5[%dma_wait3A_944, %dma_wait3A_945, %dma_wait3A_946, %dma_wait3A_951, %dma_wait3A_952] : memref<200x8x32x8x128xf32, #tpu.memory_space<hbm>> -> memref<1x1x1x8x128xf32, #tpu.memory_space<hbm>>
    %dma_wait3A_954 = tpu.memref_squeeze %dma_wait3A_953 : memref<1x1x1x8x128xf32, #tpu.memory_space<hbm>> -> memref<8x128xf32, #tpu.memory_space<hbm>>
    %dma_wait3A_955 = arith.constant 0 : i32
    %dma_wait3A_956 = arith.constant 0 : i32
    %dma_wait3A_957 = tpu.memref_slice %arg5[%dma_wait3A_944, %dma_wait3A_945, %dma_wait3A_946, %dma_wait3A_955, %dma_wait3A_956] : memref<200x8x32x8x128xf32, #tpu.memory_space<hbm>> -> memref<1x1x1x8x128xf32, #tpu.memory_space<hbm>>
    %dma_wait3A_958 = tpu.memref_squeeze %dma_wait3A_957 : memref<1x1x1x8x128xf32, #tpu.memory_space<hbm>> -> memref<8x128xf32, #tpu.memory_space<hbm>>
    %dma_wait3A_959 = arith.constant 0 : i32
    %dma_wait3A_960 = arith.constant 0 : i32
    %dma_wait3A_961 = tpu.memref_slice %arg9[%dma_wait3A_942, %dma_wait3A_943, %dma_wait3A_959, %dma_wait3A_960] : memref<2x8x8x129xf32, #tpu.memory_space<vmem>> -> memref<1x1x8x128xf32, #tpu.memory_space<vmem>>
    %dma_wait3A_962 = tpu.memref_squeeze %dma_wait3A_961 : memref<1x1x8x128xf32, #tpu.memory_space<vmem>> -> memref<8x128xf32, #tpu.memory_space<vmem>>
    tpu.wait_dma2 semaphore(%arg12 : memref<!tpu.dma_semaphore, #tpu.memory_space<semaphore_mem>>) src(%dma_wait3A_962 : memref<8x128xf32, #tpu.memory_space<vmem>>) dst(%dma_wait3A_958 : memref<8x128xf32, #tpu.memory_space<hbm>>)
    %dma_wait3A_963 = arith.constant 0 : i32
    %dma_wait3A_964 = arith.constant 1 : i32
    %dma_wait3A_965 = arith.constant 0 : i32
    %dma_wait3A_966 = arith.constant 0 : i32
    %dma_wait3A_967 = arith.constant 0 : i32
    %dma_wait3A_968 = arith.constant 0 : i32
    %dma_wait3A_969 = arith.constant 0 : i32
    %dma_wait3A_970 = tpu.memref_slice %arg9[%dma_wait3A_963, %dma_wait3A_964, %dma_wait3A_968, %dma_wait3A_969] : memref<2x8x8x129xf32, #tpu.memory_space<vmem>> -> memref<1x1x8x128xf32, #tpu.memory_space<vmem>>
    %dma_wait3A_971 = tpu.memref_squeeze %dma_wait3A_970 : memref<1x1x8x128xf32, #tpu.memory_space<vmem>> -> memref<8x128xf32, #tpu.memory_space<vmem>>
    %dma_wait3A_972 = arith.constant 0 : i32
    %dma_wait3A_973 = arith.constant 0 : i32
    %dma_wait3A_974 = tpu.memref_slice %arg5[%dma_wait3A_965, %dma_wait3A_966, %dma_wait3A_967, %dma_wait3A_972, %dma_wait3A_973] : memref<200x8x32x8x128xf32, #tpu.memory_space<hbm>> -> memref<1x1x1x8x128xf32, #tpu.memory_space<hbm>>
    %dma_wait3A_975 = tpu.memref_squeeze %dma_wait3A_974 : memref<1x1x1x8x128xf32, #tpu.memory_space<hbm>> -> memref<8x128xf32, #tpu.memory_space<hbm>>
    %dma_wait3A_976 = arith.constant 0 : i32
    %dma_wait3A_977 = arith.constant 0 : i32
    %dma_wait3A_978 = tpu.memref_slice %arg5[%dma_wait3A_965, %dma_wait3A_966, %dma_wait3A_967, %dma_wait3A_976, %dma_wait3A_977] : memref<200x8x32x8x128xf32, #tpu.memory_space<hbm>> -> memref<1x1x1x8x128xf32, #tpu.memory_space<hbm>>
    %dma_wait3A_979 = tpu.memref_squeeze %dma_wait3A_978 : memref<1x1x1x8x128xf32, #tpu.memory_space<hbm>> -> memref<8x128xf32, #tpu.memory_space<hbm>>
    %dma_wait3A_980 = arith.constant 0 : i32
    %dma_wait3A_981 = arith.constant 0 : i32
    %dma_wait3A_982 = tpu.memref_slice %arg9[%dma_wait3A_963, %dma_wait3A_964, %dma_wait3A_980, %dma_wait3A_981] : memref<2x8x8x129xf32, #tpu.memory_space<vmem>> -> memref<1x1x8x128xf32, #tpu.memory_space<vmem>>
    %dma_wait3A_983 = tpu.memref_squeeze %dma_wait3A_982 : memref<1x1x8x128xf32, #tpu.memory_space<vmem>> -> memref<8x128xf32, #tpu.memory_space<vmem>>
    tpu.wait_dma2 semaphore(%arg12 : memref<!tpu.dma_semaphore, #tpu.memory_space<semaphore_mem>>) src(%dma_wait3A_983 : memref<8x128xf32, #tpu.memory_space<vmem>>) dst(%dma_wait3A_979 : memref<8x128xf32, #tpu.memory_space<hbm>>)
    %dma_wait3A_984 = arith.constant 0 : i32
    %dma_wait3A_985 = arith.constant 2 : i32
    %dma_wait3A_986 = arith.constant 0 : i32
    %dma_wait3A_987 = arith.constant 0 : i32
    %dma_wait3A_988 = arith.constant 0 : i32
    %dma_wait3A_989 = arith.constant 0 : i32
    %dma_wait3A_990 = arith.constant 0 : i32
    %dma_wait3A_991 = tpu.memref_slice %arg9[%dma_wait3A_984, %dma_wait3A_985, %dma_wait3A_989, %dma_wait3A_990] : memref<2x8x8x129xf32, #tpu.memory_space<vmem>> -> memref<1x1x8x128xf32, #tpu.memory_space<vmem>>
    %dma_wait3A_992 = tpu.memref_squeeze %dma_wait3A_991 : memref<1x1x8x128xf32, #tpu.memory_space<vmem>> -> memref<8x128xf32, #tpu.memory_space<vmem>>
    %dma_wait3A_993 = arith.constant 0 : i32
    %dma_wait3A_994 = arith.constant 0 : i32
    %dma_wait3A_995 = tpu.memref_slice %arg5[%dma_wait3A_986, %dma_wait3A_987, %dma_wait3A_988, %dma_wait3A_993, %dma_wait3A_994] : memref<200x8x32x8x128xf32, #tpu.memory_space<hbm>> -> memref<1x1x1x8x128xf32, #tpu.memory_space<hbm>>
    %dma_wait3A_996 = tpu.memref_squeeze %dma_wait3A_995 : memref<1x1x1x8x128xf32, #tpu.memory_space<hbm>> -> memref<8x128xf32, #tpu.memory_space<hbm>>
    %dma_wait3A_997 = arith.constant 0 : i32
    %dma_wait3A_998 = arith.constant 0 : i32
    %dma_wait3A_999 = tpu.memref_slice %arg5[%dma_wait3A_986, %dma_wait3A_987, %dma_wait3A_988, %dma_wait3A_997, %dma_wait3A_998] : memref<200x8x32x8x128xf32, #tpu.memory_space<hbm>> -> memref<1x1x1x8x128xf32, #tpu.memory_space<hbm>>
    %dma_wait3A_1000 = tpu.memref_squeeze %dma_wait3A_999 : memref<1x1x1x8x128xf32, #tpu.memory_space<hbm>> -> memref<8x128xf32, #tpu.memory_space<hbm>>
    %dma_wait3A_1001 = arith.constant 0 : i32
    %dma_wait3A_1002 = arith.constant 0 : i32
    %dma_wait3A_1003 = tpu.memref_slice %arg9[%dma_wait3A_984, %dma_wait3A_985, %dma_wait3A_1001, %dma_wait3A_1002] : memref<2x8x8x129xf32, #tpu.memory_space<vmem>> -> memref<1x1x8x128xf32, #tpu.memory_space<vmem>>
    %dma_wait3A_1004 = tpu.memref_squeeze %dma_wait3A_1003 : memref<1x1x8x128xf32, #tpu.memory_space<vmem>> -> memref<8x128xf32, #tpu.memory_space<vmem>>
    tpu.wait_dma2 semaphore(%arg12 : memref<!tpu.dma_semaphore, #tpu.memory_space<semaphore_mem>>) src(%dma_wait3A_1004 : memref<8x128xf32, #tpu.memory_space<vmem>>) dst(%dma_wait3A_1000 : memref<8x128xf32, #tpu.memory_space<hbm>>)
    %dma_wait3A_1005 = arith.constant 0 : i32
    %dma_wait3A_1006 = arith.constant 3 : i32
    %dma_wait3A_1007 = arith.constant 0 : i32
    %dma_wait3A_1008 = arith.constant 0 : i32
    %dma_wait3A_1009 = arith.constant 0 : i32
    %dma_wait3A_1010 = arith.constant 0 : i32
    %dma_wait3A_1011 = arith.constant 0 : i32
    %dma_wait3A_1012 = tpu.memref_slice %arg9[%dma_wait3A_1005, %dma_wait3A_1006, %dma_wait3A_1010, %dma_wait3A_1011] : memref<2x8x8x129xf32, #tpu.memory_space<vmem>> -> memref<1x1x8x128xf32, #tpu.memory_space<vmem>>
    %dma_wait3A_1013 = tpu.memref_squeeze %dma_wait3A_1012 : memref<1x1x8x128xf32, #tpu.memory_space<vmem>> -> memref<8x128xf32, #tpu.memory_space<vmem>>
    %dma_wait3A_1014 = arith.constant 0 : i32
    %dma_wait3A_1015 = arith.constant 0 : i32
    %dma_wait3A_1016 = tpu.memref_slice %arg5[%dma_wait3A_1007, %dma_wait3A_1008, %dma_wait3A_1009, %dma_wait3A_1014, %dma_wait3A_1015] : memref<200x8x32x8x128xf32, #tpu.memory_space<hbm>> -> memref<1x1x1x8x128xf32, #tpu.memory_space<hbm>>
    %dma_wait3A_1017 = tpu.memref_squeeze %dma_wait3A_1016 : memref<1x1x1x8x128xf32, #tpu.memory_space<hbm>> -> memref<8x128xf32, #tpu.memory_space<hbm>>
    %dma_wait3A_1018 = arith.constant 0 : i32
    %dma_wait3A_1019 = arith.constant 0 : i32
    %dma_wait3A_1020 = tpu.memref_slice %arg5[%dma_wait3A_1007, %dma_wait3A_1008, %dma_wait3A_1009, %dma_wait3A_1018, %dma_wait3A_1019] : memref<200x8x32x8x128xf32, #tpu.memory_space<hbm>> -> memref<1x1x1x8x128xf32, #tpu.memory_space<hbm>>
    %dma_wait3A_1021 = tpu.memref_squeeze %dma_wait3A_1020 : memref<1x1x1x8x128xf32, #tpu.memory_space<hbm>> -> memref<8x128xf32, #tpu.memory_space<hbm>>
    %dma_wait3A_1022 = arith.constant 0 : i32
    %dma_wait3A_1023 = arith.constant 0 : i32
    %dma_wait3A_1024 = tpu.memref_slice %arg9[%dma_wait3A_1005, %dma_wait3A_1006, %dma_wait3A_1022, %dma_wait3A_1023] : memref<2x8x8x129xf32, #tpu.memory_space<vmem>> -> memref<1x1x8x128xf32, #tpu.memory_space<vmem>>
    %dma_wait3A_1025 = tpu.memref_squeeze %dma_wait3A_1024 : memref<1x1x8x128xf32, #tpu.memory_space<vmem>> -> memref<8x128xf32, #tpu.memory_space<vmem>>
    tpu.wait_dma2 semaphore(%arg12 : memref<!tpu.dma_semaphore, #tpu.memory_space<semaphore_mem>>) src(%dma_wait3A_1025 : memref<8x128xf32, #tpu.memory_space<vmem>>) dst(%dma_wait3A_1021 : memref<8x128xf32, #tpu.memory_space<hbm>>)
    %dma_wait3A_1026 = arith.constant 0 : i32
    %dma_wait3A_1027 = arith.constant 4 : i32
    %dma_wait3A_1028 = arith.constant 0 : i32
    %dma_wait3A_1029 = arith.constant 0 : i32
    %dma_wait3A_1030 = arith.constant 0 : i32
    %dma_wait3A_1031 = arith.constant 0 : i32
    %dma_wait3A_1032 = arith.constant 0 : i32
    %dma_wait3A_1033 = tpu.memref_slice %arg9[%dma_wait3A_1026, %dma_wait3A_1027, %dma_wait3A_1031, %dma_wait3A_1032] : memref<2x8x8x129xf32, #tpu.memory_space<vmem>> -> memref<1x1x8x128xf32, #tpu.memory_space<vmem>>
    %dma_wait3A_1034 = tpu.memref_squeeze %dma_wait3A_1033 : memref<1x1x8x128xf32, #tpu.memory_space<vmem>> -> memref<8x128xf32, #tpu.memory_space<vmem>>
    %dma_wait3A_1035 = arith.constant 0 : i32
    %dma_wait3A_1036 = arith.constant 0 : i32
    %dma_wait3A_1037 = tpu.memref_slice %arg5[%dma_wait3A_1028, %dma_wait3A_1029, %dma_wait3A_1030, %dma_wait3A_1035, %dma_wait3A_1036] : memref<200x8x32x8x128xf32, #tpu.memory_space<hbm>> -> memref<1x1x1x8x128xf32, #tpu.memory_space<hbm>>
    %dma_wait3A_1038 = tpu.memref_squeeze %dma_wait3A_1037 : memref<1x1x1x8x128xf32, #tpu.memory_space<hbm>> -> memref<8x128xf32, #tpu.memory_space<hbm>>
    %dma_wait3A_1039 = arith.constant 0 : i32
    %dma_wait3A_1040 = arith.constant 0 : i32
    %dma_wait3A_1041 = tpu.memref_slice %arg5[%dma_wait3A_1028, %dma_wait3A_1029, %dma_wait3A_1030, %dma_wait3A_1039, %dma_wait3A_1040] : memref<200x8x32x8x128xf32, #tpu.memory_space<hbm>> -> memref<1x1x1x8x128xf32, #tpu.memory_space<hbm>>
    %dma_wait3A_1042 = tpu.memref_squeeze %dma_wait3A_1041 : memref<1x1x1x8x128xf32, #tpu.memory_space<hbm>> -> memref<8x128xf32, #tpu.memory_space<hbm>>
    %dma_wait3A_1043 = arith.constant 0 : i32
    %dma_wait3A_1044 = arith.constant 0 : i32
    %dma_wait3A_1045 = tpu.memref_slice %arg9[%dma_wait3A_1026, %dma_wait3A_1027, %dma_wait3A_1043, %dma_wait3A_1044] : memref<2x8x8x129xf32, #tpu.memory_space<vmem>> -> memref<1x1x8x128xf32, #tpu.memory_space<vmem>>
    %dma_wait3A_1046 = tpu.memref_squeeze %dma_wait3A_1045 : memref<1x1x8x128xf32, #tpu.memory_space<vmem>> -> memref<8x128xf32, #tpu.memory_space<vmem>>
    tpu.wait_dma2 semaphore(%arg12 : memref<!tpu.dma_semaphore, #tpu.memory_space<semaphore_mem>>) src(%dma_wait3A_1046 : memref<8x128xf32, #tpu.memory_space<vmem>>) dst(%dma_wait3A_1042 : memref<8x128xf32, #tpu.memory_space<hbm>>)
    %dma_wait3A_1047 = arith.constant 0 : i32
    %dma_wait3A_1048 = arith.constant 5 : i32
    %dma_wait3A_1049 = arith.constant 0 : i32
    %dma_wait3A_1050 = arith.constant 0 : i32
    %dma_wait3A_1051 = arith.constant 0 : i32
    %dma_wait3A_1052 = arith.constant 0 : i32
    %dma_wait3A_1053 = arith.constant 0 : i32
    %dma_wait3A_1054 = tpu.memref_slice %arg9[%dma_wait3A_1047, %dma_wait3A_1048, %dma_wait3A_1052, %dma_wait3A_1053] : memref<2x8x8x129xf32, #tpu.memory_space<vmem>> -> memref<1x1x8x128xf32, #tpu.memory_space<vmem>>
    %dma_wait3A_1055 = tpu.memref_squeeze %dma_wait3A_1054 : memref<1x1x8x128xf32, #tpu.memory_space<vmem>> -> memref<8x128xf32, #tpu.memory_space<vmem>>
    %dma_wait3A_1056 = arith.constant 0 : i32
    %dma_wait3A_1057 = arith.constant 0 : i32
    %dma_wait3A_1058 = tpu.memref_slice %arg5[%dma_wait3A_1049, %dma_wait3A_1050, %dma_wait3A_1051, %dma_wait3A_1056, %dma_wait3A_1057] : memref<200x8x32x8x128xf32, #tpu.memory_space<hbm>> -> memref<1x1x1x8x128xf32, #tpu.memory_space<hbm>>
    %dma_wait3A_1059 = tpu.memref_squeeze %dma_wait3A_1058 : memref<1x1x1x8x128xf32, #tpu.memory_space<hbm>> -> memref<8x128xf32, #tpu.memory_space<hbm>>
    %dma_wait3A_1060 = arith.constant 0 : i32
    %dma_wait3A_1061 = arith.constant 0 : i32
    %dma_wait3A_1062 = tpu.memref_slice %arg5[%dma_wait3A_1049, %dma_wait3A_1050, %dma_wait3A_1051, %dma_wait3A_1060, %dma_wait3A_1061] : memref<200x8x32x8x128xf32, #tpu.memory_space<hbm>> -> memref<1x1x1x8x128xf32, #tpu.memory_space<hbm>>
    %dma_wait3A_1063 = tpu.memref_squeeze %dma_wait3A_1062 : memref<1x1x1x8x128xf32, #tpu.memory_space<hbm>> -> memref<8x128xf32, #tpu.memory_space<hbm>>
    %dma_wait3A_1064 = arith.constant 0 : i32
    %dma_wait3A_1065 = arith.constant 0 : i32
    %dma_wait3A_1066 = tpu.memref_slice %arg9[%dma_wait3A_1047, %dma_wait3A_1048, %dma_wait3A_1064, %dma_wait3A_1065] : memref<2x8x8x129xf32, #tpu.memory_space<vmem>> -> memref<1x1x8x128xf32, #tpu.memory_space<vmem>>
    %dma_wait3A_1067 = tpu.memref_squeeze %dma_wait3A_1066 : memref<1x1x8x128xf32, #tpu.memory_space<vmem>> -> memref<8x128xf32, #tpu.memory_space<vmem>>
    tpu.wait_dma2 semaphore(%arg12 : memref<!tpu.dma_semaphore, #tpu.memory_space<semaphore_mem>>) src(%dma_wait3A_1067 : memref<8x128xf32, #tpu.memory_space<vmem>>) dst(%dma_wait3A_1063 : memref<8x128xf32, #tpu.memory_space<hbm>>)
    %dma_wait3A_1068 = arith.constant 0 : i32
    %dma_wait3A_1069 = arith.constant 6 : i32
    %dma_wait3A_1070 = arith.constant 0 : i32
    %dma_wait3A_1071 = arith.constant 0 : i32
    %dma_wait3A_1072 = arith.constant 0 : i32
    %dma_wait3A_1073 = arith.constant 0 : i32
    %dma_wait3A_1074 = arith.constant 0 : i32
    %dma_wait3A_1075 = tpu.memref_slice %arg9[%dma_wait3A_1068, %dma_wait3A_1069, %dma_wait3A_1073, %dma_wait3A_1074] : memref<2x8x8x129xf32, #tpu.memory_space<vmem>> -> memref<1x1x8x128xf32, #tpu.memory_space<vmem>>
    %dma_wait3A_1076 = tpu.memref_squeeze %dma_wait3A_1075 : memref<1x1x8x128xf32, #tpu.memory_space<vmem>> -> memref<8x128xf32, #tpu.memory_space<vmem>>
    %dma_wait3A_1077 = arith.constant 0 : i32
    %dma_wait3A_1078 = arith.constant 0 : i32
    %dma_wait3A_1079 = tpu.memref_slice %arg5[%dma_wait3A_1070, %dma_wait3A_1071, %dma_wait3A_1072, %dma_wait3A_1077, %dma_wait3A_1078] : memref<200x8x32x8x128xf32, #tpu.memory_space<hbm>> -> memref<1x1x1x8x128xf32, #tpu.memory_space<hbm>>
    %dma_wait3A_1080 = tpu.memref_squeeze %dma_wait3A_1079 : memref<1x1x1x8x128xf32, #tpu.memory_space<hbm>> -> memref<8x128xf32, #tpu.memory_space<hbm>>
    %dma_wait3A_1081 = arith.constant 0 : i32
    %dma_wait3A_1082 = arith.constant 0 : i32
    %dma_wait3A_1083 = tpu.memref_slice %arg5[%dma_wait3A_1070, %dma_wait3A_1071, %dma_wait3A_1072, %dma_wait3A_1081, %dma_wait3A_1082] : memref<200x8x32x8x128xf32, #tpu.memory_space<hbm>> -> memref<1x1x1x8x128xf32, #tpu.memory_space<hbm>>
    %dma_wait3A_1084 = tpu.memref_squeeze %dma_wait3A_1083 : memref<1x1x1x8x128xf32, #tpu.memory_space<hbm>> -> memref<8x128xf32, #tpu.memory_space<hbm>>
    %dma_wait3A_1085 = arith.constant 0 : i32
    %dma_wait3A_1086 = arith.constant 0 : i32
    %dma_wait3A_1087 = tpu.memref_slice %arg9[%dma_wait3A_1068, %dma_wait3A_1069, %dma_wait3A_1085, %dma_wait3A_1086] : memref<2x8x8x129xf32, #tpu.memory_space<vmem>> -> memref<1x1x8x128xf32, #tpu.memory_space<vmem>>
    %dma_wait3A_1088 = tpu.memref_squeeze %dma_wait3A_1087 : memref<1x1x8x128xf32, #tpu.memory_space<vmem>> -> memref<8x128xf32, #tpu.memory_space<vmem>>
    tpu.wait_dma2 semaphore(%arg12 : memref<!tpu.dma_semaphore, #tpu.memory_space<semaphore_mem>>) src(%dma_wait3A_1088 : memref<8x128xf32, #tpu.memory_space<vmem>>) dst(%dma_wait3A_1084 : memref<8x128xf32, #tpu.memory_space<hbm>>)
    %dma_wait3A_1089 = arith.constant 0 : i32
    %dma_wait3A_1090 = arith.constant 7 : i32
    %dma_wait3A_1091 = arith.constant 0 : i32
    %dma_wait3A_1092 = arith.constant 0 : i32
    %dma_wait3A_1093 = arith.constant 0 : i32
    %dma_wait3A_1094 = arith.constant 0 : i32
    %dma_wait3A_1095 = arith.constant 0 : i32
    %dma_wait3A_1096 = tpu.memref_slice %arg9[%dma_wait3A_1089, %dma_wait3A_1090, %dma_wait3A_1094, %dma_wait3A_1095] : memref<2x8x8x129xf32, #tpu.memory_space<vmem>> -> memref<1x1x8x128xf32, #tpu.memory_space<vmem>>
    %dma_wait3A_1097 = tpu.memref_squeeze %dma_wait3A_1096 : memref<1x1x8x128xf32, #tpu.memory_space<vmem>> -> memref<8x128xf32, #tpu.memory_space<vmem>>
    %dma_wait3A_1098 = arith.constant 0 : i32
    %dma_wait3A_1099 = arith.constant 0 : i32
    %dma_wait3A_1100 = tpu.memref_slice %arg5[%dma_wait3A_1091, %dma_wait3A_1092, %dma_wait3A_1093, %dma_wait3A_1098, %dma_wait3A_1099] : memref<200x8x32x8x128xf32, #tpu.memory_space<hbm>> -> memref<1x1x1x8x128xf32, #tpu.memory_space<hbm>>
    %dma_wait3A_1101 = tpu.memref_squeeze %dma_wait3A_1100 : memref<1x1x1x8x128xf32, #tpu.memory_space<hbm>> -> memref<8x128xf32, #tpu.memory_space<hbm>>
    %dma_wait3A_1102 = arith.constant 0 : i32
    %dma_wait3A_1103 = arith.constant 0 : i32
    %dma_wait3A_1104 = tpu.memref_slice %arg5[%dma_wait3A_1091, %dma_wait3A_1092, %dma_wait3A_1093, %dma_wait3A_1102, %dma_wait3A_1103] : memref<200x8x32x8x128xf32, #tpu.memory_space<hbm>> -> memref<1x1x1x8x128xf32, #tpu.memory_space<hbm>>
    %dma_wait3A_1105 = tpu.memref_squeeze %dma_wait3A_1104 : memref<1x1x1x8x128xf32, #tpu.memory_space<hbm>> -> memref<8x128xf32, #tpu.memory_space<hbm>>
    %dma_wait3A_1106 = arith.constant 0 : i32
    %dma_wait3A_1107 = arith.constant 0 : i32
    %dma_wait3A_1108 = tpu.memref_slice %arg9[%dma_wait3A_1089, %dma_wait3A_1090, %dma_wait3A_1106, %dma_wait3A_1107] : memref<2x8x8x129xf32, #tpu.memory_space<vmem>> -> memref<1x1x8x128xf32, #tpu.memory_space<vmem>>
    %dma_wait3A_1109 = tpu.memref_squeeze %dma_wait3A_1108 : memref<1x1x8x128xf32, #tpu.memory_space<vmem>> -> memref<8x128xf32, #tpu.memory_space<vmem>>
    tpu.wait_dma2 semaphore(%arg12 : memref<!tpu.dma_semaphore, #tpu.memory_space<semaphore_mem>>) src(%dma_wait3A_1109 : memref<8x128xf32, #tpu.memory_space<vmem>>) dst(%dma_wait3A_1105 : memref<8x128xf32, #tpu.memory_space<hbm>>)
    %dma_wait3A_1110 = arith.constant 1 : i32
    %dma_wait3A_1111 = arith.constant 0 : i32
    %dma_wait3A_1112 = arith.constant 0 : i32
    %dma_wait3A_1113 = arith.constant 0 : i32
    %dma_wait3A_1114 = arith.constant 0 : i32
    %dma_wait3A_1115 = arith.constant 0 : i32
    %dma_wait3A_1116 = arith.constant 0 : i32
    %dma_wait3A_1117 = tpu.memref_slice %arg9[%dma_wait3A_1110, %dma_wait3A_1111, %dma_wait3A_1115, %dma_wait3A_1116] : memref<2x8x8x129xf32, #tpu.memory_space<vmem>> -> memref<1x1x8x128xf32, #tpu.memory_space<vmem>>
    %dma_wait3A_1118 = tpu.memref_squeeze %dma_wait3A_1117 : memref<1x1x8x128xf32, #tpu.memory_space<vmem>> -> memref<8x128xf32, #tpu.memory_space<vmem>>
    %dma_wait3A_1119 = arith.constant 0 : i32
    %dma_wait3A_1120 = arith.constant 0 : i32
    %dma_wait3A_1121 = tpu.memref_slice %arg5[%dma_wait3A_1112, %dma_wait3A_1113, %dma_wait3A_1114, %dma_wait3A_1119, %dma_wait3A_1120] : memref<200x8x32x8x128xf32, #tpu.memory_space<hbm>> -> memref<1x1x1x8x128xf32, #tpu.memory_space<hbm>>
    %dma_wait3A_1122 = tpu.memref_squeeze %dma_wait3A_1121 : memref<1x1x1x8x128xf32, #tpu.memory_space<hbm>> -> memref<8x128xf32, #tpu.memory_space<hbm>>
    %dma_wait3A_1123 = arith.constant 0 : i32
    %dma_wait3A_1124 = arith.constant 0 : i32
    %dma_wait3A_1125 = tpu.memref_slice %arg5[%dma_wait3A_1112, %dma_wait3A_1113, %dma_wait3A_1114, %dma_wait3A_1123, %dma_wait3A_1124] : memref<200x8x32x8x128xf32, #tpu.memory_space<hbm>> -> memref<1x1x1x8x128xf32, #tpu.memory_space<hbm>>
    %dma_wait3A_1126 = tpu.memref_squeeze %dma_wait3A_1125 : memref<1x1x1x8x128xf32, #tpu.memory_space<hbm>> -> memref<8x128xf32, #tpu.memory_space<hbm>>
    %dma_wait3A_1127 = arith.constant 0 : i32
    %dma_wait3A_1128 = arith.constant 0 : i32
    %dma_wait3A_1129 = tpu.memref_slice %arg9[%dma_wait3A_1110, %dma_wait3A_1111, %dma_wait3A_1127, %dma_wait3A_1128] : memref<2x8x8x129xf32, #tpu.memory_space<vmem>> -> memref<1x1x8x128xf32, #tpu.memory_space<vmem>>
    %dma_wait3A_1130 = tpu.memref_squeeze %dma_wait3A_1129 : memref<1x1x8x128xf32, #tpu.memory_space<vmem>> -> memref<8x128xf32, #tpu.memory_space<vmem>>
    tpu.wait_dma2 semaphore(%arg12 : memref<!tpu.dma_semaphore, #tpu.memory_space<semaphore_mem>>) src(%dma_wait3A_1130 : memref<8x128xf32, #tpu.memory_space<vmem>>) dst(%dma_wait3A_1126 : memref<8x128xf32, #tpu.memory_space<hbm>>)
    %dma_wait3A_1131 = arith.constant 1 : i32
    %dma_wait3A_1132 = arith.constant 1 : i32
    %dma_wait3A_1133 = arith.constant 0 : i32
    %dma_wait3A_1134 = arith.constant 0 : i32
    %dma_wait3A_1135 = arith.constant 0 : i32
    %dma_wait3A_1136 = arith.constant 0 : i32
    %dma_wait3A_1137 = arith.constant 0 : i32
    %dma_wait3A_1138 = tpu.memref_slice %arg9[%dma_wait3A_1131, %dma_wait3A_1132, %dma_wait3A_1136, %dma_wait3A_1137] : memref<2x8x8x129xf32, #tpu.memory_space<vmem>> -> memref<1x1x8x128xf32, #tpu.memory_space<vmem>>
    %dma_wait3A_1139 = tpu.memref_squeeze %dma_wait3A_1138 : memref<1x1x8x128xf32, #tpu.memory_space<vmem>> -> memref<8x128xf32, #tpu.memory_space<vmem>>
    %dma_wait3A_1140 = arith.constant 0 : i32
    %dma_wait3A_1141 = arith.constant 0 : i32
    %dma_wait3A_1142 = tpu.memref_slice %arg5[%dma_wait3A_1133, %dma_wait3A_1134, %dma_wait3A_1135, %dma_wait3A_1140, %dma_wait3A_1141] : memref<200x8x32x8x128xf32, #tpu.memory_space<hbm>> -> memref<1x1x1x8x128xf32, #tpu.memory_space<hbm>>
    %dma_wait3A_1143 = tpu.memref_squeeze %dma_wait3A_1142 : memref<1x1x1x8x128xf32, #tpu.memory_space<hbm>> -> memref<8x128xf32, #tpu.memory_space<hbm>>
    %dma_wait3A_1144 = arith.constant 0 : i32
    %dma_wait3A_1145 = arith.constant 0 : i32
    %dma_wait3A_1146 = tpu.memref_slice %arg5[%dma_wait3A_1133, %dma_wait3A_1134, %dma_wait3A_1135, %dma_wait3A_1144, %dma_wait3A_1145] : memref<200x8x32x8x128xf32, #tpu.memory_space<hbm>> -> memref<1x1x1x8x128xf32, #tpu.memory_space<hbm>>
    %dma_wait3A_1147 = tpu.memref_squeeze %dma_wait3A_1146 : memref<1x1x1x8x128xf32, #tpu.memory_space<hbm>> -> memref<8x128xf32, #tpu.memory_space<hbm>>
    %dma_wait3A_1148 = arith.constant 0 : i32
    %dma_wait3A_1149 = arith.constant 0 : i32
    %dma_wait3A_1150 = tpu.memref_slice %arg9[%dma_wait3A_1131, %dma_wait3A_1132, %dma_wait3A_1148, %dma_wait3A_1149] : memref<2x8x8x129xf32, #tpu.memory_space<vmem>> -> memref<1x1x8x128xf32, #tpu.memory_space<vmem>>
    %dma_wait3A_1151 = tpu.memref_squeeze %dma_wait3A_1150 : memref<1x1x8x128xf32, #tpu.memory_space<vmem>> -> memref<8x128xf32, #tpu.memory_space<vmem>>
    tpu.wait_dma2 semaphore(%arg12 : memref<!tpu.dma_semaphore, #tpu.memory_space<semaphore_mem>>) src(%dma_wait3A_1151 : memref<8x128xf32, #tpu.memory_space<vmem>>) dst(%dma_wait3A_1147 : memref<8x128xf32, #tpu.memory_space<hbm>>)
    %dma_wait3A_1152 = arith.constant 1 : i32
    %dma_wait3A_1153 = arith.constant 2 : i32
    %dma_wait3A_1154 = arith.constant 0 : i32
    %dma_wait3A_1155 = arith.constant 0 : i32
    %dma_wait3A_1156 = arith.constant 0 : i32
    %dma_wait3A_1157 = arith.constant 0 : i32
    %dma_wait3A_1158 = arith.constant 0 : i32
    %dma_wait3A_1159 = tpu.memref_slice %arg9[%dma_wait3A_1152, %dma_wait3A_1153, %dma_wait3A_1157, %dma_wait3A_1158] : memref<2x8x8x129xf32, #tpu.memory_space<vmem>> -> memref<1x1x8x128xf32, #tpu.memory_space<vmem>>
    %dma_wait3A_1160 = tpu.memref_squeeze %dma_wait3A_1159 : memref<1x1x8x128xf32, #tpu.memory_space<vmem>> -> memref<8x128xf32, #tpu.memory_space<vmem>>
    %dma_wait3A_1161 = arith.constant 0 : i32
    %dma_wait3A_1162 = arith.constant 0 : i32
    %dma_wait3A_1163 = tpu.memref_slice %arg5[%dma_wait3A_1154, %dma_wait3A_1155, %dma_wait3A_1156, %dma_wait3A_1161, %dma_wait3A_1162] : memref<200x8x32x8x128xf32, #tpu.memory_space<hbm>> -> memref<1x1x1x8x128xf32, #tpu.memory_space<hbm>>
    %dma_wait3A_1164 = tpu.memref_squeeze %dma_wait3A_1163 : memref<1x1x1x8x128xf32, #tpu.memory_space<hbm>> -> memref<8x128xf32, #tpu.memory_space<hbm>>
    %dma_wait3A_1165 = arith.constant 0 : i32
    %dma_wait3A_1166 = arith.constant 0 : i32
    %dma_wait3A_1167 = tpu.memref_slice %arg5[%dma_wait3A_1154, %dma_wait3A_1155, %dma_wait3A_1156, %dma_wait3A_1165, %dma_wait3A_1166] : memref<200x8x32x8x128xf32, #tpu.memory_space<hbm>> -> memref<1x1x1x8x128xf32, #tpu.memory_space<hbm>>
    %dma_wait3A_1168 = tpu.memref_squeeze %dma_wait3A_1167 : memref<1x1x1x8x128xf32, #tpu.memory_space<hbm>> -> memref<8x128xf32, #tpu.memory_space<hbm>>
    %dma_wait3A_1169 = arith.constant 0 : i32
    %dma_wait3A_1170 = arith.constant 0 : i32
    %dma_wait3A_1171 = tpu.memref_slice %arg9[%dma_wait3A_1152, %dma_wait3A_1153, %dma_wait3A_1169, %dma_wait3A_1170] : memref<2x8x8x129xf32, #tpu.memory_space<vmem>> -> memref<1x1x8x128xf32, #tpu.memory_space<vmem>>
    %dma_wait3A_1172 = tpu.memref_squeeze %dma_wait3A_1171 : memref<1x1x8x128xf32, #tpu.memory_space<vmem>> -> memref<8x128xf32, #tpu.memory_space<vmem>>
    tpu.wait_dma2 semaphore(%arg12 : memref<!tpu.dma_semaphore, #tpu.memory_space<semaphore_mem>>) src(%dma_wait3A_1172 : memref<8x128xf32, #tpu.memory_space<vmem>>) dst(%dma_wait3A_1168 : memref<8x128xf32, #tpu.memory_space<hbm>>)
    %dma_wait3A_1173 = arith.constant 1 : i32
    %dma_wait3A_1174 = arith.constant 3 : i32
    %dma_wait3A_1175 = arith.constant 0 : i32
    %dma_wait3A_1176 = arith.constant 0 : i32
    %dma_wait3A_1177 = arith.constant 0 : i32
    %dma_wait3A_1178 = arith.constant 0 : i32
    %dma_wait3A_1179 = arith.constant 0 : i32
    %dma_wait3A_1180 = tpu.memref_slice %arg9[%dma_wait3A_1173, %dma_wait3A_1174, %dma_wait3A_1178, %dma_wait3A_1179] : memref<2x8x8x129xf32, #tpu.memory_space<vmem>> -> memref<1x1x8x128xf32, #tpu.memory_space<vmem>>
    %dma_wait3A_1181 = tpu.memref_squeeze %dma_wait3A_1180 : memref<1x1x8x128xf32, #tpu.memory_space<vmem>> -> memref<8x128xf32, #tpu.memory_space<vmem>>
    %dma_wait3A_1182 = arith.constant 0 : i32
    %dma_wait3A_1183 = arith.constant 0 : i32
    %dma_wait3A_1184 = tpu.memref_slice %arg5[%dma_wait3A_1175, %dma_wait3A_1176, %dma_wait3A_1177, %dma_wait3A_1182, %dma_wait3A_1183] : memref<200x8x32x8x128xf32, #tpu.memory_space<hbm>> -> memref<1x1x1x8x128xf32, #tpu.memory_space<hbm>>
    %dma_wait3A_1185 = tpu.memref_squeeze %dma_wait3A_1184 : memref<1x1x1x8x128xf32, #tpu.memory_space<hbm>> -> memref<8x128xf32, #tpu.memory_space<hbm>>
    %dma_wait3A_1186 = arith.constant 0 : i32
    %dma_wait3A_1187 = arith.constant 0 : i32
    %dma_wait3A_1188 = tpu.memref_slice %arg5[%dma_wait3A_1175, %dma_wait3A_1176, %dma_wait3A_1177, %dma_wait3A_1186, %dma_wait3A_1187] : memref<200x8x32x8x128xf32, #tpu.memory_space<hbm>> -> memref<1x1x1x8x128xf32, #tpu.memory_space<hbm>>
    %dma_wait3A_1189 = tpu.memref_squeeze %dma_wait3A_1188 : memref<1x1x1x8x128xf32, #tpu.memory_space<hbm>> -> memref<8x128xf32, #tpu.memory_space<hbm>>
    %dma_wait3A_1190 = arith.constant 0 : i32
    %dma_wait3A_1191 = arith.constant 0 : i32
    %dma_wait3A_1192 = tpu.memref_slice %arg9[%dma_wait3A_1173, %dma_wait3A_1174, %dma_wait3A_1190, %dma_wait3A_1191] : memref<2x8x8x129xf32, #tpu.memory_space<vmem>> -> memref<1x1x8x128xf32, #tpu.memory_space<vmem>>
    %dma_wait3A_1193 = tpu.memref_squeeze %dma_wait3A_1192 : memref<1x1x8x128xf32, #tpu.memory_space<vmem>> -> memref<8x128xf32, #tpu.memory_space<vmem>>
    tpu.wait_dma2 semaphore(%arg12 : memref<!tpu.dma_semaphore, #tpu.memory_space<semaphore_mem>>) src(%dma_wait3A_1193 : memref<8x128xf32, #tpu.memory_space<vmem>>) dst(%dma_wait3A_1189 : memref<8x128xf32, #tpu.memory_space<hbm>>)
    %dma_wait3A_1194 = arith.constant 1 : i32
    %dma_wait3A_1195 = arith.constant 4 : i32
    %dma_wait3A_1196 = arith.constant 0 : i32
    %dma_wait3A_1197 = arith.constant 0 : i32
    %dma_wait3A_1198 = arith.constant 0 : i32
    %dma_wait3A_1199 = arith.constant 0 : i32
    %dma_wait3A_1200 = arith.constant 0 : i32
    %dma_wait3A_1201 = tpu.memref_slice %arg9[%dma_wait3A_1194, %dma_wait3A_1195, %dma_wait3A_1199, %dma_wait3A_1200] : memref<2x8x8x129xf32, #tpu.memory_space<vmem>> -> memref<1x1x8x128xf32, #tpu.memory_space<vmem>>
    %dma_wait3A_1202 = tpu.memref_squeeze %dma_wait3A_1201 : memref<1x1x8x128xf32, #tpu.memory_space<vmem>> -> memref<8x128xf32, #tpu.memory_space<vmem>>
    %dma_wait3A_1203 = arith.constant 0 : i32
    %dma_wait3A_1204 = arith.constant 0 : i32
    %dma_wait3A_1205 = tpu.memref_slice %arg5[%dma_wait3A_1196, %dma_wait3A_1197, %dma_wait3A_1198, %dma_wait3A_1203, %dma_wait3A_1204] : memref<200x8x32x8x128xf32, #tpu.memory_space<hbm>> -> memref<1x1x1x8x128xf32, #tpu.memory_space<hbm>>
    %dma_wait3A_1206 = tpu.memref_squeeze %dma_wait3A_1205 : memref<1x1x1x8x128xf32, #tpu.memory_space<hbm>> -> memref<8x128xf32, #tpu.memory_space<hbm>>
    %dma_wait3A_1207 = arith.constant 0 : i32
    %dma_wait3A_1208 = arith.constant 0 : i32
    %dma_wait3A_1209 = tpu.memref_slice %arg5[%dma_wait3A_1196, %dma_wait3A_1197, %dma_wait3A_1198, %dma_wait3A_1207, %dma_wait3A_1208] : memref<200x8x32x8x128xf32, #tpu.memory_space<hbm>> -> memref<1x1x1x8x128xf32, #tpu.memory_space<hbm>>
    %dma_wait3A_1210 = tpu.memref_squeeze %dma_wait3A_1209 : memref<1x1x1x8x128xf32, #tpu.memory_space<hbm>> -> memref<8x128xf32, #tpu.memory_space<hbm>>
    %dma_wait3A_1211 = arith.constant 0 : i32
    %dma_wait3A_1212 = arith.constant 0 : i32
    %dma_wait3A_1213 = tpu.memref_slice %arg9[%dma_wait3A_1194, %dma_wait3A_1195, %dma_wait3A_1211, %dma_wait3A_1212] : memref<2x8x8x129xf32, #tpu.memory_space<vmem>> -> memref<1x1x8x128xf32, #tpu.memory_space<vmem>>
    %dma_wait3A_1214 = tpu.memref_squeeze %dma_wait3A_1213 : memref<1x1x8x128xf32, #tpu.memory_space<vmem>> -> memref<8x128xf32, #tpu.memory_space<vmem>>
    tpu.wait_dma2 semaphore(%arg12 : memref<!tpu.dma_semaphore, #tpu.memory_space<semaphore_mem>>) src(%dma_wait3A_1214 : memref<8x128xf32, #tpu.memory_space<vmem>>) dst(%dma_wait3A_1210 : memref<8x128xf32, #tpu.memory_space<hbm>>)
    %dma_wait3A_1215 = arith.constant 1 : i32
    %dma_wait3A_1216 = arith.constant 5 : i32
    %dma_wait3A_1217 = arith.constant 0 : i32
    %dma_wait3A_1218 = arith.constant 0 : i32
    %dma_wait3A_1219 = arith.constant 0 : i32
    %dma_wait3A_1220 = arith.constant 0 : i32
    %dma_wait3A_1221 = arith.constant 0 : i32
    %dma_wait3A_1222 = tpu.memref_slice %arg9[%dma_wait3A_1215, %dma_wait3A_1216, %dma_wait3A_1220, %dma_wait3A_1221] : memref<2x8x8x129xf32, #tpu.memory_space<vmem>> -> memref<1x1x8x128xf32, #tpu.memory_space<vmem>>
    %dma_wait3A_1223 = tpu.memref_squeeze %dma_wait3A_1222 : memref<1x1x8x128xf32, #tpu.memory_space<vmem>> -> memref<8x128xf32, #tpu.memory_space<vmem>>
    %dma_wait3A_1224 = arith.constant 0 : i32
    %dma_wait3A_1225 = arith.constant 0 : i32
    %dma_wait3A_1226 = tpu.memref_slice %arg5[%dma_wait3A_1217, %dma_wait3A_1218, %dma_wait3A_1219, %dma_wait3A_1224, %dma_wait3A_1225] : memref<200x8x32x8x128xf32, #tpu.memory_space<hbm>> -> memref<1x1x1x8x128xf32, #tpu.memory_space<hbm>>
    %dma_wait3A_1227 = tpu.memref_squeeze %dma_wait3A_1226 : memref<1x1x1x8x128xf32, #tpu.memory_space<hbm>> -> memref<8x128xf32, #tpu.memory_space<hbm>>
    %dma_wait3A_1228 = arith.constant 0 : i32
    %dma_wait3A_1229 = arith.constant 0 : i32
    %dma_wait3A_1230 = tpu.memref_slice %arg5[%dma_wait3A_1217, %dma_wait3A_1218, %dma_wait3A_1219, %dma_wait3A_1228, %dma_wait3A_1229] : memref<200x8x32x8x128xf32, #tpu.memory_space<hbm>> -> memref<1x1x1x8x128xf32, #tpu.memory_space<hbm>>
    %dma_wait3A_1231 = tpu.memref_squeeze %dma_wait3A_1230 : memref<1x1x1x8x128xf32, #tpu.memory_space<hbm>> -> memref<8x128xf32, #tpu.memory_space<hbm>>
    %dma_wait3A_1232 = arith.constant 0 : i32
    %dma_wait3A_1233 = arith.constant 0 : i32
    %dma_wait3A_1234 = tpu.memref_slice %arg9[%dma_wait3A_1215, %dma_wait3A_1216, %dma_wait3A_1232, %dma_wait3A_1233] : memref<2x8x8x129xf32, #tpu.memory_space<vmem>> -> memref<1x1x8x128xf32, #tpu.memory_space<vmem>>
    %dma_wait3A_1235 = tpu.memref_squeeze %dma_wait3A_1234 : memref<1x1x8x128xf32, #tpu.memory_space<vmem>> -> memref<8x128xf32, #tpu.memory_space<vmem>>
    tpu.wait_dma2 semaphore(%arg12 : memref<!tpu.dma_semaphore, #tpu.memory_space<semaphore_mem>>) src(%dma_wait3A_1235 : memref<8x128xf32, #tpu.memory_space<vmem>>) dst(%dma_wait3A_1231 : memref<8x128xf32, #tpu.memory_space<hbm>>)
    %dma_wait3A_1236 = arith.constant 1 : i32
    %dma_wait3A_1237 = arith.constant 6 : i32
    %dma_wait3A_1238 = arith.constant 0 : i32
    %dma_wait3A_1239 = arith.constant 0 : i32
    %dma_wait3A_1240 = arith.constant 0 : i32
    %dma_wait3A_1241 = arith.constant 0 : i32
    %dma_wait3A_1242 = arith.constant 0 : i32
    %dma_wait3A_1243 = tpu.memref_slice %arg9[%dma_wait3A_1236, %dma_wait3A_1237, %dma_wait3A_1241, %dma_wait3A_1242] : memref<2x8x8x129xf32, #tpu.memory_space<vmem>> -> memref<1x1x8x128xf32, #tpu.memory_space<vmem>>
    %dma_wait3A_1244 = tpu.memref_squeeze %dma_wait3A_1243 : memref<1x1x8x128xf32, #tpu.memory_space<vmem>> -> memref<8x128xf32, #tpu.memory_space<vmem>>
    %dma_wait3A_1245 = arith.constant 0 : i32
    %dma_wait3A_1246 = arith.constant 0 : i32
    %dma_wait3A_1247 = tpu.memref_slice %arg5[%dma_wait3A_1238, %dma_wait3A_1239, %dma_wait3A_1240, %dma_wait3A_1245, %dma_wait3A_1246] : memref<200x8x32x8x128xf32, #tpu.memory_space<hbm>> -> memref<1x1x1x8x128xf32, #tpu.memory_space<hbm>>
    %dma_wait3A_1248 = tpu.memref_squeeze %dma_wait3A_1247 : memref<1x1x1x8x128xf32, #tpu.memory_space<hbm>> -> memref<8x128xf32, #tpu.memory_space<hbm>>
    %dma_wait3A_1249 = arith.constant 0 : i32
    %dma_wait3A_1250 = arith.constant 0 : i32
    %dma_wait3A_1251 = tpu.memref_slice %arg5[%dma_wait3A_1238, %dma_wait3A_1239, %dma_wait3A_1240, %dma_wait3A_1249, %dma_wait3A_1250] : memref<200x8x32x8x128xf32, #tpu.memory_space<hbm>> -> memref<1x1x1x8x128xf32, #tpu.memory_space<hbm>>
    %dma_wait3A_1252 = tpu.memref_squeeze %dma_wait3A_1251 : memref<1x1x1x8x128xf32, #tpu.memory_space<hbm>> -> memref<8x128xf32, #tpu.memory_space<hbm>>
    %dma_wait3A_1253 = arith.constant 0 : i32
    %dma_wait3A_1254 = arith.constant 0 : i32
    %dma_wait3A_1255 = tpu.memref_slice %arg9[%dma_wait3A_1236, %dma_wait3A_1237, %dma_wait3A_1253, %dma_wait3A_1254] : memref<2x8x8x129xf32, #tpu.memory_space<vmem>> -> memref<1x1x8x128xf32, #tpu.memory_space<vmem>>
    %dma_wait3A_1256 = tpu.memref_squeeze %dma_wait3A_1255 : memref<1x1x8x128xf32, #tpu.memory_space<vmem>> -> memref<8x128xf32, #tpu.memory_space<vmem>>
    tpu.wait_dma2 semaphore(%arg12 : memref<!tpu.dma_semaphore, #tpu.memory_space<semaphore_mem>>) src(%dma_wait3A_1256 : memref<8x128xf32, #tpu.memory_space<vmem>>) dst(%dma_wait3A_1252 : memref<8x128xf32, #tpu.memory_space<hbm>>)
    %dma_wait3A_1257 = arith.constant 1 : i32
    %dma_wait3A_1258 = arith.constant 7 : i32
    %dma_wait3A_1259 = arith.constant 0 : i32
    %dma_wait3A_1260 = arith.constant 0 : i32
    %dma_wait3A_1261 = arith.constant 0 : i32
    %dma_wait3A_1262 = arith.constant 0 : i32
    %dma_wait3A_1263 = arith.constant 0 : i32
    %dma_wait3A_1264 = tpu.memref_slice %arg9[%dma_wait3A_1257, %dma_wait3A_1258, %dma_wait3A_1262, %dma_wait3A_1263] : memref<2x8x8x129xf32, #tpu.memory_space<vmem>> -> memref<1x1x8x128xf32, #tpu.memory_space<vmem>>
    %dma_wait3A_1265 = tpu.memref_squeeze %dma_wait3A_1264 : memref<1x1x8x128xf32, #tpu.memory_space<vmem>> -> memref<8x128xf32, #tpu.memory_space<vmem>>
    %dma_wait3A_1266 = arith.constant 0 : i32
    %dma_wait3A_1267 = arith.constant 0 : i32
    %dma_wait3A_1268 = tpu.memref_slice %arg5[%dma_wait3A_1259, %dma_wait3A_1260, %dma_wait3A_1261, %dma_wait3A_1266, %dma_wait3A_1267] : memref<200x8x32x8x128xf32, #tpu.memory_space<hbm>> -> memref<1x1x1x8x128xf32, #tpu.memory_space<hbm>>
    %dma_wait3A_1269 = tpu.memref_squeeze %dma_wait3A_1268 : memref<1x1x1x8x128xf32, #tpu.memory_space<hbm>> -> memref<8x128xf32, #tpu.memory_space<hbm>>
    %dma_wait3A_1270 = arith.constant 0 : i32
    %dma_wait3A_1271 = arith.constant 0 : i32
    %dma_wait3A_1272 = tpu.memref_slice %arg5[%dma_wait3A_1259, %dma_wait3A_1260, %dma_wait3A_1261, %dma_wait3A_1270, %dma_wait3A_1271] : memref<200x8x32x8x128xf32, #tpu.memory_space<hbm>> -> memref<1x1x1x8x128xf32, #tpu.memory_space<hbm>>
    %dma_wait3A_1273 = tpu.memref_squeeze %dma_wait3A_1272 : memref<1x1x1x8x128xf32, #tpu.memory_space<hbm>> -> memref<8x128xf32, #tpu.memory_space<hbm>>
    %dma_wait3A_1274 = arith.constant 0 : i32
    %dma_wait3A_1275 = arith.constant 0 : i32
    %dma_wait3A_1276 = tpu.memref_slice %arg9[%dma_wait3A_1257, %dma_wait3A_1258, %dma_wait3A_1274, %dma_wait3A_1275] : memref<2x8x8x129xf32, #tpu.memory_space<vmem>> -> memref<1x1x8x128xf32, #tpu.memory_space<vmem>>
    %dma_wait3A_1277 = tpu.memref_squeeze %dma_wait3A_1276 : memref<1x1x8x128xf32, #tpu.memory_space<vmem>> -> memref<8x128xf32, #tpu.memory_space<vmem>>
    tpu.wait_dma2 semaphore(%arg12 : memref<!tpu.dma_semaphore, #tpu.memory_space<semaphore_mem>>) src(%dma_wait3A_1277 : memref<8x128xf32, #tpu.memory_space<vmem>>) dst(%dma_wait3A_1273 : memref<8x128xf32, #tpu.memory_space<hbm>>)
    return
  }
}

</mosaic_0001>

<sc_bundles>
// kernel: _embed.3.cloned.1.call-start
scs
__scs_entry_jumppad:
0x0: {  	(pc) =	sbr.rel $0x88, $3  }
0x1: {  	(tag) =	ssettag $0x0;
	lr =	simm.s32 $0x1  }
0x2: {  	[smem:$0x3F9E] =	sst lr;
	_ =	strace $0xD0000000  }
0x3: {  	_ = 	snop  }
0x4: {  	_ = 	snop  }
0x5: {  	_ = 	snop  }
0x6: {  	_ = 	snop  }
0x7: {  	_ = 	snop  }
__scs_overlays_trampoline_lowered:
0x8: {  	[smem:$0x3FAD] =	sst s0  }
0x9: {  	[smem:$0x3FAE] =	sst s1  }
0xa: {  	[smem:$0x3FAF] =	sst s2  }
0xb: {  	[smem:$0x3FB0] =	sst s3  }
0xc: {  	[smem:$0x3FB1] =	sst s4  }
0xd: {  	[smem:$0x3FB2] =	sst s5  }
0xe: {  	[smem:$0x3FB3] =	sst s6  }
0xf: {  	[smem:$0x3FB4] =	sst s7  }
0x10: {  	[smem:$0x3FB5] =	sst s8  }
0x11: {  	[smem:$0x3FB6] =	sst s9;
	s0 =	simm.s32 @!p0 $0x0  }
0x12: {  	s1 =	sld [smem:$0x3F9C];
	s0 =	simm.s32 @p0 $0x1  }
0x13: {  	[smem:$0x3FB7] =	sst s0;
	s0 =	simm.s32 @!p1 $0x0  }
0x14: {  	s2 =	sld [smem:$0x3F9B];
	s0 =	simm.s32 @p1 $0x1  }
0x15: {  	[smem:$0x3FB8] =	sst s0;
	s0 =	simm.s32 @!p2 $0x0  }
0x16: {  	s3 =	sld [smem:$0x3FDB];
	s0 =	simm.s32 @p2 $0x1  }
0x17: {  	s4 =	simm.s32 $0x1BF5;
	[smem:$0x3FBA] =	sst s0  }
0x18: {  	s0 =	sld [smem:$0x3F9D];
	_ =	swait.ge [sflag:s4], $0x0  }
0x19: {  	s7 =	sld [smem:$0x3F9E]  }
0x1a: {  	s8 =	sadd.s32 $0xFFFFE003, lr  }
0x1b: {  	s9 =	sadd.s32 $0xFFFFFEF7, lr;
	s5 =	simm.s32 $0xFFFFFFFF;
	p2 =	slt.u32 s8, $0xFFFFF086  }
0x1c: {  	p1 =	slt.u32 s9, $0xF7A;
	s5 =	simm.s32 @!p2 $0x0  }
0x1d: {  	s5 =	simm.s32 @p1 $0x1;
	p0 =	seq.s32 s7, s2  }
0x1e: {  	s7 =	smul.u32 @!p0 $0xF7A, s2;
	p2 =	seq.s32 @!p0 s5, $0x0  }
0x1f: {  	s9 =	smul.u32 $0xF7A, s1;
	s8 =	simm.s32 @!p0 $0x1BF5;
	p2 =	por !p2, p0  }
0x20: {  	[sflag:s8] =	ssyncset.s32 @!p0 $0xFFFFF086;
	s6 =	sadd.s32 @!p0 s3, s7;
	s7 =	simm.s32 @!p0 $0x108  }
0x21: {  	s3 =	sadd.s32 s3, s9;
	s6 =	sadd.s32 @!p0 $0x88, s6;
	s7 =	simm.s32 @p2 $0x1082  }
0x22: {  	[simem:s7], [sflag:s8] =	dma.local @!p0 [hbm:s6], $0xF7A  }
0x23: {  	s9 =	sor.u32 $0xD0000000, s2;
	s6 =	simm.s32 $0x108;
	_ =	swait.ge @!p0 [sflag:s8], $0x0  }
0x24: {  	s3 =	sadd.s32 $0x88, s3;
	s6 =	simm.s32 @!p1 $0x1082;
	[sflag:s4] =	ssyncset.s32 $0xFFFFF086  }
0x25: {  	[simem:s6], [sflag:s4] =	dma.local [hbm:s3], $0xF7A  }
0x26: {  	[smem:$0x3F9E] =	sst s1;
	(tag) =	ssettag s2;
	_ =	strace s9  }
0x27: {  	s1 =	sld [smem:$0x3FAE]  }
0x28: {  	s2 =	sld [smem:$0x3FAF]  }
0x29: {  	s4 =	sld [smem:$0x3FB1]  }
0x2a: {  	p0 =	seq.s32 s5, $0x0;
	s5 =	sld [smem:$0x3FB2]  }
0x2b: {  	s6 =	sld [smem:$0x3FB3]  }
0x2c: {  	s7 =	sld [smem:$0x3FB4]  }
0x2d: {  	s3 =	simm.s32 $0x108;
	s8 =	sld [smem:$0x3FB5]  }
0x2e: {  	s3 =	simm.s32 @!p0 $0x1082;
	s9 =	sld [smem:$0x3FB6]  }
0x2f: {  	lr =	sadd.s32 s0, s3;
	s0 =	sld [smem:$0x3FAD]  }
0x30: {  	s3 =	sld [smem:$0x3FB0]  }
0x31: {  	[smem:$0x3FB9] =	sst s10  }
0x32: {  	s10 =	sld [smem:$0x3FB7];
	_ =	sdelay $0x3  }
0x33: {  	p0 =	seq.s32 s10, $0x1;
	s10 =	sld [smem:$0x3FB9];
	_ =	sdelay $0x3  }
0x34: {  	[smem:$0x3FB9] =	sst s10  }
0x35: {  	s10 =	sld [smem:$0x3FB8];
	_ =	sdelay $0x3  }
0x36: {  	p1 =	seq.s32 s10, $0x1;
	s10 =	sld [smem:$0x3FB9];
	_ =	sdelay $0x3  }
0x37: {  	[smem:$0x3FB9] =	sst s10  }
0x38: {  	s10 =	sld [smem:$0x3FBA]  }
0x39: {  	_ = 	snop;
	(pc) =	sbr.ind lr, $3  }
0x3a: {  	_ = 	snop  }
0x3b: {  	_ = 	snop  }
0x3c: {  	p2 =	seq.s32 s10, $0x1;
	s10 =	sld [smem:$0x3FB9]  }
0x3d: {  	_ =	shalt  }
0x3e: {  	_ =	shalt  }
0x3f: {  	_ =	shalt  }
0x40: {  	_ =	shalt  }
0x41: {  	_ =	shalt  }
0x42: {  	_ =	shalt  }
0x43: {  	_ =	shalt  }
0x44: {  	_ =	shalt  }
0x45: {  	_ =	shalt  }
0x46: {  	_ =	shalt  }
0x47: {  	_ =	shalt  }
0x48: {  	_ =	shalt  }
0x49: {  	_ =	shalt  }
0x4a: {  	_ =	shalt  }
0x4b: {  	_ =	shalt  }
0x4c: {  	_ =	shalt  }
0x4d: {  	_ =	shalt  }
0x4e: {  	_ =	shalt  }
0x4f: {  	_ =	shalt  }
0x50: {  	_ =	shalt  }
0x51: {  	_ =	shalt  }
0x52: {  	_ =	shalt  }
0x53: {  	_ =	shalt  }
0x54: {  	_ =	shalt  }
0x55: {  	_ =	shalt  }
0x56: {  	_ =	shalt  }
0x57: {  	_ =	shalt  }
0x58: {  	_ =	shalt  }
0x59: {  	_ =	shalt  }
0x5a: {  	_ =	shalt  }
0x5b: {  	_ =	shalt  }
0x5c: {  	_ =	shalt  }
0x5d: {  	_ =	shalt  }
0x5e: {  	_ =	shalt  }
0x5f: {  	_ =	shalt  }
0x60: {  	_ =	shalt  }
0x61: {  	_ =	shalt  }
0x62: {  	_ =	shalt  }
0x63: {  	_ =	shalt  }
0x64: {  	_ =	shalt  }
0x65: {  	_ =	shalt  }
0x66: {  	_ =	shalt  }
0x67: {  	_ =	shalt  }
0x68: {  	_ =	shalt  }
0x69: {  	_ =	shalt  }
0x6a: {  	_ =	shalt  }
0x6b: {  	_ =	shalt  }
0x6c: {  	_ =	shalt  }
0x6d: {  	_ =	shalt  }
0x6e: {  	_ =	shalt  }
0x6f: {  	_ =	shalt  }
0x70: {  	_ =	shalt  }
0x71: {  	_ =	shalt  }
0x72: {  	_ =	shalt  }
0x73: {  	_ =	shalt  }
0x74: {  	_ =	shalt  }
0x75: {  	_ =	shalt  }
0x76: {  	_ =	shalt  }
0x77: {  	_ =	shalt  }
0x78: {  	_ =	shalt  }
0x79: {  	_ =	shalt  }
0x7a: {  	_ =	shalt  }
0x7b: {  	_ =	shalt  }
0x7c: {  	_ =	shalt  }
0x7d: {  	_ =	shalt  }
0x7e: {  	_ =	shalt  }
0x7f: {  	_ =	shalt  }
0x80: {  	_ =	shalt  }
0x81: {  	_ =	shalt  }
0x82: {  	_ =	shalt  }
0x83: {  	_ =	shalt  }
0x84: {  	_ =	shalt  }
0x85: {  	_ =	shalt  }
0x86: {  	_ =	shalt  }
0x87: {  	_ =	shalt  }
.Lfunc_end0:
.L_simem_size_0:
called_computation_lowered:
.L_overlay_start_0:
0x88: {  	s2 =	sld [smem:$0x3FD9]  }
0x89: {  	s3 =	sld [smem:$0x3FFE];
	_ =	sdelay $0x1  }
0x8a: {  	s1 =	srdreg.scid  }
0x8b: {  	s0 =	sand.u32 $0x1, s1  }
0x8c: {  	s17 =	sshll.u32 s0, $0xA;
	s2 =	sadd.s32 s3, s2  }
0x8d: {  	s2 =	sadd.s32 s2, s17  }
0x8e: {  	[smem:$0x3FC5] =	sst s2  }
0x8f: {  	_ = 	snop  }
0x90: {  	s2 =	sld [smem:$0x3FC9]  }
0x91: {  	s18 =	sld [smem:$0x3FD0];
	(tm) =	ssettm $0x1  }
0x92: {  	s4 =	sld [smem:$0x3FFB];
	_ =	sdelay $0x3  }
0x93: {  	_ =	strace s4  }
0x94: {  	s4 =	sld [smem:$0x3FFC];
	_ =	sdelay $0x3  }
0x95: {  	_ =	strace s4  }
0x96: {  	s4 =	sld [smem:$0x3FFD];
	_ =	sdelay $0x3  }
0x97: {  	_ =	strace s4  }
0x98: {  	_ =	strace $0x8FFFFFFF  }
0x99: {  	s19 =	sld [smem:$0x3FDB];
	_ =	sdelay $0x1  }
0x9a: {  	s5 =	simm.s32 $_scs_section_size  }
0x9b: {  	s6 =	simm.s32 $_size__tile_overlayer_lowered;
	s7 =	simm.s32 $_tile_overlayer_lowered  }
0x9c: {  	s22 =	simm.s32 $0x1BFF;
	s21 =	sshll.u32 s7, $0x1;
	s4 =	sadd.s32 s5, s19  }
0x9d: {  	s8 =	simm.s32 $0x0;
	s20 =	sshll.u32 s6, $0x1;
	s6 =	sadd.s32 s21, s4  }
0x9e: {  	[timem:s8], [sflag:s22] =	dma.local [hbm:s6], s20  }
0x9f: {  	_ =	swait.ge [sflag:s22], s20  }
0xa0: {  	s5 =	ssub.s32 $0x0, s20;
	[sflag:s22] =	ssyncset.done $0x0  }
0xa1: {  	[sflag:s22] =	ssyncadd.s32 s5;
	_ =	sdelay $0x1  }
0xa2: {  	s23 =	simm.s32 $0x1B8B  }
0xa3: {  	_ =	swait.ge [sflag:s23], $0x1  }
0xa4: {  	[sflag:s23] =	ssyncset.done $0x0  }
0xa5: {  	s25 =	simm.s32 $0x1B8E;
	s24 =	sld [smem:$0x3FFE];
	[sflag:s23] =	ssyncadd.s32 $0xFFFFFFFF  }
0xa6: {  	s26 =	simm.s32 $execute0_lowered;
	[smem:$0x3FD2] =	sst s25  }
0xa7: {  	s6 =	sshll.u32 s26, $0x1;
	_ =	strace $0x80000046;
	[dreg:$0x1] =	wrdreg $0xFFFFFFFF  }
0xa8: {  	s28 =	simm.s32 $_size_execute0_lowered;
	s4 =	sadd.s32 s4, s6;
	[dreg:$0x0] =	wrdreg $0x0  }
0xa9: {  	s6 =	sshll.u32 s28, $0x1;
	[dreg:$0x2] =	wrdreg s4  }
0xaa: {  	[dreg:$0x3] =	wrdreg s6  }
0xab: {  	[dreg:$0x4] =	wrdreg $0xC0  }
0xac: {  	_ =	task [dreg:s8], $0x5FFFF  }
0xad: {  	[dreg:$0x1] =	wrdreg $0xFFFFFFFF  }
0xae: {  	[dreg:$0x0] =	wrdreg $0x60  }
0xaf: {  	[dreg:$0x2] =	wrdreg s2  }
0xb0: {  	[dreg:$0x3] =	wrdreg s24  }
0xb1: {  	[dreg:$0x4] =	wrdreg s18  }
0xb2: {  	[dreg:$0x5] =	wrdreg $0x9  }
0xb3: {  	_ =	task.clear_ibuf [dreg:s8], $0x6FFFF;
	_ =	strace $0x90000046  }
0xb4: {  	s29 =	simm.s32 $0x9;
	_ =	strace $0x80000048  }
0xb5: {  	_ =	swait.ge [sflag:s29], $0x1  }
0xb6: {  	[sflag:s29] =	ssyncadd.s32 $0xFFFFFFFF  }
0xb7: {  	_ =	strace $0x90000048  }
0xb8: {  	_ =	sfence  }
0xb9: {  	s30 =	sld [smem:$0x0];
	_ =	sdelay $0x2  }
0xba: {  	s31 =	sshll.u32 s1, $0xD;
	s1 =	sshrl.u32 s1, $0x2  }
0xbb: {  	s3 =	sand.u32 $0x4000, s31;
	s1 =	sadd.s32 s1, s30  }
0xbc: {  	s0 =	sor.u32 s3, s0;
	s1 =	sshll.u32 s1, $0x11  }
0xbd: {  	s0 =	sor.u32 s1, s0  }
0xbe: {  	s0 =	sadd.s32 $0x8F2B, s0  }
0xbf: {  	[sflag:s0] =	ssyncadd.remote.s32 $0x1  }
0xc0: {  	_ =	sfence.sel $0xFFFF  }
0xc1: {  	[dreg:$0x0] =	wrdreg $0xFFFFFFFF;
	(pc) =	sbr.abs _section_cstart, $3  }
0xc2: {  	[dreg:$0x1] =	wrdreg $0xFFFFFFFF  }
0xc3: {  	_ =	task.clear_ibuf [dreg:s8], $0x2FFFF;
	_ =	strace $0x9FFFFFFF  }
0xc4: {  	(tm) =	ssettm $0x7FFFFFFF  }
0xc5: {  	_ =	shalt  }
tec
execute0_lowered:
.L_overlay_start_1:
0x0: {  	(tag) =	ssettag $0x1  }
0x1: {  	s0 =	rddreg [dreg:$0x0]  }
0x2: {  	s1 =	rddreg [dreg:$0x1];
	s3 =	srdreg.scid  }
0x3: {  	s2 =	rddreg [dreg:$0x2];
	s4 =	stileid.u32;
	s5 =	sand.u32 $0x1, s3  }
0x4: {  	s3 =	simm.s32 $0x0;
	s4 =	sshll.u32 s4, $0xB;
	s6 =	sshll.u32 s5, $0xA  }
0x5: {  	[smem:$0x7FF] =	sst s3;
	s7 =	ssub.s32 $0x2, s5;
	s5 =	sadd.s32 $0xC00, s1  }
0x6: {  	s1 =	sadd.s32 $0x400, s1;
	s4 =	sor.u32 s6, s4;
	s8 =	sshrl.u32 s7, $0x1  }
0x7: {  	_ =	strace $0x80000047;
	s6 =	sshrl.u32 s4, $0x3;
	s9 =	ssub.s32 s7, s8  }
0x8: {  	[dreg:$0x4] =	wrdreg s1;
	s6 =	sadd.s32 s0, s6;
	s0 =	smax.u32 s9, $0x1  }
0x9: {  	s10 =	sadd.s32 $0x1000, s6;
	[dreg:$0x16] =	wrdreg s0  }
0xa: {  	s11 =	sadd.s32 $0x2000, s6;
	[dreg:$0x5] =	wrdreg s10  }
0xb: {  	s12 =	sadd.s32 $0x3000, s6;
	[dreg:$0x6] =	wrdreg s11  }
0xc: {  	s13 =	sadd.s32 $0x4000, s6;
	[dreg:$0x7] =	wrdreg s12  }
0xd: {  	s14 =	sadd.s32 $0x5000, s6;
	[dreg:$0x8] =	wrdreg s13  }
0xe: {  	s15 =	sadd.s32 $0x6000, s6;
	[dreg:$0x9] =	wrdreg s14  }
0xf: {  	s16 =	sadd.s32 $0x7000, s6;
	[dreg:$0xa] =	wrdreg s15  }
0x10: {  	s17 =	sadd.s32 $0x8000, s6;
	[dreg:$0xb] =	wrdreg s16  }
0x11: {  	s18 =	sadd.s32 $0x9000, s6;
	[dreg:$0xc] =	wrdreg s17  }
0x12: {  	s7 =	sadd.s32 $0x1000, s2;
	s19 =	sadd.s32 $0xA000, s6;
	[dreg:$0xd] =	wrdreg s18  }
0x13: {  	s8 =	sadd.s32 $0x2000, s2;
	s20 =	sadd.s32 $0xB000, s6;
	[dreg:$0xe] =	wrdreg s19  }
0x14: {  	s9 =	sadd.s32 $0x3000, s2;
	s21 =	sadd.s32 $0xC000, s6;
	[dreg:$0xf] =	wrdreg s20  }
0x15: {  	s22 =	sadd.s32 $0xD000, s6;
	s23 =	sadd.s32 $0xE000, s6;
	[dreg:$0x10] =	wrdreg s21  }
0x16: {  	s24 =	sadd.s32 $0xF000, s6;
	s25 =	sadd.s32 $0x10000, s6;
	[dreg:$0x11] =	wrdreg s22  }
0x17: {  	s26 =	sadd.s32 $0x11000, s6;
	s28 =	sadd.s32 $0x13000, s6;
	[dreg:$0x12] =	wrdreg s23  }
0x18: {  	s29 =	sadd.s32 $0x14000, s6;
	s30 =	sadd.s32 $0x15000, s6;
	[dreg:$0x13] =	wrdreg s24  }
0x19: {  	s31 =	sadd.s32 $0x16000, s6;
	s0 =	sadd.s32 $0x17000, s6;
	[dreg:$0x14] =	wrdreg s25  }
0x1a: {  	v0 =	vlaneseq.u32;
	s1 =	sadd.s32 $0x18000, s6;
	[dreg:$0x15] =	wrdreg s26;
	s26 =	sadd.s32 $0x12000, s6  }
0x1b: {  	v0 =	vmul.u32 $0x88, v0;
	s10 =	sadd.s32 $0x4000, s2;
	s11 =	sadd.s32 $0x5000, s2;
	s12 =	sadd.s32 $0x6000, s2  }
0x1c: {  	s13 =	sadd.s32 $0x7000, s2;
	s14 =	simm.s32 $0x1;
	s15 =	simm.s32 $0x2  }
0x1d: {  	v1 =	vadd.s32 $0x880, v0;
	v2 =	vadd.s32 $0x1100, v0;
	v3 =	vadd.s32 $0x1980, v0;
	s16 =	simm.s32 $0x3;
	s17 =	simm.s32 $0xD600;
	s18 =	simm.s32 $0x0  }
.LBB2_1:
0x1e: {  	[tilespmem:s3], [sflag:$0x1] =	stream.linear.gather [hbm4b:s6+s3], $0x400, $0x38;
	[tilespmem:$0x11A00] =	vst v63  }
0x1f: {  	s19 =	rddreg [dreg:$0x5];
	s20 =	simm.s32 $0x400  }
0x20: {  	[tilespmem:s20], [sflag:$0x1] =	stream.linear.gather [hbm4b:s19+s3], $0x400, $0x38;
	[tilespmem:$0x11A00] =	vst v63  }
0x21: {  	s24 =	rddreg [dreg:$0x6];
	s25 =	simm.s32 $0x800  }
0x22: {  	[tilespmem:s25], [sflag:$0x1] =	stream.linear.gather [hbm4b:s24+s3], $0x400, $0x38;
	[tilespmem:$0x11A00] =	vst v63  }
0x23: {  	s21 =	simm.s32 $0xC00;
	s20 =	rddreg [dreg:$0x7]  }
0x24: {  	[tilespmem:s21], [sflag:$0x1] =	stream.linear.gather [hbm4b:s20+s3], $0x400, $0x38;
	[tilespmem:$0x11A00] =	vst v63  }
0x25: {  	s22 =	rddreg [dreg:$0x8];
	s23 =	simm.s32 $0x1000  }
0x26: {  	[tilespmem:s23], [sflag:$0x1] =	stream.linear.gather [hbm4b:s22+s3], $0x400, $0x38;
	[tilespmem:$0x11A00] =	vst v63  }
0x27: {  	s24 =	rddreg [dreg:$0x9];
	s25 =	simm.s32 $0x1400  }
0x28: {  	[tilespmem:s25], [sflag:$0x1] =	stream.linear.gather [hbm4b:s24+s3], $0x400, $0x38;
	[tilespmem:$0x11A00] =	vst v63  }
0x29: {  	s20 =	rddreg [dreg:$0xa];
	s21 =	simm.s32 $0x1800  }
0x2a: {  	[tilespmem:s21], [sflag:$0x1] =	stream.linear.gather [hbm4b:s20+s3], $0x400, $0x38;
	[tilespmem:$0x11A00] =	vst v63  }
0x2b: {  	s22 =	rddreg [dreg:$0xb];
	s23 =	simm.s32 $0x1C00  }
0x2c: {  	[tilespmem:s23], [sflag:$0x1] =	stream.linear.gather [hbm4b:s22+s3], $0x400, $0x38;
	[tilespmem:$0x11A00] =	vst v63  }
0x2d: {  	s24 =	rddreg [dreg:$0xc];
	s25 =	simm.s32 $0x2000  }
0x2e: {  	[tilespmem:s25], [sflag:$0x1] =	stream.linear.gather [hbm4b:s24+s3], $0x400, $0x38;
	[tilespmem:$0x11A00] =	vst v63  }
0x2f: {  	s20 =	rddreg [dreg:$0xd];
	s21 =	simm.s32 $0x2400  }
0x30: {  	[tilespmem:s21], [sflag:$0x1] =	stream.linear.gather [hbm4b:s20+s3], $0x400, $0x38;
	[tilespmem:$0x11A00] =	vst v63  }
0x31: {  	s22 =	rddreg [dreg:$0xe];
	s23 =	simm.s32 $0x2800  }
0x32: {  	[tilespmem:s23], [sflag:$0x1] =	stream.linear.gather [hbm4b:s22+s3], $0x400, $0x38;
	[tilespmem:$0x11A00] =	vst v63  }
0x33: {  	s24 =	rddreg [dreg:$0xf];
	s25 =	simm.s32 $0x2C00  }
0x34: {  	[tilespmem:s25], [sflag:$0x1] =	stream.linear.gather [hbm4b:s24+s3], $0x400, $0x38;
	[tilespmem:$0x11A00] =	vst v63  }
0x35: {  	s20 =	rddreg [dreg:$0x10];
	s21 =	simm.s32 $0x3000  }
0x36: {  	[tilespmem:s21], [sflag:$0x1] =	stream.linear.gather [hbm4b:s20+s3], $0x400, $0x38;
	[tilespmem:$0x11A00] =	vst v63  }
0x37: {  	s22 =	rddreg [dreg:$0x11];
	s23 =	simm.s32 $0x3400  }
0x38: {  	[tilespmem:s23], [sflag:$0x1] =	stream.linear.gather [hbm4b:s22+s3], $0x400, $0x38;
	[tilespmem:$0x11A00] =	vst v63  }
0x39: {  	s24 =	rddreg [dreg:$0x12];
	s25 =	simm.s32 $0x3800  }
0x3a: {  	[tilespmem:s25], [sflag:$0x1] =	stream.linear.gather [hbm4b:s24+s3], $0x400, $0x38;
	[tilespmem:$0x11A00] =	vst v63  }
0x3b: {  	s20 =	rddreg [dreg:$0x13];
	s21 =	simm.s32 $0x3C00  }
0x3c: {  	[tilespmem:s21], [sflag:$0x1] =	stream.linear.gather [hbm4b:s20+s3], $0x400, $0x38;
	[tilespmem:$0x11A00] =	vst v63  }
0x3d: {  	s22 =	rddreg [dreg:$0x14];
	s23 =	simm.s32 $0x4000  }
0x3e: {  	[tilespmem:s23], [sflag:$0x1] =	stream.linear.gather [hbm4b:s22+s3], $0x400, $0x38;
	[tilespmem:$0x11A00] =	vst v63  }
0x3f: {  	s24 =	rddreg [dreg:$0x15];
	s25 =	simm.s32 $0x4400  }
0x40: {  	[tilespmem:s25], [sflag:$0x1] =	stream.linear.gather [hbm4b:s24+s3], $0x400, $0x38;
	[tilespmem:$0x11A00] =	vst v63  }
0x41: {  	s21 =	simm.s32 $0x4800  }
0x42: {  	[tilespmem:s21], [sflag:$0x1] =	stream.linear.gather [hbm4b:s26+s3], $0x400, $0x38;
	[tilespmem:$0x11A00] =	vst v63  }
0x43: {  	s22 =	simm.s32 $0x4C00  }
0x44: {  	[tilespmem:s22], [sflag:$0x1] =	stream.linear.gather [hbm4b:s28+s3], $0x400, $0x38;
	[tilespmem:$0x11A00] =	vst v63  }
0x45: {  	s23 =	simm.s32 $0x5000  }
0x46: {  	[tilespmem:s23], [sflag:$0x1] =	stream.linear.gather [hbm4b:s29+s3], $0x400, $0x38;
	[tilespmem:$0x11A00] =	vst v63  }
0x47: {  	s24 =	simm.s32 $0x5400  }
0x48: {  	[tilespmem:s24], [sflag:$0x1] =	stream.linear.gather [hbm4b:s30+s3], $0x400, $0x38;
	[tilespmem:$0x11A00] =	vst v63  }
0x49: {  	s25 =	simm.s32 $0x5800  }
0x4a: {  	[tilespmem:s25], [sflag:$0x1] =	stream.linear.gather [hbm4b:s31+s3], $0x400, $0x38;
	[tilespmem:$0x11A00] =	vst v63  }
0x4b: {  	s20 =	simm.s32 $0x5C00  }
0x4c: {  	[tilespmem:s20], [sflag:$0x1] =	stream.linear.gather [hbm4b:s0+s3], $0x400, $0x38;
	[tilespmem:$0x11A00] =	vst v63  }
0x4d: {  	s21 =	simm.s32 $0x6000  }
0x4e: {  	[tilespmem:s21], [sflag:$0x1] =	stream.linear.gather [hbm4b:s1+s3], $0x400, $0x38;
	[tilespmem:$0x11A00] =	vst v63  }
0x4f: {  	s22 =	rddreg [dreg:$0x4];
	s23 =	simm.s32 $0x6400  }
0x50: {  	[tilespmem:s23], [sflag:$0x2] =	stream.linear.gather [hbm4b:s22+s3], $0x3200, $0x38;
	[tilespmem:$0x11A00] =	vst v63  }
0x51: {  	_ =	swait.ge [sflag:s14], $0x400  }
0x52: {  	[sflag:s14] =	ssyncset.done $0x0  }
0x53: {  	[sflag:s14] =	ssyncadd.s32 $0xFFFFFC00  }
0x54: {  	_ =	swait.ge [sflag:s14], $0x400  }
0x55: {  	[sflag:s14] =	ssyncset.done $0x0  }
0x56: {  	[sflag:s14] =	ssyncadd.s32 $0xFFFFFC00  }
0x57: {  	_ =	swait.ge [sflag:s14], $0x400  }
0x58: {  	[sflag:s14] =	ssyncset.done $0x0  }
0x59: {  	[sflag:s14] =	ssyncadd.s32 $0xFFFFFC00  }
0x5a: {  	_ =	swait.ge [sflag:s14], $0x400  }
0x5b: {  	[sflag:s14] =	ssyncset.done $0x0  }
0x5c: {  	[sflag:s14] =	ssyncadd.s32 $0xFFFFFC00  }
0x5d: {  	_ =	swait.ge [sflag:s14], $0x400  }
0x5e: {  	[sflag:s14] =	ssyncset.done $0x0  }
0x5f: {  	[sflag:s14] =	ssyncadd.s32 $0xFFFFFC00  }
0x60: {  	_ =	swait.ge [sflag:s14], $0x400  }
0x61: {  	[sflag:s14] =	ssyncset.done $0x0  }
0x62: {  	[sflag:s14] =	ssyncadd.s32 $0xFFFFFC00  }
0x63: {  	_ =	swait.ge [sflag:s14], $0x400  }
0x64: {  	[sflag:s14] =	ssyncset.done $0x0  }
0x65: {  	[sflag:s14] =	ssyncadd.s32 $0xFFFFFC00  }
0x66: {  	_ =	swait.ge [sflag:s14], $0x400  }
0x67: {  	[sflag:s14] =	ssyncset.done $0x0  }
0x68: {  	[sflag:s14] =	ssyncadd.s32 $0xFFFFFC00  }
0x69: {  	_ =	swait.ge [sflag:s14], $0x400  }
0x6a: {  	[sflag:s14] =	ssyncset.done $0x0  }
0x6b: {  	[sflag:s14] =	ssyncadd.s32 $0xFFFFFC00  }
0x6c: {  	_ =	swait.ge [sflag:s14], $0x400  }
0x6d: {  	[sflag:s14] =	ssyncset.done $0x0  }
0x6e: {  	[sflag:s14] =	ssyncadd.s32 $0xFFFFFC00  }
0x6f: {  	_ =	swait.ge [sflag:s14], $0x400  }
0x70: {  	[sflag:s14] =	ssyncset.done $0x0  }
0x71: {  	[sflag:s14] =	ssyncadd.s32 $0xFFFFFC00  }
0x72: {  	_ =	swait.ge [sflag:s14], $0x400  }
0x73: {  	[sflag:s14] =	ssyncset.done $0x0  }
0x74: {  	[sflag:s14] =	ssyncadd.s32 $0xFFFFFC00  }
0x75: {  	_ =	swait.ge [sflag:s14], $0x400  }
0x76: {  	[sflag:s14] =	ssyncset.done $0x0  }
0x77: {  	[sflag:s14] =	ssyncadd.s32 $0xFFFFFC00  }
0x78: {  	_ =	swait.ge [sflag:s14], $0x400  }
0x79: {  	[sflag:s14] =	ssyncset.done $0x0  }
0x7a: {  	[sflag:s14] =	ssyncadd.s32 $0xFFFFFC00  }
0x7b: {  	_ =	swait.ge [sflag:s14], $0x400  }
0x7c: {  	[sflag:s14] =	ssyncset.done $0x0  }
0x7d: {  	[sflag:s14] =	ssyncadd.s32 $0xFFFFFC00  }
0x7e: {  	_ =	swait.ge [sflag:s14], $0x400  }
0x7f: {  	[sflag:s14] =	ssyncset.done $0x0  }
0x80: {  	[sflag:s14] =	ssyncadd.s32 $0xFFFFFC00  }
0x81: {  	_ =	swait.ge [sflag:s14], $0x400  }
0x82: {  	[sflag:s14] =	ssyncset.done $0x0  }
0x83: {  	[sflag:s14] =	ssyncadd.s32 $0xFFFFFC00  }
0x84: {  	_ =	swait.ge [sflag:s14], $0x400  }
0x85: {  	[sflag:s14] =	ssyncset.done $0x0  }
0x86: {  	[sflag:s14] =	ssyncadd.s32 $0xFFFFFC00  }
0x87: {  	_ =	swait.ge [sflag:s14], $0x400  }
0x88: {  	[sflag:s14] =	ssyncset.done $0x0  }
0x89: {  	[sflag:s14] =	ssyncadd.s32 $0xFFFFFC00  }
0x8a: {  	_ =	swait.ge [sflag:s14], $0x400  }
0x8b: {  	[sflag:s14] =	ssyncset.done $0x0  }
0x8c: {  	[sflag:s14] =	ssyncadd.s32 $0xFFFFFC00  }
0x8d: {  	_ =	swait.ge [sflag:s14], $0x400  }
0x8e: {  	[sflag:s14] =	ssyncset.done $0x0  }
0x8f: {  	[sflag:s14] =	ssyncadd.s32 $0xFFFFFC00  }
0x90: {  	_ =	swait.ge [sflag:s14], $0x400  }
0x91: {  	[sflag:s14] =	ssyncset.done $0x0  }
0x92: {  	[sflag:s14] =	ssyncadd.s32 $0xFFFFFC00  }
0x93: {  	_ =	swait.ge [sflag:s14], $0x400  }
0x94: {  	[sflag:s14] =	ssyncset.done $0x0  }
0x95: {  	[sflag:s14] =	ssyncadd.s32 $0xFFFFFC00  }
0x96: {  	_ =	swait.ge [sflag:s14], $0x400  }
0x97: {  	[sflag:s14] =	ssyncset.done $0x0  }
0x98: {  	[sflag:s14] =	ssyncadd.s32 $0xFFFFFC00  }
0x99: {  	_ =	swait.ge [sflag:s14], $0x400  }
0x9a: {  	[sflag:s14] =	ssyncset.done $0x0  }
0x9b: {  	[sflag:s14] =	ssyncadd.s32 $0xFFFFFC00  }
0x9c: {  	_ =	swait.ge [sflag:s15], $0x3200  }
0x9d: {  	p0 =	por $0x0, $0x0;
	s24 =	simm.s32 $0x80;
	[sflag:s15] =	ssyncset.done $0x0  }
0x9e: {  	s25 =	simm.s32 $0x9600;
	s20 =	simm.s32 $0x0;
	[sflag:s15] =	ssyncadd.s32 $0xFFFFCE00  }
0x9f: {  	[tilespmem:s25], [sflag:$0x2] =	stream.indirect.gather [hbm4b:s5+s24], $0x40, s3, s24, $0xb8;
	[tilespmem:$0x11A00] =	vst v63  }
.LBB2_2:
0xa0: {  	s21 =	sand.u32 $0x1, s20;
	_ =	swait.ge [sflag:s15], $0x2000;
	p1 =	seq.s32 s20, $0xC7  }
0xa1: {  	s19 =	sadd.s32 $0x1, s20;
	[sflag:s15] =	ssyncset.done $0x0;
	s22 =	sshll.u32 @!p1 s21, $0xD  }
0xa2: {  	s23 =	sshll.u32 @!p1 s19, $0x7;
	s24 =	simm.s32 @!p1 $0x80;
	p2 =	slt.u32 @!p1 s20, $0x2  }
0xa3: {  	[sflag:s15] =	ssyncadd.s32 $0xFFFFE000;
	s22 =	sxor.u32 @!p1 $0xB600, s22;
	s23 =	sand.u32 @!p1 $0xFF80, s23  }
0xa4: {  	[tilespmem:s22], [sflag:$0x2] =	stream.indirect.gather @!p1 [hbm4b:s5+s24], $0x40, s23, s24, $0xb8;
	[tilespmem:$0x11A00] =	vst v63  }
0xa5: {  	p1 =	por p1, !p2  }
0xa6: {  	_ =	swait.ge @p1 [sflag:s16], $0x400  }
0xa7: {  	[sflag:s16] =	ssyncset.done @p1 $0x0  }
0xa8: {  	[sflag:s16] =	ssyncadd.s32 @p1 $0xFFFFFC00  }
0xa9: {  	_ =	swait.ge @p1 [sflag:s16], $0x400  }
0xaa: {  	[sflag:s16] =	ssyncset.done @p1 $0x0  }
0xab: {  	[sflag:s16] =	ssyncadd.s32 @p1 $0xFFFFFC00  }
0xac: {  	_ =	swait.ge @p1 [sflag:s16], $0x400  }
0xad: {  	[sflag:s16] =	ssyncset.done @p1 $0x0  }
0xae: {  	[sflag:s16] =	ssyncadd.s32 @p1 $0xFFFFFC00  }
0xaf: {  	_ =	swait.ge @p1 [sflag:s16], $0x400  }
0xb0: {  	[sflag:s16] =	ssyncset.done @p1 $0x0  }
0xb1: {  	[sflag:s16] =	ssyncadd.s32 @p1 $0xFFFFFC00  }
0xb2: {  	_ =	swait.ge @p1 [sflag:s16], $0x400  }
0xb3: {  	[sflag:s16] =	ssyncset.done @p1 $0x0  }
0xb4: {  	[sflag:s16] =	ssyncadd.s32 @p1 $0xFFFFFC00  }
0xb5: {  	_ =	swait.ge @p1 [sflag:s16], $0x400  }
0xb6: {  	[sflag:s16] =	ssyncset.done @p1 $0x0  }
0xb7: {  	[sflag:s16] =	ssyncadd.s32 @p1 $0xFFFFFC00  }
0xb8: {  	_ =	swait.ge @p1 [sflag:s16], $0x400  }
0xb9: {  	[sflag:s16] =	ssyncset.done @p1 $0x0  }
0xba: {  	v4 =	vmov s21;
	s22 =	simm.s32 $0x1;
	[sflag:s16] =	ssyncadd.s32 @p1 $0xFFFFFC00  }
0xbb: {  	v4 =	vmul.u32 $0x2200, v4;
	s22 =	simm.s32 @!p0 $0x0;
	_ =	swait.ge @p1 [sflag:s16], $0x400  }
0xbc: {  	s25 =	sshll.u32 s20, $0x6;
	s24 =	sshll.u32 s22, $0xD;
	[sflag:s16] =	ssyncset.done @p1 $0x0  }
0xbd: {  	v7 =	vbroadcast v4, $0x0;
	s22 =	sand.u32 $0x3FFFFFC0, s25;
	s25 =	simm.s32 $0x0;
	[sflag:s16] =	ssyncadd.s32 @p1 $0xFFFFFC00  }
0xbe: {  	s23 =	sor.u32 $0x9620, s24;
	v5 =	vmov s25;
	v6 =	vld [tilespmem:s22+$0x6400]  }
0xbf: {  	v4 =	vadd.s32 v0, v7;
	v9 =	vand.u32 $0x78, v5;
	v8 =	vld [tilespmem:s23+$0xFFFFFFE0]  }
0xc0: {  	v10 =	vand.u32 $0x7, v5;
	v5 =	vadd.s32 v4, v9  }
0xc1: {  	v5 =	vor.u32 v10, v5;
	_ =	sdelay $0x2  }
0xc2: {  	v6 =	vadd.f32 v6, v8;
	_ =	sdelay $0x1  }
0xc3: {  	[tilespmem:v5+s17+$0x0] =	vst.idx.msk $0xffff, v6  }
0xc4: {  	v6 =	vld [tilespmem:s23+$0xFFFFFFF0]  }
0xc5: {  	v5 =	vadd.s32 v1, v7;
	v8 =	vld [tilespmem:s22+$0x6410]  }
0xc6: {  	v11 =	vadd.s32 v5, v9  }
0xc7: {  	v11 =	vor.u32 v10, v11;
	_ =	sdelay $0x2  }
0xc8: {  	v6 =	vadd.f32 v8, v6;
	_ =	sdelay $0x1  }
0xc9: {  	[tilespmem:v11+s17+$0x0] =	vst.idx.msk $0xffff, v6  }
0xca: {  	v8 =	vld [tilespmem:s23+$0x0]  }
0xcb: {  	v6 =	vadd.s32 v2, v7;
	v11 =	vld [tilespmem:s22+$0x6420]  }
0xcc: {  	v12 =	vadd.s32 v6, v9  }
0xcd: {  	v12 =	vor.u32 v10, v12;
	_ =	sdelay $0x2  }
0xce: {  	v8 =	vadd.f32 v11, v8;
	_ =	sdelay $0x1  }
0xcf: {  	v7 =	vadd.s32 v3, v7;
	[tilespmem:v12+s17+$0x0] =	vst.idx.msk $0xffff, v8  }
0xd0: {  	v8 =	vadd.s32 v7, v9;
	v9 =	vld [tilespmem:s23+$0x10]  }
0xd1: {  	s24 =	simm.s32 $0x1;
	v8 =	vor.u32 v10, v8;
	v10 =	vld [tilespmem:s22+$0x6430]  }
.LBB2_3:
0xd2: {  	_ =	sdelay $0x1  }
0xd3: {  	p1 =	sne.s32 s24, $0x7F  }
0xd4: {  	s23 =	sadd.s32 $0x40, s23;
	s25 =	smov.u32 s24;
	s24 =	sadd.s32 $0x1, s24  }
0xd5: {  	v9 =	vadd.f32 v10, v9;
	_ =	sdelay $0x1  }
0xd6: {  	[tilespmem:v8+s17+$0x0] =	vst.idx.msk $0xffff, v9  }
0xd7: {  	v8 =	vmov s25;
	v9 =	vld [tilespmem:s22+$0x6400]  }
0xd8: {  	v11 =	vand.u32 $0x78, v8;
	v10 =	vld [tilespmem:s23+$0xFFFFFFE0]  }
0xd9: {  	v8 =	vand.u32 $0x7, v8;
	v12 =	vadd.s32 v4, v11;
	v13 =	vadd.s32 v5, v11  }
0xda: {  	v14 =	vadd.s32 v6, v11;
	v12 =	vor.u32 v8, v12;
	v13 =	vor.u32 v8, v13  }
0xdb: {  	v11 =	vadd.s32 v7, v11;
	v14 =	vor.u32 v8, v14  }
0xdc: {  	v8 =	vor.u32 v8, v11  }
0xdd: {  	v9 =	vadd.f32 v9, v10;
	_ =	sdelay $0x1  }
0xde: {  	[tilespmem:v12+s17+$0x0] =	vst.idx.msk $0xffff, v9  }
0xdf: {  	v9 =	vld [tilespmem:s23+$0xFFFFFFF0]  }
0xe0: {  	v10 =	vld [tilespmem:s22+$0x6410];
	_ =	sdelay $0x4  }
0xe1: {  	v9 =	vadd.f32 v10, v9;
	_ =	sdelay $0x1  }
0xe2: {  	[tilespmem:v13+s17+$0x0] =	vst.idx.msk $0xffff, v9  }
0xe3: {  	v9 =	vld [tilespmem:s23+$0x0]  }
0xe4: {  	v10 =	vld [tilespmem:s22+$0x6420];
	_ =	sdelay $0x4  }
.Ltmp0:
0xe5: {  	v9 =	vadd.f32 v10, v9;
	(pc) =	sbr.rel @p1 .LBB2_3-.Ltmp0, $4  }
0xe6: {  	_ = 	snop  }
0xe7: {  	[tilespmem:v14+s17+$0x0] =	vst.idx.msk $0xffff, v9  }
0xe8: {  	v9 =	vld [tilespmem:s23+$0x10]  }
0xe9: {  	v10 =	vld [tilespmem:s22+$0x6430]  }
0xea: {  	_ =	sdelay $0x2  }
0xeb: {  	s20 =	sshll.u32 s20, $0x12;
	s22 =	smul.u32 $0x8800, s21  }
0xec: {  	s20 =	sor.u32 s4, s20;
	v4 =	vadd.f32 v10, v9  }
0xed: {  	s21 =	sshrl.u32 s20, $0x3;
	s20 =	sshrl.u32 s22, $0x2  }
0xee: {  	s22 =	sadd.s32 s2, s21;
	s23 =	sadd.s32 $0xD600, s20;
	[tilespmem:v8+s17+$0x0] =	vst.idx.msk $0xffff, v4  }
0xef: {  	[hbm4b:s22+s3] =	stream.linear.scatter [tilespmem:s23], [sflag:$0x3], $0x80, $0x38;
	[tilespmem:$0x11A00] =	vst v63  }
0xf0: {  	s25 =	sadd.s32 $0xD688, s20;
	s24 =	sadd.s32 $0x10, s22  }
0xf1: {  	[hbm4b:s24+s3] =	stream.linear.scatter [tilespmem:s25], [sflag:$0x3], $0x80, $0x38;
	[tilespmem:$0x11A00] =	vst v63  }
0xf2: {  	s24 =	sadd.s32 $0xD710, s20;
	s25 =	sadd.s32 $0x20, s22  }
0xf3: {  	[hbm4b:s25+s3] =	stream.linear.scatter [tilespmem:s24], [sflag:$0x3], $0x80, $0x38;
	[tilespmem:$0x11A00] =	vst v63  }
0xf4: {  	s24 =	sadd.s32 $0xD798, s20;
	s25 =	sadd.s32 $0x30, s22  }
0xf5: {  	[hbm4b:s25+s3] =	stream.linear.scatter [tilespmem:s24], [sflag:$0x3], $0x80, $0x38;
	[tilespmem:$0x11A00] =	vst v63  }
0xf6: {  	s24 =	sadd.s32 $0xD820, s20;
	s25 =	sadd.s32 $0x40, s22  }
0xf7: {  	[hbm4b:s25+s3] =	stream.linear.scatter [tilespmem:s24], [sflag:$0x3], $0x80, $0x38;
	[tilespmem:$0x11A00] =	vst v63  }
0xf8: {  	s24 =	sadd.s32 $0xD8A8, s20;
	s25 =	sadd.s32 $0x50, s22  }
0xf9: {  	[hbm4b:s25+s3] =	stream.linear.scatter [tilespmem:s24], [sflag:$0x3], $0x80, $0x38;
	[tilespmem:$0x11A00] =	vst v63  }
0xfa: {  	s24 =	sadd.s32 $0xD930, s20;
	s25 =	sadd.s32 $0x60, s22  }
0xfb: {  	[hbm4b:s25+s3] =	stream.linear.scatter [tilespmem:s24], [sflag:$0x3], $0x80, $0x38;
	[tilespmem:$0x11A00] =	vst v63  }
0xfc: {  	s22 =	sadd.s32 $0x70, s22;
	s24 =	sadd.s32 $0xD9B8, s20  }
0xfd: {  	[hbm4b:s22+s3] =	stream.linear.scatter [tilespmem:s24], [sflag:$0x3], $0x80, $0x38;
	[tilespmem:$0x11A00] =	vst v63  }
0xfe: {  	s25 =	sadd.s32 $0xDA40, s20;
	s22 =	sadd.s32 s21, s7  }
0xff: {  	[hbm4b:s22+s3] =	stream.linear.scatter [tilespmem:s25], [sflag:$0x3], $0x80, $0x38;
	[tilespmem:$0x11A00] =	vst v63  }
0x100: {  	s24 =	sadd.s32 $0xDAC8, s20;
	s25 =	sadd.s32 $0x10, s22  }
0x101: {  	[hbm4b:s25+s3] =	stream.linear.scatter [tilespmem:s24], [sflag:$0x3], $0x80, $0x38;
	[tilespmem:$0x11A00] =	vst v63  }
0x102: {  	s24 =	sadd.s32 $0xDB50, s20;
	s25 =	sadd.s32 $0x20, s22  }
0x103: {  	[hbm4b:s25+s3] =	stream.linear.scatter [tilespmem:s24], [sflag:$0x3], $0x80, $0x38;
	[tilespmem:$0x11A00] =	vst v63  }
0x104: {  	s24 =	sadd.s32 $0xDBD8, s20;
	s25 =	sadd.s32 $0x30, s22  }
0x105: {  	[hbm4b:s25+s3] =	stream.linear.scatter [tilespmem:s24], [sflag:$0x3], $0x80, $0x38;
	[tilespmem:$0x11A00] =	vst v63  }
0x106: {  	s24 =	sadd.s32 $0xDC60, s20;
	s25 =	sadd.s32 $0x40, s22  }
0x107: {  	[hbm4b:s25+s3] =	stream.linear.scatter [tilespmem:s24], [sflag:$0x3], $0x80, $0x38;
	[tilespmem:$0x11A00] =	vst v63  }
0x108: {  	s24 =	sadd.s32 $0xDCE8, s20;
	s25 =	sadd.s32 $0x50, s22  }
0x109: {  	[hbm4b:s25+s3] =	stream.linear.scatter [tilespmem:s24], [sflag:$0x3], $0x80, $0x38;
	[tilespmem:$0x11A00] =	vst v63  }
0x10a: {  	s24 =	sadd.s32 $0xDD70, s20;
	s25 =	sadd.s32 $0x60, s22  }
0x10b: {  	[hbm4b:s25+s3] =	stream.linear.scatter [tilespmem:s24], [sflag:$0x3], $0x80, $0x38;
	[tilespmem:$0x11A00] =	vst v63  }
0x10c: {  	s22 =	sadd.s32 $0x70, s22;
	s24 =	sadd.s32 $0xDDF8, s20  }
0x10d: {  	[hbm4b:s22+s3] =	stream.linear.scatter [tilespmem:s24], [sflag:$0x3], $0x80, $0x38;
	[tilespmem:$0x11A00] =	vst v63  }
0x10e: {  	s25 =	sadd.s32 $0xDE80, s20;
	s22 =	sadd.s32 s21, s8  }
0x10f: {  	[hbm4b:s22+s3] =	stream.linear.scatter [tilespmem:s25], [sflag:$0x3], $0x80, $0x38;
	[tilespmem:$0x11A00] =	vst v63  }
0x110: {  	s24 =	sadd.s32 $0xDF08, s20;
	s25 =	sadd.s32 $0x10, s22  }
0x111: {  	[hbm4b:s25+s3] =	stream.linear.scatter [tilespmem:s24], [sflag:$0x3], $0x80, $0x38;
	[tilespmem:$0x11A00] =	vst v63  }
0x112: {  	s24 =	sadd.s32 $0xDF90, s20;
	s25 =	sadd.s32 $0x20, s22  }
0x113: {  	[hbm4b:s25+s3] =	stream.linear.scatter [tilespmem:s24], [sflag:$0x3], $0x80, $0x38;
	[tilespmem:$0x11A00] =	vst v63  }
0x114: {  	s24 =	sadd.s32 $0xE018, s20;
	s25 =	sadd.s32 $0x30, s22  }
0x115: {  	[hbm4b:s25+s3] =	stream.linear.scatter [tilespmem:s24], [sflag:$0x3], $0x80, $0x38;
	[tilespmem:$0x11A00] =	vst v63  }
0x116: {  	s24 =	sadd.s32 $0xE0A0, s20;
	s25 =	sadd.s32 $0x40, s22  }
0x117: {  	[hbm4b:s25+s3] =	stream.linear.scatter [tilespmem:s24], [sflag:$0x3], $0x80, $0x38;
	[tilespmem:$0x11A00] =	vst v63  }
0x118: {  	s24 =	sadd.s32 $0xE128, s20;
	s25 =	sadd.s32 $0x50, s22  }
0x119: {  	[hbm4b:s25+s3] =	stream.linear.scatter [tilespmem:s24], [sflag:$0x3], $0x80, $0x38;
	[tilespmem:$0x11A00] =	vst v63  }
0x11a: {  	s24 =	sadd.s32 $0xE1B0, s20;
	s25 =	sadd.s32 $0x60, s22  }
0x11b: {  	[hbm4b:s25+s3] =	stream.linear.scatter [tilespmem:s24], [sflag:$0x3], $0x80, $0x38;
	[tilespmem:$0x11A00] =	vst v63  }
0x11c: {  	s22 =	sadd.s32 $0x70, s22;
	s24 =	sadd.s32 $0xE238, s20  }
0x11d: {  	[hbm4b:s22+s3] =	stream.linear.scatter [tilespmem:s24], [sflag:$0x3], $0x80, $0x38;
	[tilespmem:$0x11A00] =	vst v63  }
0x11e: {  	s25 =	sadd.s32 $0xE2C0, s20;
	s22 =	sadd.s32 s21, s9  }
0x11f: {  	[hbm4b:s22+s3] =	stream.linear.scatter [tilespmem:s25], [sflag:$0x3], $0x80, $0x38;
	[tilespmem:$0x11A00] =	vst v63  }
0x120: {  	s24 =	sadd.s32 $0xE348, s20;
	s25 =	sadd.s32 $0x10, s22  }
0x121: {  	[hbm4b:s25+s3] =	stream.linear.scatter [tilespmem:s24], [sflag:$0x3], $0x80, $0x38;
	[tilespmem:$0x11A00] =	vst v63  }
0x122: {  	s24 =	sadd.s32 $0xE3D0, s20;
	s25 =	sadd.s32 $0x20, s22  }
0x123: {  	[hbm4b:s25+s3] =	stream.linear.scatter [tilespmem:s24], [sflag:$0x3], $0x80, $0x38;
	[tilespmem:$0x11A00] =	vst v63  }
0x124: {  	s24 =	sadd.s32 $0xE458, s20;
	s25 =	sadd.s32 $0x30, s22  }
0x125: {  	[hbm4b:s25+s3] =	stream.linear.scatter [tilespmem:s24], [sflag:$0x3], $0x80, $0x38;
	[tilespmem:$0x11A00] =	vst v63  }
0x126: {  	s24 =	sadd.s32 $0xE4E0, s20;
	s25 =	sadd.s32 $0x40, s22  }
0x127: {  	[hbm4b:s25+s3] =	stream.linear.scatter [tilespmem:s24], [sflag:$0x3], $0x80, $0x38;
	[tilespmem:$0x11A00] =	vst v63  }
0x128: {  	s24 =	sadd.s32 $0xE568, s20;
	s25 =	sadd.s32 $0x50, s22  }
0x129: {  	[hbm4b:s25+s3] =	stream.linear.scatter [tilespmem:s24], [sflag:$0x3], $0x80, $0x38;
	[tilespmem:$0x11A00] =	vst v63  }
0x12a: {  	s24 =	sadd.s32 $0xE5F0, s20;
	s25 =	sadd.s32 $0x60, s22  }
0x12b: {  	[hbm4b:s25+s3] =	stream.linear.scatter [tilespmem:s24], [sflag:$0x3], $0x80, $0x38;
	[tilespmem:$0x11A00] =	vst v63  }
0x12c: {  	s22 =	sadd.s32 $0x70, s22;
	s24 =	sadd.s32 $0xE678, s20  }
0x12d: {  	[hbm4b:s22+s3] =	stream.linear.scatter [tilespmem:s24], [sflag:$0x3], $0x80, $0x38;
	[tilespmem:$0x11A00] =	vst v63  }
0x12e: {  	s25 =	sadd.s32 $0xE700, s20;
	s22 =	sadd.s32 s21, s10  }
0x12f: {  	[hbm4b:s22+s3] =	stream.linear.scatter [tilespmem:s25], [sflag:$0x3], $0x80, $0x38;
	[tilespmem:$0x11A00] =	vst v63  }
0x130: {  	s24 =	sadd.s32 $0xE788, s20;
	s25 =	sadd.s32 $0x10, s22  }
0x131: {  	[hbm4b:s25+s3] =	stream.linear.scatter [tilespmem:s24], [sflag:$0x3], $0x80, $0x38;
	[tilespmem:$0x11A00] =	vst v63  }
0x132: {  	s24 =	sadd.s32 $0xE810, s20;
	s25 =	sadd.s32 $0x20, s22  }
0x133: {  	[hbm4b:s25+s3] =	stream.linear.scatter [tilespmem:s24], [sflag:$0x3], $0x80, $0x38;
	[tilespmem:$0x11A00] =	vst v63  }
0x134: {  	s24 =	sadd.s32 $0xE898, s20;
	s25 =	sadd.s32 $0x30, s22  }
0x135: {  	[hbm4b:s25+s3] =	stream.linear.scatter [tilespmem:s24], [sflag:$0x3], $0x80, $0x38;
	[tilespmem:$0x11A00] =	vst v63  }
0x136: {  	s24 =	sadd.s32 $0xE920, s20;
	s25 =	sadd.s32 $0x40, s22  }
0x137: {  	[hbm4b:s25+s3] =	stream.linear.scatter [tilespmem:s24], [sflag:$0x3], $0x80, $0x38;
	[tilespmem:$0x11A00] =	vst v63  }
0x138: {  	s24 =	sadd.s32 $0xE9A8, s20;
	s25 =	sadd.s32 $0x50, s22  }
0x139: {  	[hbm4b:s25+s3] =	stream.linear.scatter [tilespmem:s24], [sflag:$0x3], $0x80, $0x38;
	[tilespmem:$0x11A00] =	vst v63  }
0x13a: {  	s24 =	sadd.s32 $0xEA30, s20;
	s25 =	sadd.s32 $0x60, s22  }
0x13b: {  	[hbm4b:s25+s3] =	stream.linear.scatter [tilespmem:s24], [sflag:$0x3], $0x80, $0x38;
	[tilespmem:$0x11A00] =	vst v63  }
0x13c: {  	s22 =	sadd.s32 $0x70, s22;
	s24 =	sadd.s32 $0xEAB8, s20  }
0x13d: {  	[hbm4b:s22+s3] =	stream.linear.scatter [tilespmem:s24], [sflag:$0x3], $0x80, $0x38;
	[tilespmem:$0x11A00] =	vst v63  }
0x13e: {  	s25 =	sadd.s32 $0xEB40, s20;
	s22 =	sadd.s32 s21, s11  }
0x13f: {  	[hbm4b:s22+s3] =	stream.linear.scatter [tilespmem:s25], [sflag:$0x3], $0x80, $0x38;
	[tilespmem:$0x11A00] =	vst v63  }
0x140: {  	s24 =	sadd.s32 $0xEBC8, s20;
	s25 =	sadd.s32 $0x10, s22  }
0x141: {  	[hbm4b:s25+s3] =	stream.linear.scatter [tilespmem:s24], [sflag:$0x3], $0x80, $0x38;
	[tilespmem:$0x11A00] =	vst v63  }
0x142: {  	s24 =	sadd.s32 $0xEC50, s20;
	s25 =	sadd.s32 $0x20, s22  }
0x143: {  	[hbm4b:s25+s3] =	stream.linear.scatter [tilespmem:s24], [sflag:$0x3], $0x80, $0x38;
	[tilespmem:$0x11A00] =	vst v63  }
0x144: {  	s24 =	sadd.s32 $0xECD8, s20;
	s25 =	sadd.s32 $0x30, s22  }
0x145: {  	[hbm4b:s25+s3] =	stream.linear.scatter [tilespmem:s24], [sflag:$0x3], $0x80, $0x38;
	[tilespmem:$0x11A00] =	vst v63  }
0x146: {  	s24 =	sadd.s32 $0xED60, s20;
	s25 =	sadd.s32 $0x40, s22  }
0x147: {  	[hbm4b:s25+s3] =	stream.linear.scatter [tilespmem:s24], [sflag:$0x3], $0x80, $0x38;
	[tilespmem:$0x11A00] =	vst v63  }
0x148: {  	s24 =	sadd.s32 $0xEDE8, s20;
	s25 =	sadd.s32 $0x50, s22  }
0x149: {  	[hbm4b:s25+s3] =	stream.linear.scatter [tilespmem:s24], [sflag:$0x3], $0x80, $0x38;
	[tilespmem:$0x11A00] =	vst v63  }
0x14a: {  	s24 =	sadd.s32 $0xEE70, s20;
	s25 =	sadd.s32 $0x60, s22  }
0x14b: {  	[hbm4b:s25+s3] =	stream.linear.scatter [tilespmem:s24], [sflag:$0x3], $0x80, $0x38;
	[tilespmem:$0x11A00] =	vst v63  }
0x14c: {  	s22 =	sadd.s32 $0x70, s22;
	s24 =	sadd.s32 $0xEEF8, s20  }
0x14d: {  	[hbm4b:s22+s3] =	stream.linear.scatter [tilespmem:s24], [sflag:$0x3], $0x80, $0x38;
	[tilespmem:$0x11A00] =	vst v63  }
0x14e: {  	s25 =	sadd.s32 $0xEF80, s20;
	s22 =	sadd.s32 s21, s12  }
0x14f: {  	[hbm4b:s22+s3] =	stream.linear.scatter [tilespmem:s25], [sflag:$0x3], $0x80, $0x38;
	[tilespmem:$0x11A00] =	vst v63  }
0x150: {  	s24 =	sadd.s32 $0xF008, s20;
	s25 =	sadd.s32 $0x10, s22  }
0x151: {  	[hbm4b:s25+s3] =	stream.linear.scatter [tilespmem:s24], [sflag:$0x3], $0x80, $0x38;
	[tilespmem:$0x11A00] =	vst v63  }
0x152: {  	s24 =	sadd.s32 $0xF090, s20;
	s25 =	sadd.s32 $0x20, s22  }
0x153: {  	[hbm4b:s25+s3] =	stream.linear.scatter [tilespmem:s24], [sflag:$0x3], $0x80, $0x38;
	[tilespmem:$0x11A00] =	vst v63  }
0x154: {  	s24 =	sadd.s32 $0xF118, s20;
	s25 =	sadd.s32 $0x30, s22  }
0x155: {  	[hbm4b:s25+s3] =	stream.linear.scatter [tilespmem:s24], [sflag:$0x3], $0x80, $0x38;
	[tilespmem:$0x11A00] =	vst v63  }
0x156: {  	s24 =	sadd.s32 $0xF1A0, s20;
	s25 =	sadd.s32 $0x40, s22  }
0x157: {  	[hbm4b:s25+s3] =	stream.linear.scatter [tilespmem:s24], [sflag:$0x3], $0x80, $0x38;
	[tilespmem:$0x11A00] =	vst v63  }
0x158: {  	s24 =	sadd.s32 $0xF228, s20;
	s25 =	sadd.s32 $0x50, s22  }
0x159: {  	[hbm4b:s25+s3] =	stream.linear.scatter [tilespmem:s24], [sflag:$0x3], $0x80, $0x38;
	[tilespmem:$0x11A00] =	vst v63  }
0x15a: {  	s24 =	sadd.s32 $0xF2B0, s20;
	s25 =	sadd.s32 $0x60, s22  }
0x15b: {  	[hbm4b:s25+s3] =	stream.linear.scatter [tilespmem:s24], [sflag:$0x3], $0x80, $0x38;
	[tilespmem:$0x11A00] =	vst v63  }
0x15c: {  	s22 =	sadd.s32 $0x70, s22;
	s25 =	sadd.s32 $0xF338, s20  }
0x15d: {  	[hbm4b:s22+s3] =	stream.linear.scatter [tilespmem:s25], [sflag:$0x3], $0x80, $0x38;
	[tilespmem:$0x11A00] =	vst v63  }
0x15e: {  	s23 =	sadd.s32 $0xF3C0, s20;
	s21 =	sadd.s32 s21, s13  }
0x15f: {  	[hbm4b:s21+s3] =	stream.linear.scatter [tilespmem:s23], [sflag:$0x3], $0x80, $0x38;
	[tilespmem:$0x11A00] =	vst v63  }
0x160: {  	s24 =	sadd.s32 $0xF448, s20;
	s25 =	sadd.s32 $0x10, s21  }
0x161: {  	[hbm4b:s25+s3] =	stream.linear.scatter [tilespmem:s24], [sflag:$0x3], $0x80, $0x38;
	[tilespmem:$0x11A00] =	vst v63  }
0x162: {  	s24 =	sadd.s32 $0xF4D0, s20;
	s25 =	sadd.s32 $0x20, s21  }
0x163: {  	[hbm4b:s25+s3] =	stream.linear.scatter [tilespmem:s24], [sflag:$0x3], $0x80, $0x38;
	[tilespmem:$0x11A00] =	vst v63  }
0x164: {  	s24 =	sadd.s32 $0xF558, s20;
	s25 =	sadd.s32 $0x30, s21  }
0x165: {  	[hbm4b:s25+s3] =	stream.linear.scatter [tilespmem:s24], [sflag:$0x3], $0x80, $0x38;
	[tilespmem:$0x11A00] =	vst v63  }
0x166: {  	s24 =	sadd.s32 $0xF5E0, s20;
	s25 =	sadd.s32 $0x40, s21  }
0x167: {  	[hbm4b:s25+s3] =	stream.linear.scatter [tilespmem:s24], [sflag:$0x3], $0x80, $0x38;
	[tilespmem:$0x11A00] =	vst v63  }
0x168: {  	p1 =	sne.s32 s19, $0xC8;
	s24 =	sadd.s32 $0xF668, s20;
	s25 =	sadd.s32 $0x50, s21  }
0x169: {  	[hbm4b:s25+s3] =	stream.linear.scatter [tilespmem:s24], [sflag:$0x3], $0x80, $0x38;
	[tilespmem:$0x11A00] =	vst v63  }
.Ltmp1:
0x16a: {  	s24 =	sadd.s32 $0xF6F0, s20;
	s25 =	sadd.s32 $0x60, s21;
	(pc) =	sbr.rel @p1 .LBB2_2-.Ltmp1, $4  }
0x16b: {  	[hbm4b:s25+s3] =	stream.linear.scatter [tilespmem:s24], [sflag:$0x3], $0x80, $0x38;
	[tilespmem:$0x11A00] =	vst v63  }
0x16c: {  	s20 =	sadd.s32 $0xF778, s20;
	s21 =	sadd.s32 $0x70, s21  }
0x16d: {  	[hbm4b:s21+s3] =	stream.linear.scatter [tilespmem:s20], [sflag:$0x3], $0x80, $0x38;
	[tilespmem:$0x11A00] =	vst v63  }
0x16e: {  	p0 =	por !p0, !p0;
	s20 =	smov.u32 s19  }
0x16f: {  	_ =	swait.ge [sflag:s16], $0x400  }
0x170: {  	[sflag:s16] =	ssyncset.done $0x0  }
0x171: {  	[sflag:s16] =	ssyncadd.s32 $0xFFFFFC00  }
0x172: {  	_ =	swait.ge [sflag:s16], $0x400  }
0x173: {  	[sflag:s16] =	ssyncset.done $0x0  }
0x174: {  	[sflag:s16] =	ssyncadd.s32 $0xFFFFFC00  }
0x175: {  	_ =	swait.ge [sflag:s16], $0x400  }
0x176: {  	[sflag:s16] =	ssyncset.done $0x0  }
0x177: {  	[sflag:s16] =	ssyncadd.s32 $0xFFFFFC00  }
0x178: {  	_ =	swait.ge [sflag:s16], $0x400  }
0x179: {  	[sflag:s16] =	ssyncset.done $0x0  }
0x17a: {  	[sflag:s16] =	ssyncadd.s32 $0xFFFFFC00  }
0x17b: {  	_ =	swait.ge [sflag:s16], $0x400  }
0x17c: {  	[sflag:s16] =	ssyncset.done $0x0  }
0x17d: {  	[sflag:s16] =	ssyncadd.s32 $0xFFFFFC00  }
0x17e: {  	_ =	swait.ge [sflag:s16], $0x400  }
0x17f: {  	[sflag:s16] =	ssyncset.done $0x0  }
0x180: {  	[sflag:s16] =	ssyncadd.s32 $0xFFFFFC00  }
0x181: {  	_ =	swait.ge [sflag:s16], $0x400  }
0x182: {  	[sflag:s16] =	ssyncset.done $0x0  }
0x183: {  	[sflag:s16] =	ssyncadd.s32 $0xFFFFFC00  }
0x184: {  	_ =	swait.ge [sflag:s16], $0x400  }
0x185: {  	[sflag:s16] =	ssyncset.done $0x0  }
0x186: {  	[sflag:s16] =	ssyncadd.s32 $0xFFFFFC00  }
0x187: {  	_ =	swait.ge [sflag:s16], $0x400  }
0x188: {  	[sflag:s16] =	ssyncset.done $0x0  }
0x189: {  	[sflag:s16] =	ssyncadd.s32 $0xFFFFFC00  }
0x18a: {  	_ =	swait.ge [sflag:s16], $0x400  }
0x18b: {  	[sflag:s16] =	ssyncset.done $0x0  }
0x18c: {  	[sflag:s16] =	ssyncadd.s32 $0xFFFFFC00  }
0x18d: {  	_ =	swait.ge [sflag:s16], $0x400  }
0x18e: {  	[sflag:s16] =	ssyncset.done $0x0  }
0x18f: {  	[sflag:s16] =	ssyncadd.s32 $0xFFFFFC00  }
0x190: {  	_ =	swait.ge [sflag:s16], $0x400  }
0x191: {  	[sflag:s16] =	ssyncset.done $0x0  }
0x192: {  	[sflag:s16] =	ssyncadd.s32 $0xFFFFFC00  }
0x193: {  	_ =	swait.ge [sflag:s16], $0x400  }
0x194: {  	[sflag:s16] =	ssyncset.done $0x0  }
0x195: {  	[sflag:s16] =	ssyncadd.s32 $0xFFFFFC00  }
0x196: {  	_ =	swait.ge [sflag:s16], $0x400  }
0x197: {  	[sflag:s16] =	ssyncset.done $0x0  }
0x198: {  	[sflag:s16] =	ssyncadd.s32 $0xFFFFFC00  }
0x199: {  	_ =	swait.ge [sflag:s16], $0x400  }
0x19a: {  	[sflag:s16] =	ssyncset.done $0x0  }
0x19b: {  	[sflag:s16] =	ssyncadd.s32 $0xFFFFFC00  }
0x19c: {  	_ =	swait.ge [sflag:s16], $0x400  }
0x19d: {  	s18 =	sadd.s32 $0x1, s18;
	s19 =	rddreg [dreg:$0x16]  }
0x19e: {  	p0 =	sne.s32 s18, s19  }
.Ltmp2:
0x19f: {  	_ = 	snop;
	(pc) =	sbr.rel @p0 .LBB2_1-.Ltmp2, $3  }
0x1a0: {  	_ =	sdelay $0x1  }
0x1a1: {  	[sflag:s16] =	ssyncset.done $0x0  }
0x1a2: {  	[sflag:s16] =	ssyncadd.s32 $0xFFFFFC00  }
0x1a3: {  	_ =	sfence.sel $0x180000  }
0x1a4: {  	[bflag:$0x0] =	sbarrier.arrive $0xFFFF  }
0x1a5: {  	_ =	strace $0x90000047  }
0x1a6: {  	s0 =	stileid.u32;
	[bflag:$0x2] =	sbarrier.arrive $0xFFFF  }
0x1a7: {  	p0 =	sne.s32 s0, $0x0;
	s0 =	rddreg [dreg:$0x3]  }
0x1a8: {  	s0 =	sadd.s32 @!p0 $0x100000, s0  }
0x1a9: {  	[sflag:s0] =	ssyncadd.tile.s32 @!p0 $0x1;
	_ =	shalt  }
.Lfunc_end2:
_tile_overlayer_lowered:
.L_overlay_start_2:
0x1aa: {  	(tag) =	ssettag $0x2  }
0x1ab: {  	s0 =	rddreg [dreg:$0x0];
	s2 =	stileid.u32  }
0x1ac: {  	s1 =	rddreg [dreg:$0x1];
	p0 =	sne.s32 s2, $0x0  }
0x1ad: {  	s3 =	rddreg [dreg:$0x2];
	[bflag:$0x3] =	sbarrier.arrive $0xFFFF;
	s2 =	simm.s32 @!p0 $0x1C04  }
0x1ae: {  	[timem:s3], [sflag:s2] =	dma.local @!p0 [hbm:s0], s1  }
0x1af: {  	s0 =	simm.s32 @!p0 $0x4  }
0x1b0: {  	_ =	swait.ge @!p0 [sflag:s0], s1  }
0x1b1: {  	s1 =	ssub.s32 @!p0 $0x0, s1;
	[sflag:s0] =	ssyncset.done @!p0 $0x0  }
0x1b2: {  	[sflag:s0] =	ssyncadd.s32 @!p0 s1  }
0x1b3: {  	[bflag:$0x3] =	sbarrier.arrive $0xFFFF  }
0x1b4: {  	_ =	shalt  }

</sc_bundles>
